<compile_context>
chip_gen: v7x
topology: tpu7x:2x2x1
jax: 0.10.2.dev20260603
libtpu: 0.0.44.dev20260713+nightly
codegen_flags: <defaults>
</compile_context>

<pallas_src>
import functools

import jax
import jax.numpy as jnp
from jax import lax
from jax.experimental import pallas as pl
from jax.experimental.pallas import tpu as pltpu
from jax.experimental.pallas import tpu_sc as plsc

K = 16
F = 16
L = 16
NC = 2
NS = 16
NW = NC * NS
CV = 160
CE = CV * K
GRP = CV // L

_mesh = plsc.VectorSubcoreMesh(
    core_axis_name="c", subcore_axis_name="s",
    num_cores=NC, num_subcores=NS)
_params = pltpu.CompilerParams(use_tc_tiling_on_sc=False,
                               needs_layout_passes=False)


def _worker_range(nch_total):
    wid = lax.axis_index("s") * NC + lax.axis_index("c")
    base = nch_total // NW
    rem = nch_total - base * NW
    cnt = base + jnp.where(wid < rem, 1, 0)
    start = base * wid + jnp.minimum(wid, rem)
    return start, cnt


def _iota16():
    return lax.iota(jnp.int32, L)


def _cgather(ref, row, cols):
    return plsc.load_gather(ref, [jnp.full((L,), row, jnp.int32), cols])


def _sc_build_table(p_t, r_t, n):
    nch_total = n // CV

    @functools.partial(
        pl.kernel,
        out_type=jax.ShapeDtypeStruct((n * F,), jnp.float32),
        mesh=_mesh,
        scratch_types=[
            pltpu.VMEM((24, CV), jnp.float32),
            pltpu.VMEM((48, CV), jnp.float32),
            pltpu.VMEM((2 * F * CV,), jnp.float32),
            pltpu.SemaphoreType.DMA,
            pltpu.SemaphoreType.DMA,
        ],
        compiler_params=_params,
    )
    def tk(p_hbm, r_hbm, t_hbm, p3, r3, t2, ssem, wsem):
        start, cnt = _worker_range(nch_total)
        iot = _iota16()

        def stage_copies(c, slot):
            vb = pl.multiple_of(CV * c, 8)
            return [
                pltpu.make_async_copy(
                    p_hbm.at[:, pl.ds(vb, CV)],
                    p3.at[pl.ds(pl.multiple_of(8 * slot, 8), 3)], ssem),
                pltpu.make_async_copy(
                    r_hbm.at[:, pl.ds(vb, CV)],
                    r3.at[pl.ds(pl.multiple_of(16 * slot, 8), 9)], ssem),
            ]

        def wb_copy(c, par):
            vb16 = pl.multiple_of(F * CV * c, 8)
            pb = pl.multiple_of(par * F * CV, 8)
            return pltpu.make_async_copy(
                t2.at[pl.ds(pb, F * CV)], t_hbm.at[pl.ds(vb16, F * CV)], wsem)

        @pl.when(cnt > 0)
        def _():
            for cp in stage_copies(start, 0):
                cp.start()

        @pl.when(cnt > 1)
        def _():
            for cp in stage_copies(start + 1, 1):
                cp.start()

        def chunk_body(t, carry):
            c = start + t
            par = lax.rem(t, 2)
            slot = lax.rem(t, 3)

            @pl.when(t + 2 < cnt)
            def _():
                for cp in stage_copies(c + 2, lax.rem(t + 2, 3)):
                    cp.start()

            for cp in stage_copies(c, slot):
                cp.wait()

            @pl.when(t >= 2)
            def _():
                wb_copy(c - 2, par).wait()

            prow = 8 * slot
            rrow = 16 * slot
            tbase = par * F * CV

            def group_body(gi, carry2):
                lane = iot + gi * L
                i16 = lane * 16 + tbase
                p = [_cgather(p3, prow + f, lane) for f in range(3)]
                r = [_cgather(r3, rrow + f, lane) for f in range(9)]
                q = [r[3 * a] * p[0] + r[3 * a + 1] * p[1] + r[3 * a + 2] * p[2]
                     for a in range(3)]
                vals = p + q + r + [jnp.ones((L,), jnp.float32)]
                for f in range(F):
                    plsc.store_scatter(t2, [i16 + f], vals[f])
                return carry2

            lax.fori_loop(0, GRP, group_body, 0)
            wb_copy(c, par).start()
            return carry

        lax.fori_loop(0, cnt, chunk_body, 0)

        @pl.when(cnt > 1)
        def _():
            wb_copy(start + cnt - 2, lax.rem(cnt - 2, 2)).wait()

        @pl.when(cnt > 0)
        def _():
            wb_copy(start + cnt - 1, lax.rem(cnt - 1, 2)).wait()

    return tk(p_t, r_t)


def _sc_main(table2d, nbr, wgt, awh16, n):
    nch_total = n // CV

    @functools.partial(
        pl.kernel,
        out_type=jax.ShapeDtypeStruct((3, n), jnp.float32),
        mesh=_mesh,
        scratch_types=[
            pltpu.VMEM((3 * CE,), jnp.int32),
            pltpu.VMEM((3 * CE,), jnp.float32),
            pltpu.VMEM((3 * CV, F), jnp.float32),
            pltpu.VMEM((2 * CE, F), jnp.float32),
            pltpu.VMEM((F * CV,), jnp.float32),
            pltpu.VMEM((16, CV), jnp.float32),
            pltpu.VMEM((L,), jnp.float32),
            pltpu.SemaphoreType.DMA,
            pltpu.SemaphoreType.DMA,
            pltpu.SemaphoreType.DMA,
        ],
        compiler_params=_params,
    )
    def mk(tbl2_hbm, nbr_hbm, w_hbm, aw_hbm, out_hbm,
           idx3, w3, t3, rows2, g_v, rhs2, aw_v, ssem, gsem, wsem):
        start, cnt = _worker_range(nch_total)
        pltpu.sync_copy(aw_hbm, aw_v)
        iot = _iota16()

        def stage_copies(c, slot):
            eb = pl.multiple_of(CE * c, 8)
            vb = pl.multiple_of(CV * c, 8)
            sb = pl.multiple_of(slot * CE, 8)
            svb = pl.multiple_of(slot * CV, 8)
            return [
                pltpu.make_async_copy(
                    nbr_hbm.at[pl.ds(eb, CE)], idx3.at[pl.ds(sb, CE)], ssem),
                pltpu.make_async_copy(
                    w_hbm.at[pl.ds(eb, CE)], w3.at[pl.ds(sb, CE)], ssem),
                pltpu.make_async_copy(
                    tbl2_hbm.at[pl.ds(vb, CV)], t3.at[pl.ds(svb, CV)], ssem),
            ]

        def wb_copy(c, par):
            vb = pl.multiple_of(CV * c, 8)
            return pltpu.make_async_copy(
                rhs2.at[pl.ds(pl.multiple_of(8 * par, 8), 3)],
                out_hbm.at[:, pl.ds(vb, CV)], wsem)

        def gather_copy(slot, par):
            sb = pl.multiple_of(slot * CE, 8)
            pb = pl.multiple_of(par * CE, 8)
            return pltpu.make_async_copy(
                tbl2_hbm.at[idx3.at[pl.ds(sb, CE)]],
                rows2.at[pl.ds(pb, CE)], gsem)

        @pl.when(cnt > 0)
        def _():
            for cp in stage_copies(start, 0):
                cp.start()

        @pl.when(cnt > 1)
        def _():
            for cp in stage_copies(start + 1, 1):
                cp.start()

        @pl.when(cnt > 0)
        def _():
            for cp in stage_copies(start, 0):
                cp.wait()
            gather_copy(0, 0).start()

        def chunk_body(t, carry):
            c = start + t
            par = lax.rem(t, 2)
            slot = lax.rem(t, 3)

            @pl.when(t + 2 < cnt)
            def _():
                for cp in stage_copies(c + 2, lax.rem(t + 2, 3)):
                    cp.start()

            @pl.when(t + 1 < cnt)
            def _():
                s1 = lax.rem(t + 1, 3)
                for cp in stage_copies(c + 1, s1):
                    cp.wait()
                gather_copy(s1, 1 - par).start()

            gather_copy(slot, par).wait()

            @pl.when(t >= 2)
            def _():
                wb_copy(c - 2, par).wait()

            ebase = par * CE
            wbase = slot * CE

            def vert_body(v, carry2):
                w16 = w3[pl.ds(pl.multiple_of(wbase + v * K, 8), K)]
                acc = [jnp.zeros((F,), jnp.float32) for _ in range(4)]
                for k in range(K):
                    acc[k % 4] = acc[k % 4] + w16[k] * rows2[ebase + v * K + k]
                g_v[pl.ds(pl.multiple_of(v * F, 8), F)] = (
                    (acc[0] + acc[1]) + (acc[2] + acc[3]))
                return carry2

            lax.fori_loop(0, CV, vert_body, 0)

            awv = aw_v[...]
            tbase = slot * CV

            def group_body(gi, carry2):
                lane = iot + gi * L
                i16 = lane * 16
                trow = lane + tbase

                def tg(f):
                    return plsc.load_gather(
                        t3, [trow, jnp.full((L,), f, jnp.int32)])

                p = [tg(f) for f in range(3)]
                r = [tg(6 + f) for f in range(9)]
                s1 = [plsc.load_gather(g_v, [i16 + f]) for f in range(3)]
                s2 = [plsc.load_gather(g_v, [i16 + 3 + f]) for f in range(3)]
                sm = [plsc.load_gather(g_v, [i16 + 6 + f]) for f in range(9)]
                bw = plsc.load_gather(g_v, [i16 + 15])
                tb = [bw * p[b] - s1[b] for b in range(3)]
                for a in range(3):
                    acc = -s2[a]
                    for b in range(3):
                        acc = acc + r[3 * a + b] * tb[b] + sm[3 * a + b] * p[b]
                    plsc.store_scatter(
                        rhs2, [jnp.full((L,), 8 * par + a, jnp.int32), lane],
                        awv * acc)
                return carry2

            lax.fori_loop(0, GRP, group_body, 0)
            wb_copy(c, par).start()
            return carry

        lax.fori_loop(0, cnt, chunk_body, 0)

        @pl.when(cnt > 1)
        def _():
            wb_copy(start + cnt - 2, lax.rem(cnt - 2, 2)).wait()

        @pl.when(cnt > 0)
        def _():
            wb_copy(start + cnt - 1, lax.rem(cnt - 1, 2)).wait()

    return mk(table2d, nbr, wgt, awh16)


def kernel(xyz1, xyz2, neighborList, numNeighbors, accnumNeighbors,
           weightMatrix, rotations, arapWeight):
    n = xyz1.shape[1]
    e = neighborList.shape[0]
    assert e == n * K and n % CV == 0

    p_t = jnp.transpose(xyz1[0], (1, 0))
    r_t = jnp.transpose(rotations, (1, 2, 0)).reshape(9, n)
    t_flat = _sc_build_table(p_t, r_t, n)
    t2d = t_flat.reshape(n, F)

    awh16 = jnp.full((L,), 0.5, jnp.float32) * arapWeight.astype(jnp.float32)
    rhs_t = _sc_main(t2d, neighborList, weightMatrix, awh16, n)
    return jnp.transpose(rhs_t, (1, 0))

# --- scband reference (transcript-rebuilt; emitter-appended) ---
"""Pipeline reference for scband-closed-arap-42880953484260 (READ-ONLY COPY).

The authoritative reference and input builder live on the scoring server;
editing this copy changes nothing except your own understanding.
"""

import jax, jax.numpy as jnp
import numpy as np

N = 100000
K = 16
E = N * K

def setup_inputs(seed: int = 0) -> dict:
    key = jax.random.key(seed)
    k1, k2, k3, k4, k5 = jax.random.split(key, 5)
    xyz1 = jax.random.normal(k1, (1, N, 3), dtype=jnp.float32)
    xyz2 = jax.random.normal(k2, (1, N, 3), dtype=jnp.float32)
    # CSR-style adjacency with fixed degree K for consistency
    neighborList = jax.random.randint(k3, (E,), 0, N, dtype=jnp.int32)
    numNeighbors = jnp.full((N,), K, dtype=jnp.int32)
    accnumNeighbors = jnp.arange(N, dtype=jnp.int32) * K
    weightMatrix = jax.random.uniform(k4, (E,), dtype=jnp.float32)
    # near-identity rotations per vertex (as produced by an ARAP local step)
    rotations = jnp.eye(3, dtype=jnp.float32)[None, :, :] + 0.1 * jax.random.normal(k5, (N, 3, 3), dtype=jnp.float32)
    arapWeight = jnp.float32(1.0)
    return {
        'xyz1': xyz1,
        'xyz2': xyz2,
        'neighborList': neighborList,
        'numNeighbors': numNeighbors,
        'accnumNeighbors': accnumNeighbors,
        'weightMatrix': weightMatrix,
        'rotations': rotations,
        'arapWeight': arapWeight,
    }


def reference(xyz1, xyz2, neighborList, numNeighbors, accnumNeighbors, weightMatrix, rotations, arapWeight):
    # Reconstruction of the ARAP global-step right-hand side computed by arap_cuda.forward:
    #   rhs_i = arapWeight * sum_{j in N(i)} w_ij * 0.5 * (R_i + R_j) @ (p_i - p_j)
    # where p = rest positions (xyz1). xyz2 (current deformed positions) is carried by
    # the kernel signature but does not enter the standard ARAP RHS.
    p = xyz1[0]  # [N, 3]
    n = p.shape[0]
    e = neighborList.shape[0]
    # expand CSR (numNeighbors / accnumNeighbors) to per-edge source index
    src = jnp.repeat(jnp.arange(n, dtype=neighborList.dtype), numNeighbors, total_repeat_length=e)
    dst = neighborList
    diff = p[src] - p[dst]                              # gather: [E, 3]
    Rsum = 0.5 * (rotations[src] + rotations[dst])      # gather: [E, 3, 3]
    contrib = weightMatrix[:, None] * jnp.einsum('eij,ej->ei', Rsum, diff)  # [E, 3]
    rhs = jax.ops.segment_sum(contrib, src, num_segments=n)                  # scatter-add: [N, 3]
    return arapWeight * rhs

if __name__ == "__main__":
    import jax
    _d = setup_inputs()
    print(jax.jit(kernel)(*tuple(_d.values())))

</pallas_src>

<mosaic_0001>
#map = affine_map<(d0, d1) -> (0, 0)>
#map1 = affine_map<(d0, d1) -> (0)>
module attributes {stable_mosaic.version = 14 : i64} {
  func.func @mk(%arg0: i32, %arg1: i32, %arg2: memref<100000x16xf32, #tpu.memory_space<hbm>>, %arg3: memref<1600000xi32, #tpu.memory_space<hbm>>, %arg4: memref<1600000xf32, #tpu.memory_space<hbm>>, %arg5: memref<16xf32, #tpu.memory_space<hbm>>, %arg6: memref<3x100000xf32, #tpu.memory_space<hbm>>, %arg7: memref<7680xi32, #tpu.memory_space<vmem>>, %arg8: memref<7680xf32, #tpu.memory_space<vmem>>, %arg9: memref<480x16xf32, #tpu.memory_space<vmem>>, %arg10: memref<5120x16xf32, #tpu.memory_space<vmem>>, %arg11: memref<2560xf32, #tpu.memory_space<vmem>>, %arg12: memref<16x160xf32, #tpu.memory_space<vmem>>, %arg13: memref<16xf32, #tpu.memory_space<vmem>>, %arg14: memref<!tpu.dma_semaphore, #tpu.memory_space<semaphore_mem>>, %arg15: memref<!tpu.dma_semaphore, #tpu.memory_space<semaphore_mem>>, %arg16: memref<!tpu.dma_semaphore, #tpu.memory_space<semaphore_mem>>) attributes {dimension_semantics = [#tpu.dimension_semantics<core_parallel>, #tpu.dimension_semantics<subcore_parallel>], iteration_bounds = array<i64: 2, 16>, scalar_prefetch = 0 : i64, scratch_operands = 10 : i64, tpu.core_type = #tpu.core_type<sc_vector_subcore>, window_params = [{transform_indices = #map}, {transform_indices = #map1}, {transform_indices = #map1}, {transform_indices = #map1}, {transform_indices = #map}]} {
    %mul3A = arith.constant 2 : i32
    %mul3A_0 = arith.muli %arg1, %mul3A : i32
    %add3A = arith.addi %mul3A_0, %arg0 : i32
    %lt3A = arith.constant 17 : i32
    %lt3A_1 = arith.cmpi slt, %add3A, %lt3A : i32
    %jit3A = arith.constant 1 : i32
    %jit3A_2 = arith.constant 0 : i32
    %select_n3A = arith.select %lt3A_1, %jit3A, %jit3A_2 : i32
    %add3A_3 = arith.constant 19 : i32
    %add3A_4 = arith.addi %add3A_3, %select_n3A : i32
    %mul3A_5 = arith.constant 19 : i32
    %mul3A_6 = arith.muli %mul3A_5, %add3A : i32
    %min3A = arith.constant 17 : i32
    %min3A_7 = arith.minsi %add3A, %min3A : i32
    %add3A_8 = arith.addi %mul3A_6, %min3A_7 : i32
    "tpu.region"() ({
      %run_scoped3A = tpu.sem_alloc : memref<!tpu.dma_semaphore, #tpu.memory_space<semaphore_mem>>
      tpu.enqueue_dma source(%arg5 : memref<16xf32, #tpu.memory_space<hbm>>) target(%arg13 : memref<16xf32, #tpu.memory_space<vmem>>) target_semaphore(%run_scoped3A : memref<!tpu.dma_semaphore, #tpu.memory_space<semaphore_mem>>)
      tpu.wait_dma2 semaphore(%run_scoped3A : memref<!tpu.dma_semaphore, #tpu.memory_space<semaphore_mem>>) src(%arg5 : memref<16xf32, #tpu.memory_space<hbm>>) dst(%arg13 : memref<16xf32, #tpu.memory_space<vmem>>)
      tpu.yield
    }) : () -> ()
    %iota3A = tpu.iota {dimensions = array<i32: 0>} : vector<16xi32>
    %gt3A = arith.constant 0 : i32
    %gt3A_9 = arith.cmpi sgt, %add3A_4, %gt3A : i32
    %convert_element_type3A = arith.extui %gt3A_9 : i1 to i32
    %cond3A = arith.constant 0 : i32
    %cond3A_10 = arith.cmpi ne, %convert_element_type3A, %cond3A : i32
    scf.if %cond3A_10 {
      %mul3A_40 = arith.constant 2560 : i32
      %mul3A_41 = arith.muli %mul3A_40, %add3A_8 : i32
      %multiple_of3A = tpu.assume_multiple %mul3A_41, 8 : i32
      %mul3A_42 = arith.constant 160 : i32
      %mul3A_43 = arith.muli %mul3A_42, %add3A_8 : i32
      %multiple_of3A_44 = tpu.assume_multiple %mul3A_43, 8 : i32
      %multiple_of3A_45 = arith.constant 0 : i32
      %multiple_of3A_46 = tpu.assume_multiple %multiple_of3A_45, 8 : i32
      %multiple_of3A_47 = arith.constant 0 : i32
      %multiple_of3A_48 = tpu.assume_multiple %multiple_of3A_47, 8 : i32
      %dma_start3A = tpu.memref_slice %arg7[%multiple_of3A_46] : memref<7680xi32, #tpu.memory_space<vmem>> -> memref<2560xi32, #tpu.memory_space<vmem>>
      %dma_start3A_49 = tpu.memref_slice %arg3[%multiple_of3A] : memref<1600000xi32, #tpu.memory_space<hbm>> -> memref<2560xi32, #tpu.memory_space<hbm>>
      %dma_start3A_50 = tpu.memref_slice %arg7[%multiple_of3A_46] : memref<7680xi32, #tpu.memory_space<vmem>> -> memref<2560xi32, #tpu.memory_space<vmem>>
      %dma_start3A_51 = tpu.memref_slice %arg3[%multiple_of3A] : memref<1600000xi32, #tpu.memory_space<hbm>> -> memref<2560xi32, #tpu.memory_space<hbm>>
      tpu.enqueue_dma source(%dma_start3A_51 : memref<2560xi32, #tpu.memory_space<hbm>>) target(%dma_start3A_50 : memref<2560xi32, #tpu.memory_space<vmem>>) target_semaphore(%arg14 : memref<!tpu.dma_semaphore, #tpu.memory_space<semaphore_mem>>)
      %dma_start3A_52 = tpu.memref_slice %arg8[%multiple_of3A_46] : memref<7680xf32, #tpu.memory_space<vmem>> -> memref<2560xf32, #tpu.memory_space<vmem>>
      %dma_start3A_53 = tpu.memref_slice %arg4[%multiple_of3A] : memref<1600000xf32, #tpu.memory_space<hbm>> -> memref<2560xf32, #tpu.memory_space<hbm>>
      %dma_start3A_54 = tpu.memref_slice %arg8[%multiple_of3A_46] : memref<7680xf32, #tpu.memory_space<vmem>> -> memref<2560xf32, #tpu.memory_space<vmem>>
      %dma_start3A_55 = tpu.memref_slice %arg4[%multiple_of3A] : memref<1600000xf32, #tpu.memory_space<hbm>> -> memref<2560xf32, #tpu.memory_space<hbm>>
      tpu.enqueue_dma source(%dma_start3A_55 : memref<2560xf32, #tpu.memory_space<hbm>>) target(%dma_start3A_54 : memref<2560xf32, #tpu.memory_space<vmem>>) target_semaphore(%arg14 : memref<!tpu.dma_semaphore, #tpu.memory_space<semaphore_mem>>)
      %dma_start3A_56 = arith.constant 0 : i32
      %dma_start3A_57 = tpu.memref_slice %arg9[%multiple_of3A_48, %dma_start3A_56] : memref<480x16xf32, #tpu.memory_space<vmem>> -> memref<160x16xf32, #tpu.memory_space<vmem>>
      %dma_start3A_58 = arith.constant 0 : i32
      %dma_start3A_59 = tpu.memref_slice %arg2[%multiple_of3A_44, %dma_start3A_58] : memref<100000x16xf32, #tpu.memory_space<hbm>> -> memref<160x16xf32, #tpu.memory_space<hbm>>
      %dma_start3A_60 = arith.constant 0 : i32
      %dma_start3A_61 = tpu.memref_slice %arg9[%multiple_of3A_48, %dma_start3A_60] : memref<480x16xf32, #tpu.memory_space<vmem>> -> memref<160x16xf32, #tpu.memory_space<vmem>>
      %dma_start3A_62 = arith.constant 0 : i32
      %dma_start3A_63 = tpu.memref_slice %arg2[%multiple_of3A_44, %dma_start3A_62] : memref<100000x16xf32, #tpu.memory_space<hbm>> -> memref<160x16xf32, #tpu.memory_space<hbm>>
      tpu.enqueue_dma source(%dma_start3A_63 : memref<160x16xf32, #tpu.memory_space<hbm>>) target(%dma_start3A_61 : memref<160x16xf32, #tpu.memory_space<vmem>>) target_semaphore(%arg14 : memref<!tpu.dma_semaphore, #tpu.memory_space<semaphore_mem>>)
    } else {
    }
    %gt3A_11 = arith.constant 1 : i32
    %gt3A_12 = arith.cmpi sgt, %add3A_4, %gt3A_11 : i32
    %convert_element_type3A_13 = arith.extui %gt3A_12 : i1 to i32
    %cond3A_14 = arith.constant 0 : i32
    %cond3A_15 = arith.cmpi ne, %convert_element_type3A_13, %cond3A_14 : i32
    scf.if %cond3A_15 {
      %add3A_40 = arith.constant 1 : i32
      %add3A_41 = arith.addi %add3A_8, %add3A_40 : i32
      %mul3A_42 = arith.constant 2560 : i32
      %mul3A_43 = arith.muli %mul3A_42, %add3A_41 : i32
      %multiple_of3A = tpu.assume_multiple %mul3A_43, 8 : i32
      %mul3A_44 = arith.constant 160 : i32
      %mul3A_45 = arith.muli %mul3A_44, %add3A_41 : i32
      %multiple_of3A_46 = tpu.assume_multiple %mul3A_45, 8 : i32
      %multiple_of3A_47 = arith.constant 2560 : i32
      %multiple_of3A_48 = tpu.assume_multiple %multiple_of3A_47, 8 : i32
      %multiple_of3A_49 = arith.constant 160 : i32
      %multiple_of3A_50 = tpu.assume_multiple %multiple_of3A_49, 8 : i32
      %dma_start3A = tpu.memref_slice %arg7[%multiple_of3A_48] : memref<7680xi32, #tpu.memory_space<vmem>> -> memref<2560xi32, #tpu.memory_space<vmem>>
      %dma_start3A_51 = tpu.memref_slice %arg3[%multiple_of3A] : memref<1600000xi32, #tpu.memory_space<hbm>> -> memref<2560xi32, #tpu.memory_space<hbm>>
      %dma_start3A_52 = tpu.memref_slice %arg7[%multiple_of3A_48] : memref<7680xi32, #tpu.memory_space<vmem>> -> memref<2560xi32, #tpu.memory_space<vmem>>
      %dma_start3A_53 = tpu.memref_slice %arg3[%multiple_of3A] : memref<1600000xi32, #tpu.memory_space<hbm>> -> memref<2560xi32, #tpu.memory_space<hbm>>
      tpu.enqueue_dma source(%dma_start3A_53 : memref<2560xi32, #tpu.memory_space<hbm>>) target(%dma_start3A_52 : memref<2560xi32, #tpu.memory_space<vmem>>) target_semaphore(%arg14 : memref<!tpu.dma_semaphore, #tpu.memory_space<semaphore_mem>>)
      %dma_start3A_54 = tpu.memref_slice %arg8[%multiple_of3A_48] : memref<7680xf32, #tpu.memory_space<vmem>> -> memref<2560xf32, #tpu.memory_space<vmem>>
      %dma_start3A_55 = tpu.memref_slice %arg4[%multiple_of3A] : memref<1600000xf32, #tpu.memory_space<hbm>> -> memref<2560xf32, #tpu.memory_space<hbm>>
      %dma_start3A_56 = tpu.memref_slice %arg8[%multiple_of3A_48] : memref<7680xf32, #tpu.memory_space<vmem>> -> memref<2560xf32, #tpu.memory_space<vmem>>
      %dma_start3A_57 = tpu.memref_slice %arg4[%multiple_of3A] : memref<1600000xf32, #tpu.memory_space<hbm>> -> memref<2560xf32, #tpu.memory_space<hbm>>
      tpu.enqueue_dma source(%dma_start3A_57 : memref<2560xf32, #tpu.memory_space<hbm>>) target(%dma_start3A_56 : memref<2560xf32, #tpu.memory_space<vmem>>) target_semaphore(%arg14 : memref<!tpu.dma_semaphore, #tpu.memory_space<semaphore_mem>>)
      %dma_start3A_58 = arith.constant 0 : i32
      %dma_start3A_59 = tpu.memref_slice %arg9[%multiple_of3A_50, %dma_start3A_58] : memref<480x16xf32, #tpu.memory_space<vmem>> -> memref<160x16xf32, #tpu.memory_space<vmem>>
      %dma_start3A_60 = arith.constant 0 : i32
      %dma_start3A_61 = tpu.memref_slice %arg2[%multiple_of3A_46, %dma_start3A_60] : memref<100000x16xf32, #tpu.memory_space<hbm>> -> memref<160x16xf32, #tpu.memory_space<hbm>>
      %dma_start3A_62 = arith.constant 0 : i32
      %dma_start3A_63 = tpu.memref_slice %arg9[%multiple_of3A_50, %dma_start3A_62] : memref<480x16xf32, #tpu.memory_space<vmem>> -> memref<160x16xf32, #tpu.memory_space<vmem>>
      %dma_start3A_64 = arith.constant 0 : i32
      %dma_start3A_65 = tpu.memref_slice %arg2[%multiple_of3A_46, %dma_start3A_64] : memref<100000x16xf32, #tpu.memory_space<hbm>> -> memref<160x16xf32, #tpu.memory_space<hbm>>
      tpu.enqueue_dma source(%dma_start3A_65 : memref<160x16xf32, #tpu.memory_space<hbm>>) target(%dma_start3A_63 : memref<160x16xf32, #tpu.memory_space<vmem>>) target_semaphore(%arg14 : memref<!tpu.dma_semaphore, #tpu.memory_space<semaphore_mem>>)
    } else {
    }
    %gt3A_16 = arith.constant 0 : i32
    %gt3A_17 = arith.cmpi sgt, %add3A_4, %gt3A_16 : i32
    %convert_element_type3A_18 = arith.extui %gt3A_17 : i1 to i32
    %cond3A_19 = arith.constant 0 : i32
    %cond3A_20 = arith.cmpi ne, %convert_element_type3A_18, %cond3A_19 : i32
    scf.if %cond3A_20 {
      %mul3A_40 = arith.constant 2560 : i32
      %mul3A_41 = arith.muli %mul3A_40, %add3A_8 : i32
      %multiple_of3A = tpu.assume_multiple %mul3A_41, 8 : i32
      %mul3A_42 = arith.constant 160 : i32
      %mul3A_43 = arith.muli %mul3A_42, %add3A_8 : i32
      %multiple_of3A_44 = tpu.assume_multiple %mul3A_43, 8 : i32
      %multiple_of3A_45 = arith.constant 0 : i32
      %multiple_of3A_46 = tpu.assume_multiple %multiple_of3A_45, 8 : i32
      %multiple_of3A_47 = arith.constant 0 : i32
      %multiple_of3A_48 = tpu.assume_multiple %multiple_of3A_47, 8 : i32
      %dma_wait3A = tpu.memref_slice %arg7[%multiple_of3A_46] : memref<7680xi32, #tpu.memory_space<vmem>> -> memref<2560xi32, #tpu.memory_space<vmem>>
      %dma_wait3A_49 = tpu.memref_slice %arg3[%multiple_of3A] : memref<1600000xi32, #tpu.memory_space<hbm>> -> memref<2560xi32, #tpu.memory_space<hbm>>
      %dma_wait3A_50 = tpu.memref_slice %arg7[%multiple_of3A_46] : memref<7680xi32, #tpu.memory_space<vmem>> -> memref<2560xi32, #tpu.memory_space<vmem>>
      %dma_wait3A_51 = tpu.memref_slice %arg3[%multiple_of3A] : memref<1600000xi32, #tpu.memory_space<hbm>> -> memref<2560xi32, #tpu.memory_space<hbm>>
      tpu.wait_dma2 semaphore(%arg14 : memref<!tpu.dma_semaphore, #tpu.memory_space<semaphore_mem>>) src(%dma_wait3A_51 : memref<2560xi32, #tpu.memory_space<hbm>>) dst(%dma_wait3A_50 : memref<2560xi32, #tpu.memory_space<vmem>>)
      %dma_wait3A_52 = tpu.memref_slice %arg8[%multiple_of3A_46] : memref<7680xf32, #tpu.memory_space<vmem>> -> memref<2560xf32, #tpu.memory_space<vmem>>
      %dma_wait3A_53 = tpu.memref_slice %arg4[%multiple_of3A] : memref<1600000xf32, #tpu.memory_space<hbm>> -> memref<2560xf32, #tpu.memory_space<hbm>>
      %dma_wait3A_54 = tpu.memref_slice %arg8[%multiple_of3A_46] : memref<7680xf32, #tpu.memory_space<vmem>> -> memref<2560xf32, #tpu.memory_space<vmem>>
      %dma_wait3A_55 = tpu.memref_slice %arg4[%multiple_of3A] : memref<1600000xf32, #tpu.memory_space<hbm>> -> memref<2560xf32, #tpu.memory_space<hbm>>
      tpu.wait_dma2 semaphore(%arg14 : memref<!tpu.dma_semaphore, #tpu.memory_space<semaphore_mem>>) src(%dma_wait3A_55 : memref<2560xf32, #tpu.memory_space<hbm>>) dst(%dma_wait3A_54 : memref<2560xf32, #tpu.memory_space<vmem>>)
      %dma_wait3A_56 = arith.constant 0 : i32
      %dma_wait3A_57 = tpu.memref_slice %arg9[%multiple_of3A_48, %dma_wait3A_56] : memref<480x16xf32, #tpu.memory_space<vmem>> -> memref<160x16xf32, #tpu.memory_space<vmem>>
      %dma_wait3A_58 = arith.constant 0 : i32
      %dma_wait3A_59 = tpu.memref_slice %arg2[%multiple_of3A_44, %dma_wait3A_58] : memref<100000x16xf32, #tpu.memory_space<hbm>> -> memref<160x16xf32, #tpu.memory_space<hbm>>
      %dma_wait3A_60 = arith.constant 0 : i32
      %dma_wait3A_61 = tpu.memref_slice %arg9[%multiple_of3A_48, %dma_wait3A_60] : memref<480x16xf32, #tpu.memory_space<vmem>> -> memref<160x16xf32, #tpu.memory_space<vmem>>
      %dma_wait3A_62 = arith.constant 0 : i32
      %dma_wait3A_63 = tpu.memref_slice %arg2[%multiple_of3A_44, %dma_wait3A_62] : memref<100000x16xf32, #tpu.memory_space<hbm>> -> memref<160x16xf32, #tpu.memory_space<hbm>>
      tpu.wait_dma2 semaphore(%arg14 : memref<!tpu.dma_semaphore, #tpu.memory_space<semaphore_mem>>) src(%dma_wait3A_63 : memref<160x16xf32, #tpu.memory_space<hbm>>) dst(%dma_wait3A_61 : memref<160x16xf32, #tpu.memory_space<vmem>>)
      %multiple_of3A_64 = arith.constant 0 : i32
      %multiple_of3A_65 = tpu.assume_multiple %multiple_of3A_64, 8 : i32
      %multiple_of3A_66 = arith.constant 0 : i32
      %multiple_of3A_67 = tpu.assume_multiple %multiple_of3A_66, 8 : i32
      %dma_start3A = arith.constant 0 : i32
      %dma_start3A_68 = tpu.memref_slice %arg10[%multiple_of3A_67, %dma_start3A] : memref<5120x16xf32, #tpu.memory_space<vmem>> -> memref<2560x16xf32, #tpu.memory_space<vmem>>
      %dma_start3A_69 = tpu.memref_slice %arg7[%multiple_of3A_65] : memref<7680xi32, #tpu.memory_space<vmem>> -> memref<2560xi32, #tpu.memory_space<vmem>>
      %dma_start3A_70 = arith.constant 0 : i32
      %dma_start3A_71 = arith.constant 0 : i32
      %dma_start3A_72 = tpu.memref_slice %arg2[%dma_start3A_70, %dma_start3A_71] : memref<100000x16xf32, #tpu.memory_space<hbm>> -> memref<100000x16xf32, #tpu.memory_space<hbm>>
      tpu.enqueue_indirect_dma source(%dma_start3A_72 : memref<100000x16xf32, #tpu.memory_space<hbm>>) target(%dma_start3A_68 : memref<2560x16xf32, #tpu.memory_space<vmem>>) offsets(%dma_start3A_69 : memref<2560xi32, #tpu.memory_space<vmem>>) semaphore(%arg15 : memref<!tpu.dma_semaphore, #tpu.memory_space<semaphore_mem>>)
    } else {
    }
    %while3A = arith.constant 0 : i32
    %while3A_21 = arith.constant 0 : i32
    %while3A_22 = arith.subi %add3A_4, %while3A_21 : i32
    %while3A_23 = arith.addi %while3A_21, %while3A_22 : i32
    %while3A_24 = arith.constant 1 : i32
    %while3A_25 = arith.divsi %while3A_22, %while3A_24 : i32
    %while3A_26 = arith.muli %while3A_25, %while3A_24 : i32
    %while3A_27 = arith.addi %while3A_21, %while3A_26 : i32
    %while3A_28 = arith.constant 1 : i32
    scf.for %while3A_40 = %while3A_21 to %while3A_27 step %while3A_28  : i32 {
      %add3A_41 = arith.addi %add3A_8, %while3A_40 : i32
      %rem3A = arith.constant 2 : i32
      %rem3A_42 = arith.remsi %while3A_40, %rem3A : i32
      %rem3A_43 = arith.constant 3 : i32
      %rem3A_44 = arith.remsi %while3A_40, %rem3A_43 : i32
      %add3A_45 = arith.constant 2 : i32
      %add3A_46 = arith.addi %while3A_40, %add3A_45 : i32
      %lt3A_47 = arith.cmpi slt, %add3A_46, %add3A_4 : i32
      %convert_element_type3A_48 = arith.extui %lt3A_47 : i1 to i32
      %cond3A_49 = arith.constant 0 : i32
      %cond3A_50 = arith.cmpi ne, %convert_element_type3A_48, %cond3A_49 : i32
      scf.if %cond3A_50 {
        %add3A_102 = arith.constant 2 : i32
        %add3A_103 = arith.addi %add3A_41, %add3A_102 : i32
        %add3A_104 = arith.constant 2 : i32
        %add3A_105 = arith.addi %while3A_40, %add3A_104 : i32
        %rem3A_106 = arith.constant 3 : i32
        %rem3A_107 = arith.remsi %add3A_105, %rem3A_106 : i32
        %mul3A_108 = arith.constant 2560 : i32
        %mul3A_109 = arith.muli %mul3A_108, %add3A_103 : i32
        %multiple_of3A_110 = tpu.assume_multiple %mul3A_109, 8 : i32
        %mul3A_111 = arith.constant 160 : i32
        %mul3A_112 = arith.muli %mul3A_111, %add3A_103 : i32
        %multiple_of3A_113 = tpu.assume_multiple %mul3A_112, 8 : i32
        %mul3A_114 = arith.constant 2560 : i32
        %mul3A_115 = arith.muli %rem3A_107, %mul3A_114 : i32
        %multiple_of3A_116 = tpu.assume_multiple %mul3A_115, 8 : i32
        %mul3A_117 = arith.constant 160 : i32
        %mul3A_118 = arith.muli %rem3A_107, %mul3A_117 : i32
        %multiple_of3A_119 = tpu.assume_multiple %mul3A_118, 8 : i32
        %dma_start3A_120 = tpu.memref_slice %arg7[%multiple_of3A_116] : memref<7680xi32, #tpu.memory_space<vmem>> -> memref<2560xi32, #tpu.memory_space<vmem>>
        %dma_start3A_121 = tpu.memref_slice %arg3[%multiple_of3A_110] : memref<1600000xi32, #tpu.memory_space<hbm>> -> memref<2560xi32, #tpu.memory_space<hbm>>
        %dma_start3A_122 = tpu.memref_slice %arg7[%multiple_of3A_116] : memref<7680xi32, #tpu.memory_space<vmem>> -> memref<2560xi32, #tpu.memory_space<vmem>>
        %dma_start3A_123 = tpu.memref_slice %arg3[%multiple_of3A_110] : memref<1600000xi32, #tpu.memory_space<hbm>> -> memref<2560xi32, #tpu.memory_space<hbm>>
        tpu.enqueue_dma source(%dma_start3A_123 : memref<2560xi32, #tpu.memory_space<hbm>>) target(%dma_start3A_122 : memref<2560xi32, #tpu.memory_space<vmem>>) target_semaphore(%arg14 : memref<!tpu.dma_semaphore, #tpu.memory_space<semaphore_mem>>)
        %dma_start3A_124 = tpu.memref_slice %arg8[%multiple_of3A_116] : memref<7680xf32, #tpu.memory_space<vmem>> -> memref<2560xf32, #tpu.memory_space<vmem>>
        %dma_start3A_125 = tpu.memref_slice %arg4[%multiple_of3A_110] : memref<1600000xf32, #tpu.memory_space<hbm>> -> memref<2560xf32, #tpu.memory_space<hbm>>
        %dma_start3A_126 = tpu.memref_slice %arg8[%multiple_of3A_116] : memref<7680xf32, #tpu.memory_space<vmem>> -> memref<2560xf32, #tpu.memory_space<vmem>>
        %dma_start3A_127 = tpu.memref_slice %arg4[%multiple_of3A_110] : memref<1600000xf32, #tpu.memory_space<hbm>> -> memref<2560xf32, #tpu.memory_space<hbm>>
        tpu.enqueue_dma source(%dma_start3A_127 : memref<2560xf32, #tpu.memory_space<hbm>>) target(%dma_start3A_126 : memref<2560xf32, #tpu.memory_space<vmem>>) target_semaphore(%arg14 : memref<!tpu.dma_semaphore, #tpu.memory_space<semaphore_mem>>)
        %dma_start3A_128 = arith.constant 0 : i32
        %dma_start3A_129 = tpu.memref_slice %arg9[%multiple_of3A_119, %dma_start3A_128] : memref<480x16xf32, #tpu.memory_space<vmem>> -> memref<160x16xf32, #tpu.memory_space<vmem>>
        %dma_start3A_130 = arith.constant 0 : i32
        %dma_start3A_131 = tpu.memref_slice %arg2[%multiple_of3A_113, %dma_start3A_130] : memref<100000x16xf32, #tpu.memory_space<hbm>> -> memref<160x16xf32, #tpu.memory_space<hbm>>
        %dma_start3A_132 = arith.constant 0 : i32
        %dma_start3A_133 = tpu.memref_slice %arg9[%multiple_of3A_119, %dma_start3A_132] : memref<480x16xf32, #tpu.memory_space<vmem>> -> memref<160x16xf32, #tpu.memory_space<vmem>>
        %dma_start3A_134 = arith.constant 0 : i32
        %dma_start3A_135 = tpu.memref_slice %arg2[%multiple_of3A_113, %dma_start3A_134] : memref<100000x16xf32, #tpu.memory_space<hbm>> -> memref<160x16xf32, #tpu.memory_space<hbm>>
        tpu.enqueue_dma source(%dma_start3A_135 : memref<160x16xf32, #tpu.memory_space<hbm>>) target(%dma_start3A_133 : memref<160x16xf32, #tpu.memory_space<vmem>>) target_semaphore(%arg14 : memref<!tpu.dma_semaphore, #tpu.memory_space<semaphore_mem>>)
      } else {
      }
      %add3A_51 = arith.constant 1 : i32
      %add3A_52 = arith.addi %while3A_40, %add3A_51 : i32
      %lt3A_53 = arith.cmpi slt, %add3A_52, %add3A_4 : i32
      %convert_element_type3A_54 = arith.extui %lt3A_53 : i1 to i32
      %cond3A_55 = arith.constant 0 : i32
      %cond3A_56 = arith.cmpi ne, %convert_element_type3A_54, %cond3A_55 : i32
      scf.if %cond3A_56 {
        %add3A_102 = arith.constant 1 : i32
        %add3A_103 = arith.addi %while3A_40, %add3A_102 : i32
        %rem3A_104 = arith.constant 3 : i32
        %rem3A_105 = arith.remsi %add3A_103, %rem3A_104 : i32
        %add3A_106 = arith.constant 1 : i32
        %add3A_107 = arith.addi %add3A_41, %add3A_106 : i32
        %mul3A_108 = arith.constant 2560 : i32
        %mul3A_109 = arith.muli %mul3A_108, %add3A_107 : i32
        %multiple_of3A_110 = tpu.assume_multiple %mul3A_109, 8 : i32
        %mul3A_111 = arith.constant 160 : i32
        %mul3A_112 = arith.muli %mul3A_111, %add3A_107 : i32
        %multiple_of3A_113 = tpu.assume_multiple %mul3A_112, 8 : i32
        %mul3A_114 = arith.constant 2560 : i32
        %mul3A_115 = arith.muli %rem3A_105, %mul3A_114 : i32
        %multiple_of3A_116 = tpu.assume_multiple %mul3A_115, 8 : i32
        %mul3A_117 = arith.constant 160 : i32
        %mul3A_118 = arith.muli %rem3A_105, %mul3A_117 : i32
        %multiple_of3A_119 = tpu.assume_multiple %mul3A_118, 8 : i32
        %dma_wait3A_120 = tpu.memref_slice %arg7[%multiple_of3A_116] : memref<7680xi32, #tpu.memory_space<vmem>> -> memref<2560xi32, #tpu.memory_space<vmem>>
        %dma_wait3A_121 = tpu.memref_slice %arg3[%multiple_of3A_110] : memref<1600000xi32, #tpu.memory_space<hbm>> -> memref<2560xi32, #tpu.memory_space<hbm>>
        %dma_wait3A_122 = tpu.memref_slice %arg7[%multiple_of3A_116] : memref<7680xi32, #tpu.memory_space<vmem>> -> memref<2560xi32, #tpu.memory_space<vmem>>
        %dma_wait3A_123 = tpu.memref_slice %arg3[%multiple_of3A_110] : memref<1600000xi32, #tpu.memory_space<hbm>> -> memref<2560xi32, #tpu.memory_space<hbm>>
        tpu.wait_dma2 semaphore(%arg14 : memref<!tpu.dma_semaphore, #tpu.memory_space<semaphore_mem>>) src(%dma_wait3A_123 : memref<2560xi32, #tpu.memory_space<hbm>>) dst(%dma_wait3A_122 : memref<2560xi32, #tpu.memory_space<vmem>>)
        %dma_wait3A_124 = tpu.memref_slice %arg8[%multiple_of3A_116] : memref<7680xf32, #tpu.memory_space<vmem>> -> memref<2560xf32, #tpu.memory_space<vmem>>
        %dma_wait3A_125 = tpu.memref_slice %arg4[%multiple_of3A_110] : memref<1600000xf32, #tpu.memory_space<hbm>> -> memref<2560xf32, #tpu.memory_space<hbm>>
        %dma_wait3A_126 = tpu.memref_slice %arg8[%multiple_of3A_116] : memref<7680xf32, #tpu.memory_space<vmem>> -> memref<2560xf32, #tpu.memory_space<vmem>>
        %dma_wait3A_127 = tpu.memref_slice %arg4[%multiple_of3A_110] : memref<1600000xf32, #tpu.memory_space<hbm>> -> memref<2560xf32, #tpu.memory_space<hbm>>
        tpu.wait_dma2 semaphore(%arg14 : memref<!tpu.dma_semaphore, #tpu.memory_space<semaphore_mem>>) src(%dma_wait3A_127 : memref<2560xf32, #tpu.memory_space<hbm>>) dst(%dma_wait3A_126 : memref<2560xf32, #tpu.memory_space<vmem>>)
        %dma_wait3A_128 = arith.constant 0 : i32
        %dma_wait3A_129 = tpu.memref_slice %arg9[%multiple_of3A_119, %dma_wait3A_128] : memref<480x16xf32, #tpu.memory_space<vmem>> -> memref<160x16xf32, #tpu.memory_space<vmem>>
        %dma_wait3A_130 = arith.constant 0 : i32
        %dma_wait3A_131 = tpu.memref_slice %arg2[%multiple_of3A_113, %dma_wait3A_130] : memref<100000x16xf32, #tpu.memory_space<hbm>> -> memref<160x16xf32, #tpu.memory_space<hbm>>
        %dma_wait3A_132 = arith.constant 0 : i32
        %dma_wait3A_133 = tpu.memref_slice %arg9[%multiple_of3A_119, %dma_wait3A_132] : memref<480x16xf32, #tpu.memory_space<vmem>> -> memref<160x16xf32, #tpu.memory_space<vmem>>
        %dma_wait3A_134 = arith.constant 0 : i32
        %dma_wait3A_135 = tpu.memref_slice %arg2[%multiple_of3A_113, %dma_wait3A_134] : memref<100000x16xf32, #tpu.memory_space<hbm>> -> memref<160x16xf32, #tpu.memory_space<hbm>>
        tpu.wait_dma2 semaphore(%arg14 : memref<!tpu.dma_semaphore, #tpu.memory_space<semaphore_mem>>) src(%dma_wait3A_135 : memref<160x16xf32, #tpu.memory_space<hbm>>) dst(%dma_wait3A_133 : memref<160x16xf32, #tpu.memory_space<vmem>>)
        %sub3A = arith.constant 1 : i32
        %sub3A_136 = arith.subi %sub3A, %rem3A_42 : i32
        %mul3A_137 = arith.constant 2560 : i32
        %mul3A_138 = arith.muli %rem3A_105, %mul3A_137 : i32
        %multiple_of3A_139 = tpu.assume_multiple %mul3A_138, 8 : i32
        %mul3A_140 = arith.constant 2560 : i32
        %mul3A_141 = arith.muli %sub3A_136, %mul3A_140 : i32
        %multiple_of3A_142 = tpu.assume_multiple %mul3A_141, 8 : i32
        %dma_start3A_143 = arith.constant 0 : i32
        %dma_start3A_144 = tpu.memref_slice %arg10[%multiple_of3A_142, %dma_start3A_143] : memref<5120x16xf32, #tpu.memory_space<vmem>> -> memref<2560x16xf32, #tpu.memory_space<vmem>>
        %dma_start3A_145 = tpu.memref_slice %arg7[%multiple_of3A_139] : memref<7680xi32, #tpu.memory_space<vmem>> -> memref<2560xi32, #tpu.memory_space<vmem>>
        %dma_start3A_146 = arith.constant 0 : i32
        %dma_start3A_147 = arith.constant 0 : i32
        %dma_start3A_148 = tpu.memref_slice %arg2[%dma_start3A_146, %dma_start3A_147] : memref<100000x16xf32, #tpu.memory_space<hbm>> -> memref<100000x16xf32, #tpu.memory_space<hbm>>
        tpu.enqueue_indirect_dma source(%dma_start3A_148 : memref<100000x16xf32, #tpu.memory_space<hbm>>) target(%dma_start3A_144 : memref<2560x16xf32, #tpu.memory_space<vmem>>) offsets(%dma_start3A_145 : memref<2560xi32, #tpu.memory_space<vmem>>) semaphore(%arg15 : memref<!tpu.dma_semaphore, #tpu.memory_space<semaphore_mem>>)
      } else {
      }
      %mul3A_57 = arith.constant 2560 : i32
      %mul3A_58 = arith.muli %rem3A_44, %mul3A_57 : i32
      %multiple_of3A = tpu.assume_multiple %mul3A_58, 8 : i32
      %mul3A_59 = arith.constant 2560 : i32
      %mul3A_60 = arith.muli %rem3A_42, %mul3A_59 : i32
      %multiple_of3A_61 = tpu.assume_multiple %mul3A_60, 8 : i32
      %dma_wait3A = arith.constant 0 : i32
      %dma_wait3A_62 = tpu.memref_slice %arg10[%multiple_of3A_61, %dma_wait3A] : memref<5120x16xf32, #tpu.memory_space<vmem>> -> memref<2560x16xf32, #tpu.memory_space<vmem>>
      %dma_wait3A_63 = tpu.memref_slice %arg7[%multiple_of3A] : memref<7680xi32, #tpu.memory_space<vmem>> -> memref<2560xi32, #tpu.memory_space<vmem>>
      %dma_wait3A_64 = arith.constant 0 : i32
      %dma_wait3A_65 = arith.constant 0 : i32
      %dma_wait3A_66 = tpu.memref_slice %arg2[%dma_wait3A_64, %dma_wait3A_65] : memref<100000x16xf32, #tpu.memory_space<hbm>> -> memref<100000x16xf32, #tpu.memory_space<hbm>>
      tpu.wait_indirect_dma semaphore(%arg15 : memref<!tpu.dma_semaphore, #tpu.memory_space<semaphore_mem>>) src(%dma_wait3A_66 : memref<100000x16xf32, #tpu.memory_space<hbm>>) dst(%dma_wait3A_62 : memref<2560x16xf32, #tpu.memory_space<vmem>>)
      %ge3A = arith.constant 2 : i32
      %ge3A_67 = arith.cmpi sge, %while3A_40, %ge3A : i32
      %convert_element_type3A_68 = arith.extui %ge3A_67 : i1 to i32
      %cond3A_69 = arith.constant 0 : i32
      %cond3A_70 = arith.cmpi ne, %convert_element_type3A_68, %cond3A_69 : i32
      scf.if %cond3A_70 {
        %sub3A = arith.constant 2 : i32
        %sub3A_102 = arith.subi %add3A_41, %sub3A : i32
        %mul3A_103 = arith.constant 160 : i32
        %mul3A_104 = arith.muli %mul3A_103, %sub3A_102 : i32
        %multiple_of3A_105 = tpu.assume_multiple %mul3A_104, 8 : i32
        %mul3A_106 = arith.constant 8 : i32
        %mul3A_107 = arith.muli %mul3A_106, %rem3A_42 : i32
        %multiple_of3A_108 = tpu.assume_multiple %mul3A_107, 8 : i32
        %dma_wait3A_109 = arith.constant 0 : i32
        %dma_wait3A_110 = tpu.memref_slice %arg12[%multiple_of3A_108, %dma_wait3A_109] : memref<16x160xf32, #tpu.memory_space<vmem>> -> memref<3x160xf32, #tpu.memory_space<vmem>>
        %dma_wait3A_111 = arith.constant 0 : i32
        %dma_wait3A_112 = tpu.memref_slice %arg6[%dma_wait3A_111, %multiple_of3A_105] : memref<3x100000xf32, #tpu.memory_space<hbm>> -> memref<3x160xf32, #tpu.memory_space<hbm>>
        %dma_wait3A_113 = arith.constant 0 : i32
        %dma_wait3A_114 = tpu.memref_slice %arg6[%dma_wait3A_113, %multiple_of3A_105] : memref<3x100000xf32, #tpu.memory_space<hbm>> -> memref<3x160xf32, #tpu.memory_space<hbm>>
        %dma_wait3A_115 = arith.constant 0 : i32
        %dma_wait3A_116 = tpu.memref_slice %arg12[%multiple_of3A_108, %dma_wait3A_115] : memref<16x160xf32, #tpu.memory_space<vmem>> -> memref<3x160xf32, #tpu.memory_space<vmem>>
        tpu.wait_dma2 semaphore(%arg16 : memref<!tpu.dma_semaphore, #tpu.memory_space<semaphore_mem>>) src(%dma_wait3A_116 : memref<3x160xf32, #tpu.memory_space<vmem>>) dst(%dma_wait3A_114 : memref<3x160xf32, #tpu.memory_space<hbm>>)
      } else {
      }
      %mul3A_71 = arith.constant 2560 : i32
      %mul3A_72 = arith.muli %rem3A_42, %mul3A_71 : i32
      %mul3A_73 = arith.constant 2560 : i32
      %mul3A_74 = arith.muli %rem3A_44, %mul3A_73 : i32
      %scan3A = arith.constant 0 : i32
      %scan3A_75 = arith.constant 0 : i32
      %scan3A_76 = arith.constant 160 : i32
      %scan3A_77 = arith.addi %scan3A_75, %scan3A_76 : i32
      %scan3A_78 = arith.constant 1 : i32
      scf.for %scan3A_102 = %scan3A_75 to %scan3A_77 step %scan3A_78  : i32 {
        %mul3A_103 = arith.constant 16 : i32
        %mul3A_104 = arith.muli %scan3A_102, %mul3A_103 : i32
        %add3A_105 = arith.addi %mul3A_74, %mul3A_104 : i32
        %multiple_of3A_106 = tpu.assume_multiple %add3A_105, 8 : i32
        %get3A_107 = arith.index_cast %multiple_of3A_106 : i32 to index
        %get3A_108 = tpu.vector_load %arg8[%get3A_107] {strides = array<i32>} : memref<7680xf32, #tpu.memory_space<vmem>>, vector<16xf32>,
        %broadcast_in_dim3A = arith.constant 0.000000e+00 : f32
        %broadcast_in_dim3A_109 = vector.broadcast %broadcast_in_dim3A : f32 to vector<16xf32>
        %broadcast_in_dim3A_110 = arith.constant 0.000000e+00 : f32
        %broadcast_in_dim3A_111 = vector.broadcast %broadcast_in_dim3A_110 : f32 to vector<16xf32>
        %broadcast_in_dim3A_112 = arith.constant 0.000000e+00 : f32
        %broadcast_in_dim3A_113 = vector.broadcast %broadcast_in_dim3A_112 : f32 to vector<16xf32>
        %broadcast_in_dim3A_114 = arith.constant 0.000000e+00 : f32
        %broadcast_in_dim3A_115 = vector.broadcast %broadcast_in_dim3A_114 : f32 to vector<16xf32>
        %slice3A = vector.extract_strided_slice %get3A_108 {offsets = [0], sizes = [1], strides = [1]} : vector<16xf32> to vector<1xf32>
        %squeeze3A = vector.extract %slice3A[0] : f32 from vector<1xf32>
        %mul3A_116 = arith.constant 16 : i32
        %mul3A_117 = arith.muli %scan3A_102, %mul3A_116 : i32
        %add3A_118 = arith.addi %mul3A_72, %mul3A_117 : i32
        %add3A_119 = arith.constant 0 : i32
        %add3A_120 = arith.addi %add3A_118, %add3A_119 : i32
        %get3A_121 = arith.index_cast %add3A_120 : i32 to index
        %get3A_122 = arith.constant 0 : index
        %get3A_123 = tpu.vector_load %arg10[%get3A_121, %get3A_122] {strides = array<i32>} : memref<5120x16xf32, #tpu.memory_space<vmem>>, vector<16xf32>,
        %mul3A_124 = vector.broadcast %squeeze3A : f32 to vector<16xf32>
        %mul3A_125 = arith.mulf %mul3A_124, %get3A_123 : vector<16xf32>
        %add3A_126 = arith.addf %broadcast_in_dim3A_109, %mul3A_125 : vector<16xf32>
        %slice3A_127 = vector.extract_strided_slice %get3A_108 {offsets = [1], sizes = [1], strides = [1]} : vector<16xf32> to vector<1xf32>
        %squeeze3A_128 = vector.extract %slice3A_127[0] : f32 from vector<1xf32>
        %mul3A_129 = arith.constant 16 : i32
        %mul3A_130 = arith.muli %scan3A_102, %mul3A_129 : i32
        %add3A_131 = arith.addi %mul3A_72, %mul3A_130 : i32
        %add3A_132 = arith.constant 1 : i32
        %add3A_133 = arith.addi %add3A_131, %add3A_132 : i32
        %get3A_134 = arith.index_cast %add3A_133 : i32 to index
        %get3A_135 = arith.constant 0 : index
        %get3A_136 = tpu.vector_load %arg10[%get3A_134, %get3A_135] {strides = array<i32>} : memref<5120x16xf32, #tpu.memory_space<vmem>>, vector<16xf32>,
        %mul3A_137 = vector.broadcast %squeeze3A_128 : f32 to vector<16xf32>
        %mul3A_138 = arith.mulf %mul3A_137, %get3A_136 : vector<16xf32>
        %add3A_139 = arith.addf %broadcast_in_dim3A_111, %mul3A_138 : vector<16xf32>
        %slice3A_140 = vector.extract_strided_slice %get3A_108 {offsets = [2], sizes = [1], strides = [1]} : vector<16xf32> to vector<1xf32>
        %squeeze3A_141 = vector.extract %slice3A_140[0] : f32 from vector<1xf32>
        %mul3A_142 = arith.constant 16 : i32
        %mul3A_143 = arith.muli %scan3A_102, %mul3A_142 : i32
        %add3A_144 = arith.addi %mul3A_72, %mul3A_143 : i32
        %add3A_145 = arith.constant 2 : i32
        %add3A_146 = arith.addi %add3A_144, %add3A_145 : i32
        %get3A_147 = arith.index_cast %add3A_146 : i32 to index
        %get3A_148 = arith.constant 0 : index
        %get3A_149 = tpu.vector_load %arg10[%get3A_147, %get3A_148] {strides = array<i32>} : memref<5120x16xf32, #tpu.memory_space<vmem>>, vector<16xf32>,
        %mul3A_150 = vector.broadcast %squeeze3A_141 : f32 to vector<16xf32>
        %mul3A_151 = arith.mulf %mul3A_150, %get3A_149 : vector<16xf32>
        %add3A_152 = arith.addf %broadcast_in_dim3A_113, %mul3A_151 : vector<16xf32>
        %slice3A_153 = vector.extract_strided_slice %get3A_108 {offsets = [3], sizes = [1], strides = [1]} : vector<16xf32> to vector<1xf32>
        %squeeze3A_154 = vector.extract %slice3A_153[0] : f32 from vector<1xf32>
        %mul3A_155 = arith.constant 16 : i32
        %mul3A_156 = arith.muli %scan3A_102, %mul3A_155 : i32
        %add3A_157 = arith.addi %mul3A_72, %mul3A_156 : i32
        %add3A_158 = arith.constant 3 : i32
        %add3A_159 = arith.addi %add3A_157, %add3A_158 : i32
        %get3A_160 = arith.index_cast %add3A_159 : i32 to index
        %get3A_161 = arith.constant 0 : index
        %get3A_162 = tpu.vector_load %arg10[%get3A_160, %get3A_161] {strides = array<i32>} : memref<5120x16xf32, #tpu.memory_space<vmem>>, vector<16xf32>,
        %mul3A_163 = vector.broadcast %squeeze3A_154 : f32 to vector<16xf32>
        %mul3A_164 = arith.mulf %mul3A_163, %get3A_162 : vector<16xf32>
        %add3A_165 = arith.addf %broadcast_in_dim3A_115, %mul3A_164 : vector<16xf32>
        %slice3A_166 = vector.extract_strided_slice %get3A_108 {offsets = [4], sizes = [1], strides = [1]} : vector<16xf32> to vector<1xf32>
        %squeeze3A_167 = vector.extract %slice3A_166[0] : f32 from vector<1xf32>
        %mul3A_168 = arith.constant 16 : i32
        %mul3A_169 = arith.muli %scan3A_102, %mul3A_168 : i32
        %add3A_170 = arith.addi %mul3A_72, %mul3A_169 : i32
        %add3A_171 = arith.constant 4 : i32
        %add3A_172 = arith.addi %add3A_170, %add3A_171 : i32
        %get3A_173 = arith.index_cast %add3A_172 : i32 to index
        %get3A_174 = arith.constant 0 : index
        %get3A_175 = tpu.vector_load %arg10[%get3A_173, %get3A_174] {strides = array<i32>} : memref<5120x16xf32, #tpu.memory_space<vmem>>, vector<16xf32>,
        %mul3A_176 = vector.broadcast %squeeze3A_167 : f32 to vector<16xf32>
        %mul3A_177 = arith.mulf %mul3A_176, %get3A_175 : vector<16xf32>
        %add3A_178 = arith.addf %add3A_126, %mul3A_177 : vector<16xf32>
        %slice3A_179 = vector.extract_strided_slice %get3A_108 {offsets = [5], sizes = [1], strides = [1]} : vector<16xf32> to vector<1xf32>
        %squeeze3A_180 = vector.extract %slice3A_179[0] : f32 from vector<1xf32>
        %mul3A_181 = arith.constant 16 : i32
        %mul3A_182 = arith.muli %scan3A_102, %mul3A_181 : i32
        %add3A_183 = arith.addi %mul3A_72, %mul3A_182 : i32
        %add3A_184 = arith.constant 5 : i32
        %add3A_185 = arith.addi %add3A_183, %add3A_184 : i32
        %get3A_186 = arith.index_cast %add3A_185 : i32 to index
        %get3A_187 = arith.constant 0 : index
        %get3A_188 = tpu.vector_load %arg10[%get3A_186, %get3A_187] {strides = array<i32>} : memref<5120x16xf32, #tpu.memory_space<vmem>>, vector<16xf32>,
        %mul3A_189 = vector.broadcast %squeeze3A_180 : f32 to vector<16xf32>
        %mul3A_190 = arith.mulf %mul3A_189, %get3A_188 : vector<16xf32>
        %add3A_191 = arith.addf %add3A_139, %mul3A_190 : vector<16xf32>
        %slice3A_192 = vector.extract_strided_slice %get3A_108 {offsets = [6], sizes = [1], strides = [1]} : vector<16xf32> to vector<1xf32>
        %squeeze3A_193 = vector.extract %slice3A_192[0] : f32 from vector<1xf32>
        %mul3A_194 = arith.constant 16 : i32
        %mul3A_195 = arith.muli %scan3A_102, %mul3A_194 : i32
        %add3A_196 = arith.addi %mul3A_72, %mul3A_195 : i32
        %add3A_197 = arith.constant 6 : i32
        %add3A_198 = arith.addi %add3A_196, %add3A_197 : i32
        %get3A_199 = arith.index_cast %add3A_198 : i32 to index
        %get3A_200 = arith.constant 0 : index
        %get3A_201 = tpu.vector_load %arg10[%get3A_199, %get3A_200] {strides = array<i32>} : memref<5120x16xf32, #tpu.memory_space<vmem>>, vector<16xf32>,
        %mul3A_202 = vector.broadcast %squeeze3A_193 : f32 to vector<16xf32>
        %mul3A_203 = arith.mulf %mul3A_202, %get3A_201 : vector<16xf32>
        %add3A_204 = arith.addf %add3A_152, %mul3A_203 : vector<16xf32>
        %slice3A_205 = vector.extract_strided_slice %get3A_108 {offsets = [7], sizes = [1], strides = [1]} : vector<16xf32> to vector<1xf32>
        %squeeze3A_206 = vector.extract %slice3A_205[0] : f32 from vector<1xf32>
        %mul3A_207 = arith.constant 16 : i32
        %mul3A_208 = arith.muli %scan3A_102, %mul3A_207 : i32
        %add3A_209 = arith.addi %mul3A_72, %mul3A_208 : i32
        %add3A_210 = arith.constant 7 : i32
        %add3A_211 = arith.addi %add3A_209, %add3A_210 : i32
        %get3A_212 = arith.index_cast %add3A_211 : i32 to index
        %get3A_213 = arith.constant 0 : index
        %get3A_214 = tpu.vector_load %arg10[%get3A_212, %get3A_213] {strides = array<i32>} : memref<5120x16xf32, #tpu.memory_space<vmem>>, vector<16xf32>,
        %mul3A_215 = vector.broadcast %squeeze3A_206 : f32 to vector<16xf32>
        %mul3A_216 = arith.mulf %mul3A_215, %get3A_214 : vector<16xf32>
        %add3A_217 = arith.addf %add3A_165, %mul3A_216 : vector<16xf32>
        %slice3A_218 = vector.extract_strided_slice %get3A_108 {offsets = [8], sizes = [1], strides = [1]} : vector<16xf32> to vector<1xf32>
        %squeeze3A_219 = vector.extract %slice3A_218[0] : f32 from vector<1xf32>
        %mul3A_220 = arith.constant 16 : i32
        %mul3A_221 = arith.muli %scan3A_102, %mul3A_220 : i32
        %add3A_222 = arith.addi %mul3A_72, %mul3A_221 : i32
        %add3A_223 = arith.constant 8 : i32
        %add3A_224 = arith.addi %add3A_222, %add3A_223 : i32
        %get3A_225 = arith.index_cast %add3A_224 : i32 to index
        %get3A_226 = arith.constant 0 : index
        %get3A_227 = tpu.vector_load %arg10[%get3A_225, %get3A_226] {strides = array<i32>} : memref<5120x16xf32, #tpu.memory_space<vmem>>, vector<16xf32>,
        %mul3A_228 = vector.broadcast %squeeze3A_219 : f32 to vector<16xf32>
        %mul3A_229 = arith.mulf %mul3A_228, %get3A_227 : vector<16xf32>
        %add3A_230 = arith.addf %add3A_178, %mul3A_229 : vector<16xf32>
        %slice3A_231 = vector.extract_strided_slice %get3A_108 {offsets = [9], sizes = [1], strides = [1]} : vector<16xf32> to vector<1xf32>
        %squeeze3A_232 = vector.extract %slice3A_231[0] : f32 from vector<1xf32>
        %mul3A_233 = arith.constant 16 : i32
        %mul3A_234 = arith.muli %scan3A_102, %mul3A_233 : i32
        %add3A_235 = arith.addi %mul3A_72, %mul3A_234 : i32
        %add3A_236 = arith.constant 9 : i32
        %add3A_237 = arith.addi %add3A_235, %add3A_236 : i32
        %get3A_238 = arith.index_cast %add3A_237 : i32 to index
        %get3A_239 = arith.constant 0 : index
        %get3A_240 = tpu.vector_load %arg10[%get3A_238, %get3A_239] {strides = array<i32>} : memref<5120x16xf32, #tpu.memory_space<vmem>>, vector<16xf32>,
        %mul3A_241 = vector.broadcast %squeeze3A_232 : f32 to vector<16xf32>
        %mul3A_242 = arith.mulf %mul3A_241, %get3A_240 : vector<16xf32>
        %add3A_243 = arith.addf %add3A_191, %mul3A_242 : vector<16xf32>
        %slice3A_244 = vector.extract_strided_slice %get3A_108 {offsets = [10], sizes = [1], strides = [1]} : vector<16xf32> to vector<1xf32>
        %squeeze3A_245 = vector.extract %slice3A_244[0] : f32 from vector<1xf32>
        %mul3A_246 = arith.constant 16 : i32
        %mul3A_247 = arith.muli %scan3A_102, %mul3A_246 : i32
        %add3A_248 = arith.addi %mul3A_72, %mul3A_247 : i32
        %add3A_249 = arith.constant 10 : i32
        %add3A_250 = arith.addi %add3A_248, %add3A_249 : i32
        %get3A_251 = arith.index_cast %add3A_250 : i32 to index
        %get3A_252 = arith.constant 0 : index
        %get3A_253 = tpu.vector_load %arg10[%get3A_251, %get3A_252] {strides = array<i32>} : memref<5120x16xf32, #tpu.memory_space<vmem>>, vector<16xf32>,
        %mul3A_254 = vector.broadcast %squeeze3A_245 : f32 to vector<16xf32>
        %mul3A_255 = arith.mulf %mul3A_254, %get3A_253 : vector<16xf32>
        %add3A_256 = arith.addf %add3A_204, %mul3A_255 : vector<16xf32>
        %slice3A_257 = vector.extract_strided_slice %get3A_108 {offsets = [11], sizes = [1], strides = [1]} : vector<16xf32> to vector<1xf32>
        %squeeze3A_258 = vector.extract %slice3A_257[0] : f32 from vector<1xf32>
        %mul3A_259 = arith.constant 16 : i32
        %mul3A_260 = arith.muli %scan3A_102, %mul3A_259 : i32
        %add3A_261 = arith.addi %mul3A_72, %mul3A_260 : i32
        %add3A_262 = arith.constant 11 : i32
        %add3A_263 = arith.addi %add3A_261, %add3A_262 : i32
        %get3A_264 = arith.index_cast %add3A_263 : i32 to index
        %get3A_265 = arith.constant 0 : index
        %get3A_266 = tpu.vector_load %arg10[%get3A_264, %get3A_265] {strides = array<i32>} : memref<5120x16xf32, #tpu.memory_space<vmem>>, vector<16xf32>,
        %mul3A_267 = vector.broadcast %squeeze3A_258 : f32 to vector<16xf32>
        %mul3A_268 = arith.mulf %mul3A_267, %get3A_266 : vector<16xf32>
        %add3A_269 = arith.addf %add3A_217, %mul3A_268 : vector<16xf32>
        %slice3A_270 = vector.extract_strided_slice %get3A_108 {offsets = [12], sizes = [1], strides = [1]} : vector<16xf32> to vector<1xf32>
        %squeeze3A_271 = vector.extract %slice3A_270[0] : f32 from vector<1xf32>
        %mul3A_272 = arith.constant 16 : i32
        %mul3A_273 = arith.muli %scan3A_102, %mul3A_272 : i32
        %add3A_274 = arith.addi %mul3A_72, %mul3A_273 : i32
        %add3A_275 = arith.constant 12 : i32
        %add3A_276 = arith.addi %add3A_274, %add3A_275 : i32
        %get3A_277 = arith.index_cast %add3A_276 : i32 to index
        %get3A_278 = arith.constant 0 : index
        %get3A_279 = tpu.vector_load %arg10[%get3A_277, %get3A_278] {strides = array<i32>} : memref<5120x16xf32, #tpu.memory_space<vmem>>, vector<16xf32>,
        %mul3A_280 = vector.broadcast %squeeze3A_271 : f32 to vector<16xf32>
        %mul3A_281 = arith.mulf %mul3A_280, %get3A_279 : vector<16xf32>
        %add3A_282 = arith.addf %add3A_230, %mul3A_281 : vector<16xf32>
        %slice3A_283 = vector.extract_strided_slice %get3A_108 {offsets = [13], sizes = [1], strides = [1]} : vector<16xf32> to vector<1xf32>
        %squeeze3A_284 = vector.extract %slice3A_283[0] : f32 from vector<1xf32>
        %mul3A_285 = arith.constant 16 : i32
        %mul3A_286 = arith.muli %scan3A_102, %mul3A_285 : i32
        %add3A_287 = arith.addi %mul3A_72, %mul3A_286 : i32
        %add3A_288 = arith.constant 13 : i32
        %add3A_289 = arith.addi %add3A_287, %add3A_288 : i32
        %get3A_290 = arith.index_cast %add3A_289 : i32 to index
        %get3A_291 = arith.constant 0 : index
        %get3A_292 = tpu.vector_load %arg10[%get3A_290, %get3A_291] {strides = array<i32>} : memref<5120x16xf32, #tpu.memory_space<vmem>>, vector<16xf32>,
        %mul3A_293 = vector.broadcast %squeeze3A_284 : f32 to vector<16xf32>
        %mul3A_294 = arith.mulf %mul3A_293, %get3A_292 : vector<16xf32>
        %add3A_295 = arith.addf %add3A_243, %mul3A_294 : vector<16xf32>
        %slice3A_296 = vector.extract_strided_slice %get3A_108 {offsets = [14], sizes = [1], strides = [1]} : vector<16xf32> to vector<1xf32>
        %squeeze3A_297 = vector.extract %slice3A_296[0] : f32 from vector<1xf32>
        %mul3A_298 = arith.constant 16 : i32
        %mul3A_299 = arith.muli %scan3A_102, %mul3A_298 : i32
        %add3A_300 = arith.addi %mul3A_72, %mul3A_299 : i32
        %add3A_301 = arith.constant 14 : i32
        %add3A_302 = arith.addi %add3A_300, %add3A_301 : i32
        %get3A_303 = arith.index_cast %add3A_302 : i32 to index
        %get3A_304 = arith.constant 0 : index
        %get3A_305 = tpu.vector_load %arg10[%get3A_303, %get3A_304] {strides = array<i32>} : memref<5120x16xf32, #tpu.memory_space<vmem>>, vector<16xf32>,
        %mul3A_306 = vector.broadcast %squeeze3A_297 : f32 to vector<16xf32>
        %mul3A_307 = arith.mulf %mul3A_306, %get3A_305 : vector<16xf32>
        %add3A_308 = arith.addf %add3A_256, %mul3A_307 : vector<16xf32>
        %slice3A_309 = vector.extract_strided_slice %get3A_108 {offsets = [15], sizes = [1], strides = [1]} : vector<16xf32> to vector<1xf32>
        %squeeze3A_310 = vector.extract %slice3A_309[0] : f32 from vector<1xf32>
        %mul3A_311 = arith.constant 16 : i32
        %mul3A_312 = arith.muli %scan3A_102, %mul3A_311 : i32
        %add3A_313 = arith.addi %mul3A_72, %mul3A_312 : i32
        %add3A_314 = arith.constant 15 : i32
        %add3A_315 = arith.addi %add3A_313, %add3A_314 : i32
        %get3A_316 = arith.index_cast %add3A_315 : i32 to index
        %get3A_317 = arith.constant 0 : index
        %get3A_318 = tpu.vector_load %arg10[%get3A_316, %get3A_317] {strides = array<i32>} : memref<5120x16xf32, #tpu.memory_space<vmem>>, vector<16xf32>,
        %mul3A_319 = vector.broadcast %squeeze3A_310 : f32 to vector<16xf32>
        %mul3A_320 = arith.mulf %mul3A_319, %get3A_318 : vector<16xf32>
        %add3A_321 = arith.addf %add3A_269, %mul3A_320 : vector<16xf32>
        %add3A_322 = arith.addf %add3A_282, %add3A_295 : vector<16xf32>
        %add3A_323 = arith.addf %add3A_308, %add3A_321 : vector<16xf32>
        %add3A_324 = arith.addf %add3A_322, %add3A_323 : vector<16xf32>
        %mul3A_325 = arith.constant 16 : i32
        %mul3A_326 = arith.muli %scan3A_102, %mul3A_325 : i32
        %multiple_of3A_327 = tpu.assume_multiple %mul3A_326, 8 : i32
        %swap3A = arith.index_cast %multiple_of3A_327 : i32 to index
        %swap3A_328 = tpu.vector_load %arg11[%swap3A] {strides = array<i32>} : memref<2560xf32, #tpu.memory_space<vmem>>, vector<16xf32>,
        tpu.vector_store %arg11[%swap3A], %add3A_324 {strides = array<i32>} : memref<2560xf32, #tpu.memory_space<vmem>>, vector<16xf32>,
      }
      %scan3A_79 = arith.constant 160 : i32
      %get3A = arith.constant 0 : index
      %get3A_80 = tpu.vector_load %arg13[%get3A] {strides = array<i32>} : memref<16xf32, #tpu.memory_space<vmem>>, vector<16xf32>,
      %mul3A_81 = arith.constant 160 : i32
      %mul3A_82 = arith.muli %rem3A_44, %mul3A_81 : i32
      %scan3A_83 = arith.constant 0 : i32
      %scan3A_84 = arith.constant 0 : i32
      %scan3A_85 = arith.constant 10 : i32
      %scan3A_86 = arith.addi %scan3A_84, %scan3A_85 : i32
      %scan3A_87 = arith.constant 1 : i32
      scf.for %scan3A_102 = %scan3A_84 to %scan3A_86 step %scan3A_87  : i32 {
        %mul3A_103 = arith.constant 16 : i32
        %mul3A_104 = arith.muli %scan3A_102, %mul3A_103 : i32
        %add3A_105 = vector.broadcast %mul3A_104 : i32 to vector<16xi32>
        %add3A_106 = arith.addi %iota3A, %add3A_105 : vector<16xi32>
        %mul3A_107 = arith.constant 16 : i32
        %mul3A_108 = vector.broadcast %mul3A_107 : i32 to vector<16xi32>
        %mul3A_109 = arith.muli %add3A_106, %mul3A_108 : vector<16xi32>
        %add3A_110 = vector.broadcast %mul3A_82 : i32 to vector<16xi32>
        %add3A_111 = arith.addi %add3A_106, %add3A_110 : vector<16xi32>
        %broadcast_in_dim3A = arith.constant 0 : i32
        %broadcast_in_dim3A_112 = vector.broadcast %broadcast_in_dim3A : i32 to vector<16xi32>
        %gather3A = tpu.vector_load_idx %arg9[%add3A_111, %broadcast_in_dim3A_112] : memref<480x16xf32, #tpu.memory_space<vmem>>[vector<16xi32>, vector<16xi32>], vector<16xf32>,
        %broadcast_in_dim3A_113 = arith.constant 1 : i32
        %broadcast_in_dim3A_114 = vector.broadcast %broadcast_in_dim3A_113 : i32 to vector<16xi32>
        %gather3A_115 = tpu.vector_load_idx %arg9[%add3A_111, %broadcast_in_dim3A_114] : memref<480x16xf32, #tpu.memory_space<vmem>>[vector<16xi32>, vector<16xi32>], vector<16xf32>,
        %broadcast_in_dim3A_116 = arith.constant 2 : i32
        %broadcast_in_dim3A_117 = vector.broadcast %broadcast_in_dim3A_116 : i32 to vector<16xi32>
        %gather3A_118 = tpu.vector_load_idx %arg9[%add3A_111, %broadcast_in_dim3A_117] : memref<480x16xf32, #tpu.memory_space<vmem>>[vector<16xi32>, vector<16xi32>], vector<16xf32>,
        %broadcast_in_dim3A_119 = arith.constant 6 : i32
        %broadcast_in_dim3A_120 = vector.broadcast %broadcast_in_dim3A_119 : i32 to vector<16xi32>
        %gather3A_121 = tpu.vector_load_idx %arg9[%add3A_111, %broadcast_in_dim3A_120] : memref<480x16xf32, #tpu.memory_space<vmem>>[vector<16xi32>, vector<16xi32>], vector<16xf32>,
        %broadcast_in_dim3A_122 = arith.constant 7 : i32
        %broadcast_in_dim3A_123 = vector.broadcast %broadcast_in_dim3A_122 : i32 to vector<16xi32>
        %gather3A_124 = tpu.vector_load_idx %arg9[%add3A_111, %broadcast_in_dim3A_123] : memref<480x16xf32, #tpu.memory_space<vmem>>[vector<16xi32>, vector<16xi32>], vector<16xf32>,
        %broadcast_in_dim3A_125 = arith.constant 8 : i32
        %broadcast_in_dim3A_126 = vector.broadcast %broadcast_in_dim3A_125 : i32 to vector<16xi32>
        %gather3A_127 = tpu.vector_load_idx %arg9[%add3A_111, %broadcast_in_dim3A_126] : memref<480x16xf32, #tpu.memory_space<vmem>>[vector<16xi32>, vector<16xi32>], vector<16xf32>,
        %broadcast_in_dim3A_128 = arith.constant 9 : i32
        %broadcast_in_dim3A_129 = vector.broadcast %broadcast_in_dim3A_128 : i32 to vector<16xi32>
        %gather3A_130 = tpu.vector_load_idx %arg9[%add3A_111, %broadcast_in_dim3A_129] : memref<480x16xf32, #tpu.memory_space<vmem>>[vector<16xi32>, vector<16xi32>], vector<16xf32>,
        %broadcast_in_dim3A_131 = arith.constant 10 : i32
        %broadcast_in_dim3A_132 = vector.broadcast %broadcast_in_dim3A_131 : i32 to vector<16xi32>
        %gather3A_133 = tpu.vector_load_idx %arg9[%add3A_111, %broadcast_in_dim3A_132] : memref<480x16xf32, #tpu.memory_space<vmem>>[vector<16xi32>, vector<16xi32>], vector<16xf32>,
        %broadcast_in_dim3A_134 = arith.constant 11 : i32
        %broadcast_in_dim3A_135 = vector.broadcast %broadcast_in_dim3A_134 : i32 to vector<16xi32>
        %gather3A_136 = tpu.vector_load_idx %arg9[%add3A_111, %broadcast_in_dim3A_135] : memref<480x16xf32, #tpu.memory_space<vmem>>[vector<16xi32>, vector<16xi32>], vector<16xf32>,
        %broadcast_in_dim3A_137 = arith.constant 12 : i32
        %broadcast_in_dim3A_138 = vector.broadcast %broadcast_in_dim3A_137 : i32 to vector<16xi32>
        %gather3A_139 = tpu.vector_load_idx %arg9[%add3A_111, %broadcast_in_dim3A_138] : memref<480x16xf32, #tpu.memory_space<vmem>>[vector<16xi32>, vector<16xi32>], vector<16xf32>,
        %broadcast_in_dim3A_140 = arith.constant 13 : i32
        %broadcast_in_dim3A_141 = vector.broadcast %broadcast_in_dim3A_140 : i32 to vector<16xi32>
        %gather3A_142 = tpu.vector_load_idx %arg9[%add3A_111, %broadcast_in_dim3A_141] : memref<480x16xf32, #tpu.memory_space<vmem>>[vector<16xi32>, vector<16xi32>], vector<16xf32>,
        %broadcast_in_dim3A_143 = arith.constant 14 : i32
        %broadcast_in_dim3A_144 = vector.broadcast %broadcast_in_dim3A_143 : i32 to vector<16xi32>
        %gather3A_145 = tpu.vector_load_idx %arg9[%add3A_111, %broadcast_in_dim3A_144] : memref<480x16xf32, #tpu.memory_space<vmem>>[vector<16xi32>, vector<16xi32>], vector<16xf32>,
        %add3A_146 = arith.constant 0 : i32
        %add3A_147 = vector.broadcast %add3A_146 : i32 to vector<16xi32>
        %add3A_148 = arith.addi %mul3A_109, %add3A_147 : vector<16xi32>
        %gather3A_149 = tpu.vector_load_idx %arg11[%add3A_148] : memref<2560xf32, #tpu.memory_space<vmem>>[vector<16xi32>], vector<16xf32>,
        %add3A_150 = arith.constant 1 : i32
        %add3A_151 = vector.broadcast %add3A_150 : i32 to vector<16xi32>
        %add3A_152 = arith.addi %mul3A_109, %add3A_151 : vector<16xi32>
        %gather3A_153 = tpu.vector_load_idx %arg11[%add3A_152] : memref<2560xf32, #tpu.memory_space<vmem>>[vector<16xi32>], vector<16xf32>,
        %add3A_154 = arith.constant 2 : i32
        %add3A_155 = vector.broadcast %add3A_154 : i32 to vector<16xi32>
        %add3A_156 = arith.addi %mul3A_109, %add3A_155 : vector<16xi32>
        %gather3A_157 = tpu.vector_load_idx %arg11[%add3A_156] : memref<2560xf32, #tpu.memory_space<vmem>>[vector<16xi32>], vector<16xf32>,
        %add3A_158 = arith.constant 3 : i32
        %add3A_159 = vector.broadcast %add3A_158 : i32 to vector<16xi32>
        %add3A_160 = arith.addi %mul3A_109, %add3A_159 : vector<16xi32>
        %add3A_161 = arith.constant 0 : i32
        %add3A_162 = vector.broadcast %add3A_161 : i32 to vector<16xi32>
        %add3A_163 = arith.addi %add3A_160, %add3A_162 : vector<16xi32>
        %gather3A_164 = tpu.vector_load_idx %arg11[%add3A_163] : memref<2560xf32, #tpu.memory_space<vmem>>[vector<16xi32>], vector<16xf32>,
        %add3A_165 = arith.constant 3 : i32
        %add3A_166 = vector.broadcast %add3A_165 : i32 to vector<16xi32>
        %add3A_167 = arith.addi %mul3A_109, %add3A_166 : vector<16xi32>
        %add3A_168 = arith.constant 1 : i32
        %add3A_169 = vector.broadcast %add3A_168 : i32 to vector<16xi32>
        %add3A_170 = arith.addi %add3A_167, %add3A_169 : vector<16xi32>
        %gather3A_171 = tpu.vector_load_idx %arg11[%add3A_170] : memref<2560xf32, #tpu.memory_space<vmem>>[vector<16xi32>], vector<16xf32>,
        %add3A_172 = arith.constant 3 : i32
        %add3A_173 = vector.broadcast %add3A_172 : i32 to vector<16xi32>
        %add3A_174 = arith.addi %mul3A_109, %add3A_173 : vector<16xi32>
        %add3A_175 = arith.constant 2 : i32
        %add3A_176 = vector.broadcast %add3A_175 : i32 to vector<16xi32>
        %add3A_177 = arith.addi %add3A_174, %add3A_176 : vector<16xi32>
        %gather3A_178 = tpu.vector_load_idx %arg11[%add3A_177] : memref<2560xf32, #tpu.memory_space<vmem>>[vector<16xi32>], vector<16xf32>,
        %add3A_179 = arith.constant 6 : i32
        %add3A_180 = vector.broadcast %add3A_179 : i32 to vector<16xi32>
        %add3A_181 = arith.addi %mul3A_109, %add3A_180 : vector<16xi32>
        %add3A_182 = arith.constant 0 : i32
        %add3A_183 = vector.broadcast %add3A_182 : i32 to vector<16xi32>
        %add3A_184 = arith.addi %add3A_181, %add3A_183 : vector<16xi32>
        %gather3A_185 = tpu.vector_load_idx %arg11[%add3A_184] : memref<2560xf32, #tpu.memory_space<vmem>>[vector<16xi32>], vector<16xf32>,
        %add3A_186 = arith.constant 6 : i32
        %add3A_187 = vector.broadcast %add3A_186 : i32 to vector<16xi32>
        %add3A_188 = arith.addi %mul3A_109, %add3A_187 : vector<16xi32>
        %add3A_189 = arith.constant 1 : i32
        %add3A_190 = vector.broadcast %add3A_189 : i32 to vector<16xi32>
        %add3A_191 = arith.addi %add3A_188, %add3A_190 : vector<16xi32>
        %gather3A_192 = tpu.vector_load_idx %arg11[%add3A_191] : memref<2560xf32, #tpu.memory_space<vmem>>[vector<16xi32>], vector<16xf32>,
        %add3A_193 = arith.constant 6 : i32
        %add3A_194 = vector.broadcast %add3A_193 : i32 to vector<16xi32>
        %add3A_195 = arith.addi %mul3A_109, %add3A_194 : vector<16xi32>
        %add3A_196 = arith.constant 2 : i32
        %add3A_197 = vector.broadcast %add3A_196 : i32 to vector<16xi32>
        %add3A_198 = arith.addi %add3A_195, %add3A_197 : vector<16xi32>
        %gather3A_199 = tpu.vector_load_idx %arg11[%add3A_198] : memref<2560xf32, #tpu.memory_space<vmem>>[vector<16xi32>], vector<16xf32>,
        %add3A_200 = arith.constant 6 : i32
        %add3A_201 = vector.broadcast %add3A_200 : i32 to vector<16xi32>
        %add3A_202 = arith.addi %mul3A_109, %add3A_201 : vector<16xi32>
        %add3A_203 = arith.constant 3 : i32
        %add3A_204 = vector.broadcast %add3A_203 : i32 to vector<16xi32>
        %add3A_205 = arith.addi %add3A_202, %add3A_204 : vector<16xi32>
        %gather3A_206 = tpu.vector_load_idx %arg11[%add3A_205] : memref<2560xf32, #tpu.memory_space<vmem>>[vector<16xi32>], vector<16xf32>,
        %add3A_207 = arith.constant 6 : i32
        %add3A_208 = vector.broadcast %add3A_207 : i32 to vector<16xi32>
        %add3A_209 = arith.addi %mul3A_109, %add3A_208 : vector<16xi32>
        %add3A_210 = arith.constant 4 : i32
        %add3A_211 = vector.broadcast %add3A_210 : i32 to vector<16xi32>
        %add3A_212 = arith.addi %add3A_209, %add3A_211 : vector<16xi32>
        %gather3A_213 = tpu.vector_load_idx %arg11[%add3A_212] : memref<2560xf32, #tpu.memory_space<vmem>>[vector<16xi32>], vector<16xf32>,
        %add3A_214 = arith.constant 6 : i32
        %add3A_215 = vector.broadcast %add3A_214 : i32 to vector<16xi32>
        %add3A_216 = arith.addi %mul3A_109, %add3A_215 : vector<16xi32>
        %add3A_217 = arith.constant 5 : i32
        %add3A_218 = vector.broadcast %add3A_217 : i32 to vector<16xi32>
        %add3A_219 = arith.addi %add3A_216, %add3A_218 : vector<16xi32>
        %gather3A_220 = tpu.vector_load_idx %arg11[%add3A_219] : memref<2560xf32, #tpu.memory_space<vmem>>[vector<16xi32>], vector<16xf32>,
        %add3A_221 = arith.constant 6 : i32
        %add3A_222 = vector.broadcast %add3A_221 : i32 to vector<16xi32>
        %add3A_223 = arith.addi %mul3A_109, %add3A_222 : vector<16xi32>
        %add3A_224 = arith.constant 6 : i32
        %add3A_225 = vector.broadcast %add3A_224 : i32 to vector<16xi32>
        %add3A_226 = arith.addi %add3A_223, %add3A_225 : vector<16xi32>
        %gather3A_227 = tpu.vector_load_idx %arg11[%add3A_226] : memref<2560xf32, #tpu.memory_space<vmem>>[vector<16xi32>], vector<16xf32>,
        %add3A_228 = arith.constant 6 : i32
        %add3A_229 = vector.broadcast %add3A_228 : i32 to vector<16xi32>
        %add3A_230 = arith.addi %mul3A_109, %add3A_229 : vector<16xi32>
        %add3A_231 = arith.constant 7 : i32
        %add3A_232 = vector.broadcast %add3A_231 : i32 to vector<16xi32>
        %add3A_233 = arith.addi %add3A_230, %add3A_232 : vector<16xi32>
        %gather3A_234 = tpu.vector_load_idx %arg11[%add3A_233] : memref<2560xf32, #tpu.memory_space<vmem>>[vector<16xi32>], vector<16xf32>,
        %add3A_235 = arith.constant 6 : i32
        %add3A_236 = vector.broadcast %add3A_235 : i32 to vector<16xi32>
        %add3A_237 = arith.addi %mul3A_109, %add3A_236 : vector<16xi32>
        %add3A_238 = arith.constant 8 : i32
        %add3A_239 = vector.broadcast %add3A_238 : i32 to vector<16xi32>
        %add3A_240 = arith.addi %add3A_237, %add3A_239 : vector<16xi32>
        %gather3A_241 = tpu.vector_load_idx %arg11[%add3A_240] : memref<2560xf32, #tpu.memory_space<vmem>>[vector<16xi32>], vector<16xf32>,
        %add3A_242 = arith.constant 15 : i32
        %add3A_243 = vector.broadcast %add3A_242 : i32 to vector<16xi32>
        %add3A_244 = arith.addi %mul3A_109, %add3A_243 : vector<16xi32>
        %gather3A_245 = tpu.vector_load_idx %arg11[%add3A_244] : memref<2560xf32, #tpu.memory_space<vmem>>[vector<16xi32>], vector<16xf32>,
        %mul3A_246 = arith.mulf %gather3A_245, %gather3A : vector<16xf32>
        %sub3A = arith.subf %mul3A_246, %gather3A_149 : vector<16xf32>
        %mul3A_247 = arith.mulf %gather3A_245, %gather3A_115 : vector<16xf32>
        %sub3A_248 = arith.subf %mul3A_247, %gather3A_153 : vector<16xf32>
        %mul3A_249 = arith.mulf %gather3A_245, %gather3A_118 : vector<16xf32>
        %sub3A_250 = arith.subf %mul3A_249, %gather3A_157 : vector<16xf32>
        %neg3A = arith.constant 0.000000e+00 : f32
        %neg3A_251 = vector.broadcast %neg3A : f32 to vector<16xf32>
        %neg3A_252 = arith.subf %neg3A_251, %gather3A_164 : vector<16xf32>
        %mul3A_253 = arith.mulf %gather3A_121, %sub3A : vector<16xf32>
        %add3A_254 = arith.addf %neg3A_252, %mul3A_253 : vector<16xf32>
        %mul3A_255 = arith.mulf %gather3A_185, %gather3A : vector<16xf32>
        %add3A_256 = arith.addf %add3A_254, %mul3A_255 : vector<16xf32>
        %mul3A_257 = arith.mulf %gather3A_124, %sub3A_248 : vector<16xf32>
        %add3A_258 = arith.addf %add3A_256, %mul3A_257 : vector<16xf32>
        %mul3A_259 = arith.mulf %gather3A_192, %gather3A_115 : vector<16xf32>
        %add3A_260 = arith.addf %add3A_258, %mul3A_259 : vector<16xf32>
        %mul3A_261 = arith.mulf %gather3A_127, %sub3A_250 : vector<16xf32>
        %add3A_262 = arith.addf %add3A_260, %mul3A_261 : vector<16xf32>
        %mul3A_263 = arith.mulf %gather3A_199, %gather3A_118 : vector<16xf32>
        %add3A_264 = arith.addf %add3A_262, %mul3A_263 : vector<16xf32>
        %mul3A_265 = arith.constant 8 : i32
        %mul3A_266 = arith.muli %mul3A_265, %rem3A_42 : i32
        %add3A_267 = arith.constant 0 : i32
        %add3A_268 = arith.addi %mul3A_266, %add3A_267 : i32
        %broadcast_in_dim3A_269 = vector.broadcast %add3A_268 : i32 to vector<16xi32>
        %mul3A_270 = arith.mulf %get3A_80, %add3A_264 : vector<16xf32>
        tpu.vector_store_idx %arg12[%broadcast_in_dim3A_269, %add3A_106], %mul3A_270 : memref<16x160xf32, #tpu.memory_space<vmem>>[vector<16xi32>, vector<16xi32>], vector<16xf32>,
        %neg3A_271 = arith.constant 0.000000e+00 : f32
        %neg3A_272 = vector.broadcast %neg3A_271 : f32 to vector<16xf32>
        %neg3A_273 = arith.subf %neg3A_272, %gather3A_171 : vector<16xf32>
        %mul3A_274 = arith.mulf %gather3A_130, %sub3A : vector<16xf32>
        %add3A_275 = arith.addf %neg3A_273, %mul3A_274 : vector<16xf32>
        %mul3A_276 = arith.mulf %gather3A_206, %gather3A : vector<16xf32>
        %add3A_277 = arith.addf %add3A_275, %mul3A_276 : vector<16xf32>
        %mul3A_278 = arith.mulf %gather3A_133, %sub3A_248 : vector<16xf32>
        %add3A_279 = arith.addf %add3A_277, %mul3A_278 : vector<16xf32>
        %mul3A_280 = arith.mulf %gather3A_213, %gather3A_115 : vector<16xf32>
        %add3A_281 = arith.addf %add3A_279, %mul3A_280 : vector<16xf32>
        %mul3A_282 = arith.mulf %gather3A_136, %sub3A_250 : vector<16xf32>
        %add3A_283 = arith.addf %add3A_281, %mul3A_282 : vector<16xf32>
        %mul3A_284 = arith.mulf %gather3A_220, %gather3A_118 : vector<16xf32>
        %add3A_285 = arith.addf %add3A_283, %mul3A_284 : vector<16xf32>
        %mul3A_286 = arith.constant 8 : i32
        %mul3A_287 = arith.muli %mul3A_286, %rem3A_42 : i32
        %add3A_288 = arith.constant 1 : i32
        %add3A_289 = arith.addi %mul3A_287, %add3A_288 : i32
        %broadcast_in_dim3A_290 = vector.broadcast %add3A_289 : i32 to vector<16xi32>
        %mul3A_291 = arith.mulf %get3A_80, %add3A_285 : vector<16xf32>
        tpu.vector_store_idx %arg12[%broadcast_in_dim3A_290, %add3A_106], %mul3A_291 : memref<16x160xf32, #tpu.memory_space<vmem>>[vector<16xi32>, vector<16xi32>], vector<16xf32>,
        %neg3A_292 = arith.constant 0.000000e+00 : f32
        %neg3A_293 = vector.broadcast %neg3A_292 : f32 to vector<16xf32>
        %neg3A_294 = arith.subf %neg3A_293, %gather3A_178 : vector<16xf32>
        %mul3A_295 = arith.mulf %gather3A_139, %sub3A : vector<16xf32>
        %add3A_296 = arith.addf %neg3A_294, %mul3A_295 : vector<16xf32>
        %mul3A_297 = arith.mulf %gather3A_227, %gather3A : vector<16xf32>
        %add3A_298 = arith.addf %add3A_296, %mul3A_297 : vector<16xf32>
        %mul3A_299 = arith.mulf %gather3A_142, %sub3A_248 : vector<16xf32>
        %add3A_300 = arith.addf %add3A_298, %mul3A_299 : vector<16xf32>
        %mul3A_301 = arith.mulf %gather3A_234, %gather3A_115 : vector<16xf32>
        %add3A_302 = arith.addf %add3A_300, %mul3A_301 : vector<16xf32>
        %mul3A_303 = arith.mulf %gather3A_145, %sub3A_250 : vector<16xf32>
        %add3A_304 = arith.addf %add3A_302, %mul3A_303 : vector<16xf32>
        %mul3A_305 = arith.mulf %gather3A_241, %gather3A_118 : vector<16xf32>
        %add3A_306 = arith.addf %add3A_304, %mul3A_305 : vector<16xf32>
        %mul3A_307 = arith.constant 8 : i32
        %mul3A_308 = arith.muli %mul3A_307, %rem3A_42 : i32
        %add3A_309 = arith.constant 2 : i32
        %add3A_310 = arith.addi %mul3A_308, %add3A_309 : i32
        %broadcast_in_dim3A_311 = vector.broadcast %add3A_310 : i32 to vector<16xi32>
        %mul3A_312 = arith.mulf %get3A_80, %add3A_306 : vector<16xf32>
        tpu.vector_store_idx %arg12[%broadcast_in_dim3A_311, %add3A_106], %mul3A_312 : memref<16x160xf32, #tpu.memory_space<vmem>>[vector<16xi32>, vector<16xi32>], vector<16xf32>,
      }
      %scan3A_88 = arith.constant 10 : i32
      %mul3A_89 = arith.constant 160 : i32
      %mul3A_90 = arith.muli %mul3A_89, %add3A_41 : i32
      %multiple_of3A_91 = tpu.assume_multiple %mul3A_90, 8 : i32
      %mul3A_92 = arith.constant 8 : i32
      %mul3A_93 = arith.muli %mul3A_92, %rem3A_42 : i32
      %multiple_of3A_94 = tpu.assume_multiple %mul3A_93, 8 : i32
      %dma_start3A = arith.constant 0 : i32
      %dma_start3A_95 = tpu.memref_slice %arg12[%multiple_of3A_94, %dma_start3A] : memref<16x160xf32, #tpu.memory_space<vmem>> -> memref<3x160xf32, #tpu.memory_space<vmem>>
      %dma_start3A_96 = arith.constant 0 : i32
      %dma_start3A_97 = tpu.memref_slice %arg6[%dma_start3A_96, %multiple_of3A_91] : memref<3x100000xf32, #tpu.memory_space<hbm>> -> memref<3x160xf32, #tpu.memory_space<hbm>>
      %dma_start3A_98 = arith.constant 0 : i32
      %dma_start3A_99 = tpu.memref_slice %arg6[%dma_start3A_98, %multiple_of3A_91] : memref<3x100000xf32, #tpu.memory_space<hbm>> -> memref<3x160xf32, #tpu.memory_space<hbm>>
      %dma_start3A_100 = arith.constant 0 : i32
      %dma_start3A_101 = tpu.memref_slice %arg12[%multiple_of3A_94, %dma_start3A_100] : memref<16x160xf32, #tpu.memory_space<vmem>> -> memref<3x160xf32, #tpu.memory_space<vmem>>
      tpu.enqueue_dma source(%dma_start3A_101 : memref<3x160xf32, #tpu.memory_space<vmem>>) target(%dma_start3A_99 : memref<3x160xf32, #tpu.memory_space<hbm>>) target_semaphore(%arg16 : memref<!tpu.dma_semaphore, #tpu.memory_space<semaphore_mem>>)
    }
    %while3A_29 = arith.constant 1 : i32
    scf.for %while3A_40 = %while3A_27 to %while3A_23 step %while3A_29  : i32 {
      %add3A_41 = arith.addi %add3A_8, %while3A_40 : i32
      %rem3A = arith.constant 2 : i32
      %rem3A_42 = arith.remsi %while3A_40, %rem3A : i32
      %rem3A_43 = arith.constant 3 : i32
      %rem3A_44 = arith.remsi %while3A_40, %rem3A_43 : i32
      %add3A_45 = arith.constant 2 : i32
      %add3A_46 = arith.addi %while3A_40, %add3A_45 : i32
      %lt3A_47 = arith.cmpi slt, %add3A_46, %add3A_4 : i32
      %convert_element_type3A_48 = arith.extui %lt3A_47 : i1 to i32
      %cond3A_49 = arith.constant 0 : i32
      %cond3A_50 = arith.cmpi ne, %convert_element_type3A_48, %cond3A_49 : i32
      scf.if %cond3A_50 {
        %add3A_102 = arith.constant 2 : i32
        %add3A_103 = arith.addi %add3A_41, %add3A_102 : i32
        %add3A_104 = arith.constant 2 : i32
        %add3A_105 = arith.addi %while3A_40, %add3A_104 : i32
        %rem3A_106 = arith.constant 3 : i32
        %rem3A_107 = arith.remsi %add3A_105, %rem3A_106 : i32
        %mul3A_108 = arith.constant 2560 : i32
        %mul3A_109 = arith.muli %mul3A_108, %add3A_103 : i32
        %multiple_of3A_110 = tpu.assume_multiple %mul3A_109, 8 : i32
        %mul3A_111 = arith.constant 160 : i32
        %mul3A_112 = arith.muli %mul3A_111, %add3A_103 : i32
        %multiple_of3A_113 = tpu.assume_multiple %mul3A_112, 8 : i32
        %mul3A_114 = arith.constant 2560 : i32
        %mul3A_115 = arith.muli %rem3A_107, %mul3A_114 : i32
        %multiple_of3A_116 = tpu.assume_multiple %mul3A_115, 8 : i32
        %mul3A_117 = arith.constant 160 : i32
        %mul3A_118 = arith.muli %rem3A_107, %mul3A_117 : i32
        %multiple_of3A_119 = tpu.assume_multiple %mul3A_118, 8 : i32
        %dma_start3A_120 = tpu.memref_slice %arg7[%multiple_of3A_116] : memref<7680xi32, #tpu.memory_space<vmem>> -> memref<2560xi32, #tpu.memory_space<vmem>>
        %dma_start3A_121 = tpu.memref_slice %arg3[%multiple_of3A_110] : memref<1600000xi32, #tpu.memory_space<hbm>> -> memref<2560xi32, #tpu.memory_space<hbm>>
        %dma_start3A_122 = tpu.memref_slice %arg7[%multiple_of3A_116] : memref<7680xi32, #tpu.memory_space<vmem>> -> memref<2560xi32, #tpu.memory_space<vmem>>
        %dma_start3A_123 = tpu.memref_slice %arg3[%multiple_of3A_110] : memref<1600000xi32, #tpu.memory_space<hbm>> -> memref<2560xi32, #tpu.memory_space<hbm>>
        tpu.enqueue_dma source(%dma_start3A_123 : memref<2560xi32, #tpu.memory_space<hbm>>) target(%dma_start3A_122 : memref<2560xi32, #tpu.memory_space<vmem>>) target_semaphore(%arg14 : memref<!tpu.dma_semaphore, #tpu.memory_space<semaphore_mem>>)
        %dma_start3A_124 = tpu.memref_slice %arg8[%multiple_of3A_116] : memref<7680xf32, #tpu.memory_space<vmem>> -> memref<2560xf32, #tpu.memory_space<vmem>>
        %dma_start3A_125 = tpu.memref_slice %arg4[%multiple_of3A_110] : memref<1600000xf32, #tpu.memory_space<hbm>> -> memref<2560xf32, #tpu.memory_space<hbm>>
        %dma_start3A_126 = tpu.memref_slice %arg8[%multiple_of3A_116] : memref<7680xf32, #tpu.memory_space<vmem>> -> memref<2560xf32, #tpu.memory_space<vmem>>
        %dma_start3A_127 = tpu.memref_slice %arg4[%multiple_of3A_110] : memref<1600000xf32, #tpu.memory_space<hbm>> -> memref<2560xf32, #tpu.memory_space<hbm>>
        tpu.enqueue_dma source(%dma_start3A_127 : memref<2560xf32, #tpu.memory_space<hbm>>) target(%dma_start3A_126 : memref<2560xf32, #tpu.memory_space<vmem>>) target_semaphore(%arg14 : memref<!tpu.dma_semaphore, #tpu.memory_space<semaphore_mem>>)
        %dma_start3A_128 = arith.constant 0 : i32
        %dma_start3A_129 = tpu.memref_slice %arg9[%multiple_of3A_119, %dma_start3A_128] : memref<480x16xf32, #tpu.memory_space<vmem>> -> memref<160x16xf32, #tpu.memory_space<vmem>>
        %dma_start3A_130 = arith.constant 0 : i32
        %dma_start3A_131 = tpu.memref_slice %arg2[%multiple_of3A_113, %dma_start3A_130] : memref<100000x16xf32, #tpu.memory_space<hbm>> -> memref<160x16xf32, #tpu.memory_space<hbm>>
        %dma_start3A_132 = arith.constant 0 : i32
        %dma_start3A_133 = tpu.memref_slice %arg9[%multiple_of3A_119, %dma_start3A_132] : memref<480x16xf32, #tpu.memory_space<vmem>> -> memref<160x16xf32, #tpu.memory_space<vmem>>
        %dma_start3A_134 = arith.constant 0 : i32
        %dma_start3A_135 = tpu.memref_slice %arg2[%multiple_of3A_113, %dma_start3A_134] : memref<100000x16xf32, #tpu.memory_space<hbm>> -> memref<160x16xf32, #tpu.memory_space<hbm>>
        tpu.enqueue_dma source(%dma_start3A_135 : memref<160x16xf32, #tpu.memory_space<hbm>>) target(%dma_start3A_133 : memref<160x16xf32, #tpu.memory_space<vmem>>) target_semaphore(%arg14 : memref<!tpu.dma_semaphore, #tpu.memory_space<semaphore_mem>>)
      } else {
      }
      %add3A_51 = arith.constant 1 : i32
      %add3A_52 = arith.addi %while3A_40, %add3A_51 : i32
      %lt3A_53 = arith.cmpi slt, %add3A_52, %add3A_4 : i32
      %convert_element_type3A_54 = arith.extui %lt3A_53 : i1 to i32
      %cond3A_55 = arith.constant 0 : i32
      %cond3A_56 = arith.cmpi ne, %convert_element_type3A_54, %cond3A_55 : i32
      scf.if %cond3A_56 {
        %add3A_102 = arith.constant 1 : i32
        %add3A_103 = arith.addi %while3A_40, %add3A_102 : i32
        %rem3A_104 = arith.constant 3 : i32
        %rem3A_105 = arith.remsi %add3A_103, %rem3A_104 : i32
        %add3A_106 = arith.constant 1 : i32
        %add3A_107 = arith.addi %add3A_41, %add3A_106 : i32
        %mul3A_108 = arith.constant 2560 : i32
        %mul3A_109 = arith.muli %mul3A_108, %add3A_107 : i32
        %multiple_of3A_110 = tpu.assume_multiple %mul3A_109, 8 : i32
        %mul3A_111 = arith.constant 160 : i32
        %mul3A_112 = arith.muli %mul3A_111, %add3A_107 : i32
        %multiple_of3A_113 = tpu.assume_multiple %mul3A_112, 8 : i32
        %mul3A_114 = arith.constant 2560 : i32
        %mul3A_115 = arith.muli %rem3A_105, %mul3A_114 : i32
        %multiple_of3A_116 = tpu.assume_multiple %mul3A_115, 8 : i32
        %mul3A_117 = arith.constant 160 : i32
        %mul3A_118 = arith.muli %rem3A_105, %mul3A_117 : i32
        %multiple_of3A_119 = tpu.assume_multiple %mul3A_118, 8 : i32
        %dma_wait3A_120 = tpu.memref_slice %arg7[%multiple_of3A_116] : memref<7680xi32, #tpu.memory_space<vmem>> -> memref<2560xi32, #tpu.memory_space<vmem>>
        %dma_wait3A_121 = tpu.memref_slice %arg3[%multiple_of3A_110] : memref<1600000xi32, #tpu.memory_space<hbm>> -> memref<2560xi32, #tpu.memory_space<hbm>>
        %dma_wait3A_122 = tpu.memref_slice %arg7[%multiple_of3A_116] : memref<7680xi32, #tpu.memory_space<vmem>> -> memref<2560xi32, #tpu.memory_space<vmem>>
        %dma_wait3A_123 = tpu.memref_slice %arg3[%multiple_of3A_110] : memref<1600000xi32, #tpu.memory_space<hbm>> -> memref<2560xi32, #tpu.memory_space<hbm>>
        tpu.wait_dma2 semaphore(%arg14 : memref<!tpu.dma_semaphore, #tpu.memory_space<semaphore_mem>>) src(%dma_wait3A_123 : memref<2560xi32, #tpu.memory_space<hbm>>) dst(%dma_wait3A_122 : memref<2560xi32, #tpu.memory_space<vmem>>)
        %dma_wait3A_124 = tpu.memref_slice %arg8[%multiple_of3A_116] : memref<7680xf32, #tpu.memory_space<vmem>> -> memref<2560xf32, #tpu.memory_space<vmem>>
        %dma_wait3A_125 = tpu.memref_slice %arg4[%multiple_of3A_110] : memref<1600000xf32, #tpu.memory_space<hbm>> -> memref<2560xf32, #tpu.memory_space<hbm>>
        %dma_wait3A_126 = tpu.memref_slice %arg8[%multiple_of3A_116] : memref<7680xf32, #tpu.memory_space<vmem>> -> memref<2560xf32, #tpu.memory_space<vmem>>
        %dma_wait3A_127 = tpu.memref_slice %arg4[%multiple_of3A_110] : memref<1600000xf32, #tpu.memory_space<hbm>> -> memref<2560xf32, #tpu.memory_space<hbm>>
        tpu.wait_dma2 semaphore(%arg14 : memref<!tpu.dma_semaphore, #tpu.memory_space<semaphore_mem>>) src(%dma_wait3A_127 : memref<2560xf32, #tpu.memory_space<hbm>>) dst(%dma_wait3A_126 : memref<2560xf32, #tpu.memory_space<vmem>>)
        %dma_wait3A_128 = arith.constant 0 : i32
        %dma_wait3A_129 = tpu.memref_slice %arg9[%multiple_of3A_119, %dma_wait3A_128] : memref<480x16xf32, #tpu.memory_space<vmem>> -> memref<160x16xf32, #tpu.memory_space<vmem>>
        %dma_wait3A_130 = arith.constant 0 : i32
        %dma_wait3A_131 = tpu.memref_slice %arg2[%multiple_of3A_113, %dma_wait3A_130] : memref<100000x16xf32, #tpu.memory_space<hbm>> -> memref<160x16xf32, #tpu.memory_space<hbm>>
        %dma_wait3A_132 = arith.constant 0 : i32
        %dma_wait3A_133 = tpu.memref_slice %arg9[%multiple_of3A_119, %dma_wait3A_132] : memref<480x16xf32, #tpu.memory_space<vmem>> -> memref<160x16xf32, #tpu.memory_space<vmem>>
        %dma_wait3A_134 = arith.constant 0 : i32
        %dma_wait3A_135 = tpu.memref_slice %arg2[%multiple_of3A_113, %dma_wait3A_134] : memref<100000x16xf32, #tpu.memory_space<hbm>> -> memref<160x16xf32, #tpu.memory_space<hbm>>
        tpu.wait_dma2 semaphore(%arg14 : memref<!tpu.dma_semaphore, #tpu.memory_space<semaphore_mem>>) src(%dma_wait3A_135 : memref<160x16xf32, #tpu.memory_space<hbm>>) dst(%dma_wait3A_133 : memref<160x16xf32, #tpu.memory_space<vmem>>)
        %sub3A = arith.constant 1 : i32
        %sub3A_136 = arith.subi %sub3A, %rem3A_42 : i32
        %mul3A_137 = arith.constant 2560 : i32
        %mul3A_138 = arith.muli %rem3A_105, %mul3A_137 : i32
        %multiple_of3A_139 = tpu.assume_multiple %mul3A_138, 8 : i32
        %mul3A_140 = arith.constant 2560 : i32
        %mul3A_141 = arith.muli %sub3A_136, %mul3A_140 : i32
        %multiple_of3A_142 = tpu.assume_multiple %mul3A_141, 8 : i32
        %dma_start3A_143 = arith.constant 0 : i32
        %dma_start3A_144 = tpu.memref_slice %arg10[%multiple_of3A_142, %dma_start3A_143] : memref<5120x16xf32, #tpu.memory_space<vmem>> -> memref<2560x16xf32, #tpu.memory_space<vmem>>
        %dma_start3A_145 = tpu.memref_slice %arg7[%multiple_of3A_139] : memref<7680xi32, #tpu.memory_space<vmem>> -> memref<2560xi32, #tpu.memory_space<vmem>>
        %dma_start3A_146 = arith.constant 0 : i32
        %dma_start3A_147 = arith.constant 0 : i32
        %dma_start3A_148 = tpu.memref_slice %arg2[%dma_start3A_146, %dma_start3A_147] : memref<100000x16xf32, #tpu.memory_space<hbm>> -> memref<100000x16xf32, #tpu.memory_space<hbm>>
        tpu.enqueue_indirect_dma source(%dma_start3A_148 : memref<100000x16xf32, #tpu.memory_space<hbm>>) target(%dma_start3A_144 : memref<2560x16xf32, #tpu.memory_space<vmem>>) offsets(%dma_start3A_145 : memref<2560xi32, #tpu.memory_space<vmem>>) semaphore(%arg15 : memref<!tpu.dma_semaphore, #tpu.memory_space<semaphore_mem>>)
      } else {
      }
      %mul3A_57 = arith.constant 2560 : i32
      %mul3A_58 = arith.muli %rem3A_44, %mul3A_57 : i32
      %multiple_of3A = tpu.assume_multiple %mul3A_58, 8 : i32
      %mul3A_59 = arith.constant 2560 : i32
      %mul3A_60 = arith.muli %rem3A_42, %mul3A_59 : i32
      %multiple_of3A_61 = tpu.assume_multiple %mul3A_60, 8 : i32
      %dma_wait3A = arith.constant 0 : i32
      %dma_wait3A_62 = tpu.memref_slice %arg10[%multiple_of3A_61, %dma_wait3A] : memref<5120x16xf32, #tpu.memory_space<vmem>> -> memref<2560x16xf32, #tpu.memory_space<vmem>>
      %dma_wait3A_63 = tpu.memref_slice %arg7[%multiple_of3A] : memref<7680xi32, #tpu.memory_space<vmem>> -> memref<2560xi32, #tpu.memory_space<vmem>>
      %dma_wait3A_64 = arith.constant 0 : i32
      %dma_wait3A_65 = arith.constant 0 : i32
      %dma_wait3A_66 = tpu.memref_slice %arg2[%dma_wait3A_64, %dma_wait3A_65] : memref<100000x16xf32, #tpu.memory_space<hbm>> -> memref<100000x16xf32, #tpu.memory_space<hbm>>
      tpu.wait_indirect_dma semaphore(%arg15 : memref<!tpu.dma_semaphore, #tpu.memory_space<semaphore_mem>>) src(%dma_wait3A_66 : memref<100000x16xf32, #tpu.memory_space<hbm>>) dst(%dma_wait3A_62 : memref<2560x16xf32, #tpu.memory_space<vmem>>)
      %ge3A = arith.constant 2 : i32
      %ge3A_67 = arith.cmpi sge, %while3A_40, %ge3A : i32
      %convert_element_type3A_68 = arith.extui %ge3A_67 : i1 to i32
      %cond3A_69 = arith.constant 0 : i32
      %cond3A_70 = arith.cmpi ne, %convert_element_type3A_68, %cond3A_69 : i32
      scf.if %cond3A_70 {
        %sub3A = arith.constant 2 : i32
        %sub3A_102 = arith.subi %add3A_41, %sub3A : i32
        %mul3A_103 = arith.constant 160 : i32
        %mul3A_104 = arith.muli %mul3A_103, %sub3A_102 : i32
        %multiple_of3A_105 = tpu.assume_multiple %mul3A_104, 8 : i32
        %mul3A_106 = arith.constant 8 : i32
        %mul3A_107 = arith.muli %mul3A_106, %rem3A_42 : i32
        %multiple_of3A_108 = tpu.assume_multiple %mul3A_107, 8 : i32
        %dma_wait3A_109 = arith.constant 0 : i32
        %dma_wait3A_110 = tpu.memref_slice %arg12[%multiple_of3A_108, %dma_wait3A_109] : memref<16x160xf32, #tpu.memory_space<vmem>> -> memref<3x160xf32, #tpu.memory_space<vmem>>
        %dma_wait3A_111 = arith.constant 0 : i32
        %dma_wait3A_112 = tpu.memref_slice %arg6[%dma_wait3A_111, %multiple_of3A_105] : memref<3x100000xf32, #tpu.memory_space<hbm>> -> memref<3x160xf32, #tpu.memory_space<hbm>>
        %dma_wait3A_113 = arith.constant 0 : i32
        %dma_wait3A_114 = tpu.memref_slice %arg6[%dma_wait3A_113, %multiple_of3A_105] : memref<3x100000xf32, #tpu.memory_space<hbm>> -> memref<3x160xf32, #tpu.memory_space<hbm>>
        %dma_wait3A_115 = arith.constant 0 : i32
        %dma_wait3A_116 = tpu.memref_slice %arg12[%multiple_of3A_108, %dma_wait3A_115] : memref<16x160xf32, #tpu.memory_space<vmem>> -> memref<3x160xf32, #tpu.memory_space<vmem>>
        tpu.wait_dma2 semaphore(%arg16 : memref<!tpu.dma_semaphore, #tpu.memory_space<semaphore_mem>>) src(%dma_wait3A_116 : memref<3x160xf32, #tpu.memory_space<vmem>>) dst(%dma_wait3A_114 : memref<3x160xf32, #tpu.memory_space<hbm>>)
      } else {
      }
      %mul3A_71 = arith.constant 2560 : i32
      %mul3A_72 = arith.muli %rem3A_42, %mul3A_71 : i32
      %mul3A_73 = arith.constant 2560 : i32
      %mul3A_74 = arith.muli %rem3A_44, %mul3A_73 : i32
      %scan3A = arith.constant 0 : i32
      %scan3A_75 = arith.constant 0 : i32
      %scan3A_76 = arith.constant 160 : i32
      %scan3A_77 = arith.addi %scan3A_75, %scan3A_76 : i32
      %scan3A_78 = arith.constant 1 : i32
      scf.for %scan3A_102 = %scan3A_75 to %scan3A_77 step %scan3A_78  : i32 {
        %mul3A_103 = arith.constant 16 : i32
        %mul3A_104 = arith.muli %scan3A_102, %mul3A_103 : i32
        %add3A_105 = arith.addi %mul3A_74, %mul3A_104 : i32
        %multiple_of3A_106 = tpu.assume_multiple %add3A_105, 8 : i32
        %get3A_107 = arith.index_cast %multiple_of3A_106 : i32 to index
        %get3A_108 = tpu.vector_load %arg8[%get3A_107] {strides = array<i32>} : memref<7680xf32, #tpu.memory_space<vmem>>, vector<16xf32>,
        %broadcast_in_dim3A = arith.constant 0.000000e+00 : f32
        %broadcast_in_dim3A_109 = vector.broadcast %broadcast_in_dim3A : f32 to vector<16xf32>
        %broadcast_in_dim3A_110 = arith.constant 0.000000e+00 : f32
        %broadcast_in_dim3A_111 = vector.broadcast %broadcast_in_dim3A_110 : f32 to vector<16xf32>
        %broadcast_in_dim3A_112 = arith.constant 0.000000e+00 : f32
        %broadcast_in_dim3A_113 = vector.broadcast %broadcast_in_dim3A_112 : f32 to vector<16xf32>
        %broadcast_in_dim3A_114 = arith.constant 0.000000e+00 : f32
        %broadcast_in_dim3A_115 = vector.broadcast %broadcast_in_dim3A_114 : f32 to vector<16xf32>
        %slice3A = vector.extract_strided_slice %get3A_108 {offsets = [0], sizes = [1], strides = [1]} : vector<16xf32> to vector<1xf32>
        %squeeze3A = vector.extract %slice3A[0] : f32 from vector<1xf32>
        %mul3A_116 = arith.constant 16 : i32
        %mul3A_117 = arith.muli %scan3A_102, %mul3A_116 : i32
        %add3A_118 = arith.addi %mul3A_72, %mul3A_117 : i32
        %add3A_119 = arith.constant 0 : i32
        %add3A_120 = arith.addi %add3A_118, %add3A_119 : i32
        %get3A_121 = arith.index_cast %add3A_120 : i32 to index
        %get3A_122 = arith.constant 0 : index
        %get3A_123 = tpu.vector_load %arg10[%get3A_121, %get3A_122] {strides = array<i32>} : memref<5120x16xf32, #tpu.memory_space<vmem>>, vector<16xf32>,
        %mul3A_124 = vector.broadcast %squeeze3A : f32 to vector<16xf32>
        %mul3A_125 = arith.mulf %mul3A_124, %get3A_123 : vector<16xf32>
        %add3A_126 = arith.addf %broadcast_in_dim3A_109, %mul3A_125 : vector<16xf32>
        %slice3A_127 = vector.extract_strided_slice %get3A_108 {offsets = [1], sizes = [1], strides = [1]} : vector<16xf32> to vector<1xf32>
        %squeeze3A_128 = vector.extract %slice3A_127[0] : f32 from vector<1xf32>
        %mul3A_129 = arith.constant 16 : i32
        %mul3A_130 = arith.muli %scan3A_102, %mul3A_129 : i32
        %add3A_131 = arith.addi %mul3A_72, %mul3A_130 : i32
        %add3A_132 = arith.constant 1 : i32
        %add3A_133 = arith.addi %add3A_131, %add3A_132 : i32
        %get3A_134 = arith.index_cast %add3A_133 : i32 to index
        %get3A_135 = arith.constant 0 : index
        %get3A_136 = tpu.vector_load %arg10[%get3A_134, %get3A_135] {strides = array<i32>} : memref<5120x16xf32, #tpu.memory_space<vmem>>, vector<16xf32>,
        %mul3A_137 = vector.broadcast %squeeze3A_128 : f32 to vector<16xf32>
        %mul3A_138 = arith.mulf %mul3A_137, %get3A_136 : vector<16xf32>
        %add3A_139 = arith.addf %broadcast_in_dim3A_111, %mul3A_138 : vector<16xf32>
        %slice3A_140 = vector.extract_strided_slice %get3A_108 {offsets = [2], sizes = [1], strides = [1]} : vector<16xf32> to vector<1xf32>
        %squeeze3A_141 = vector.extract %slice3A_140[0] : f32 from vector<1xf32>
        %mul3A_142 = arith.constant 16 : i32
        %mul3A_143 = arith.muli %scan3A_102, %mul3A_142 : i32
        %add3A_144 = arith.addi %mul3A_72, %mul3A_143 : i32
        %add3A_145 = arith.constant 2 : i32
        %add3A_146 = arith.addi %add3A_144, %add3A_145 : i32
        %get3A_147 = arith.index_cast %add3A_146 : i32 to index
        %get3A_148 = arith.constant 0 : index
        %get3A_149 = tpu.vector_load %arg10[%get3A_147, %get3A_148] {strides = array<i32>} : memref<5120x16xf32, #tpu.memory_space<vmem>>, vector<16xf32>,
        %mul3A_150 = vector.broadcast %squeeze3A_141 : f32 to vector<16xf32>
        %mul3A_151 = arith.mulf %mul3A_150, %get3A_149 : vector<16xf32>
        %add3A_152 = arith.addf %broadcast_in_dim3A_113, %mul3A_151 : vector<16xf32>
        %slice3A_153 = vector.extract_strided_slice %get3A_108 {offsets = [3], sizes = [1], strides = [1]} : vector<16xf32> to vector<1xf32>
        %squeeze3A_154 = vector.extract %slice3A_153[0] : f32 from vector<1xf32>
        %mul3A_155 = arith.constant 16 : i32
        %mul3A_156 = arith.muli %scan3A_102, %mul3A_155 : i32
        %add3A_157 = arith.addi %mul3A_72, %mul3A_156 : i32
        %add3A_158 = arith.constant 3 : i32
        %add3A_159 = arith.addi %add3A_157, %add3A_158 : i32
        %get3A_160 = arith.index_cast %add3A_159 : i32 to index
        %get3A_161 = arith.constant 0 : index
        %get3A_162 = tpu.vector_load %arg10[%get3A_160, %get3A_161] {strides = array<i32>} : memref<5120x16xf32, #tpu.memory_space<vmem>>, vector<16xf32>,
        %mul3A_163 = vector.broadcast %squeeze3A_154 : f32 to vector<16xf32>
        %mul3A_164 = arith.mulf %mul3A_163, %get3A_162 : vector<16xf32>
        %add3A_165 = arith.addf %broadcast_in_dim3A_115, %mul3A_164 : vector<16xf32>
        %slice3A_166 = vector.extract_strided_slice %get3A_108 {offsets = [4], sizes = [1], strides = [1]} : vector<16xf32> to vector<1xf32>
        %squeeze3A_167 = vector.extract %slice3A_166[0] : f32 from vector<1xf32>
        %mul3A_168 = arith.constant 16 : i32
        %mul3A_169 = arith.muli %scan3A_102, %mul3A_168 : i32
        %add3A_170 = arith.addi %mul3A_72, %mul3A_169 : i32
        %add3A_171 = arith.constant 4 : i32
        %add3A_172 = arith.addi %add3A_170, %add3A_171 : i32
        %get3A_173 = arith.index_cast %add3A_172 : i32 to index
        %get3A_174 = arith.constant 0 : index
        %get3A_175 = tpu.vector_load %arg10[%get3A_173, %get3A_174] {strides = array<i32>} : memref<5120x16xf32, #tpu.memory_space<vmem>>, vector<16xf32>,
        %mul3A_176 = vector.broadcast %squeeze3A_167 : f32 to vector<16xf32>
        %mul3A_177 = arith.mulf %mul3A_176, %get3A_175 : vector<16xf32>
        %add3A_178 = arith.addf %add3A_126, %mul3A_177 : vector<16xf32>
        %slice3A_179 = vector.extract_strided_slice %get3A_108 {offsets = [5], sizes = [1], strides = [1]} : vector<16xf32> to vector<1xf32>
        %squeeze3A_180 = vector.extract %slice3A_179[0] : f32 from vector<1xf32>
        %mul3A_181 = arith.constant 16 : i32
        %mul3A_182 = arith.muli %scan3A_102, %mul3A_181 : i32
        %add3A_183 = arith.addi %mul3A_72, %mul3A_182 : i32
        %add3A_184 = arith.constant 5 : i32
        %add3A_185 = arith.addi %add3A_183, %add3A_184 : i32
        %get3A_186 = arith.index_cast %add3A_185 : i32 to index
        %get3A_187 = arith.constant 0 : index
        %get3A_188 = tpu.vector_load %arg10[%get3A_186, %get3A_187] {strides = array<i32>} : memref<5120x16xf32, #tpu.memory_space<vmem>>, vector<16xf32>,
        %mul3A_189 = vector.broadcast %squeeze3A_180 : f32 to vector<16xf32>
        %mul3A_190 = arith.mulf %mul3A_189, %get3A_188 : vector<16xf32>
        %add3A_191 = arith.addf %add3A_139, %mul3A_190 : vector<16xf32>
        %slice3A_192 = vector.extract_strided_slice %get3A_108 {offsets = [6], sizes = [1], strides = [1]} : vector<16xf32> to vector<1xf32>
        %squeeze3A_193 = vector.extract %slice3A_192[0] : f32 from vector<1xf32>
        %mul3A_194 = arith.constant 16 : i32
        %mul3A_195 = arith.muli %scan3A_102, %mul3A_194 : i32
        %add3A_196 = arith.addi %mul3A_72, %mul3A_195 : i32
        %add3A_197 = arith.constant 6 : i32
        %add3A_198 = arith.addi %add3A_196, %add3A_197 : i32
        %get3A_199 = arith.index_cast %add3A_198 : i32 to index
        %get3A_200 = arith.constant 0 : index
        %get3A_201 = tpu.vector_load %arg10[%get3A_199, %get3A_200] {strides = array<i32>} : memref<5120x16xf32, #tpu.memory_space<vmem>>, vector<16xf32>,
        %mul3A_202 = vector.broadcast %squeeze3A_193 : f32 to vector<16xf32>
        %mul3A_203 = arith.mulf %mul3A_202, %get3A_201 : vector<16xf32>
        %add3A_204 = arith.addf %add3A_152, %mul3A_203 : vector<16xf32>
        %slice3A_205 = vector.extract_strided_slice %get3A_108 {offsets = [7], sizes = [1], strides = [1]} : vector<16xf32> to vector<1xf32>
        %squeeze3A_206 = vector.extract %slice3A_205[0] : f32 from vector<1xf32>
        %mul3A_207 = arith.constant 16 : i32
        %mul3A_208 = arith.muli %scan3A_102, %mul3A_207 : i32
        %add3A_209 = arith.addi %mul3A_72, %mul3A_208 : i32
        %add3A_210 = arith.constant 7 : i32
        %add3A_211 = arith.addi %add3A_209, %add3A_210 : i32
        %get3A_212 = arith.index_cast %add3A_211 : i32 to index
        %get3A_213 = arith.constant 0 : index
        %get3A_214 = tpu.vector_load %arg10[%get3A_212, %get3A_213] {strides = array<i32>} : memref<5120x16xf32, #tpu.memory_space<vmem>>, vector<16xf32>,
        %mul3A_215 = vector.broadcast %squeeze3A_206 : f32 to vector<16xf32>
        %mul3A_216 = arith.mulf %mul3A_215, %get3A_214 : vector<16xf32>
        %add3A_217 = arith.addf %add3A_165, %mul3A_216 : vector<16xf32>
        %slice3A_218 = vector.extract_strided_slice %get3A_108 {offsets = [8], sizes = [1], strides = [1]} : vector<16xf32> to vector<1xf32>
        %squeeze3A_219 = vector.extract %slice3A_218[0] : f32 from vector<1xf32>
        %mul3A_220 = arith.constant 16 : i32
        %mul3A_221 = arith.muli %scan3A_102, %mul3A_220 : i32
        %add3A_222 = arith.addi %mul3A_72, %mul3A_221 : i32
        %add3A_223 = arith.constant 8 : i32
        %add3A_224 = arith.addi %add3A_222, %add3A_223 : i32
        %get3A_225 = arith.index_cast %add3A_224 : i32 to index
        %get3A_226 = arith.constant 0 : index
        %get3A_227 = tpu.vector_load %arg10[%get3A_225, %get3A_226] {strides = array<i32>} : memref<5120x16xf32, #tpu.memory_space<vmem>>, vector<16xf32>,
        %mul3A_228 = vector.broadcast %squeeze3A_219 : f32 to vector<16xf32>
        %mul3A_229 = arith.mulf %mul3A_228, %get3A_227 : vector<16xf32>
        %add3A_230 = arith.addf %add3A_178, %mul3A_229 : vector<16xf32>
        %slice3A_231 = vector.extract_strided_slice %get3A_108 {offsets = [9], sizes = [1], strides = [1]} : vector<16xf32> to vector<1xf32>
        %squeeze3A_232 = vector.extract %slice3A_231[0] : f32 from vector<1xf32>
        %mul3A_233 = arith.constant 16 : i32
        %mul3A_234 = arith.muli %scan3A_102, %mul3A_233 : i32
        %add3A_235 = arith.addi %mul3A_72, %mul3A_234 : i32
        %add3A_236 = arith.constant 9 : i32
        %add3A_237 = arith.addi %add3A_235, %add3A_236 : i32
        %get3A_238 = arith.index_cast %add3A_237 : i32 to index
        %get3A_239 = arith.constant 0 : index
        %get3A_240 = tpu.vector_load %arg10[%get3A_238, %get3A_239] {strides = array<i32>} : memref<5120x16xf32, #tpu.memory_space<vmem>>, vector<16xf32>,
        %mul3A_241 = vector.broadcast %squeeze3A_232 : f32 to vector<16xf32>
        %mul3A_242 = arith.mulf %mul3A_241, %get3A_240 : vector<16xf32>
        %add3A_243 = arith.addf %add3A_191, %mul3A_242 : vector<16xf32>
        %slice3A_244 = vector.extract_strided_slice %get3A_108 {offsets = [10], sizes = [1], strides = [1]} : vector<16xf32> to vector<1xf32>
        %squeeze3A_245 = vector.extract %slice3A_244[0] : f32 from vector<1xf32>
        %mul3A_246 = arith.constant 16 : i32
        %mul3A_247 = arith.muli %scan3A_102, %mul3A_246 : i32
        %add3A_248 = arith.addi %mul3A_72, %mul3A_247 : i32
        %add3A_249 = arith.constant 10 : i32
        %add3A_250 = arith.addi %add3A_248, %add3A_249 : i32
        %get3A_251 = arith.index_cast %add3A_250 : i32 to index
        %get3A_252 = arith.constant 0 : index
        %get3A_253 = tpu.vector_load %arg10[%get3A_251, %get3A_252] {strides = array<i32>} : memref<5120x16xf32, #tpu.memory_space<vmem>>, vector<16xf32>,
        %mul3A_254 = vector.broadcast %squeeze3A_245 : f32 to vector<16xf32>
        %mul3A_255 = arith.mulf %mul3A_254, %get3A_253 : vector<16xf32>
        %add3A_256 = arith.addf %add3A_204, %mul3A_255 : vector<16xf32>
        %slice3A_257 = vector.extract_strided_slice %get3A_108 {offsets = [11], sizes = [1], strides = [1]} : vector<16xf32> to vector<1xf32>
        %squeeze3A_258 = vector.extract %slice3A_257[0] : f32 from vector<1xf32>
        %mul3A_259 = arith.constant 16 : i32
        %mul3A_260 = arith.muli %scan3A_102, %mul3A_259 : i32
        %add3A_261 = arith.addi %mul3A_72, %mul3A_260 : i32
        %add3A_262 = arith.constant 11 : i32
        %add3A_263 = arith.addi %add3A_261, %add3A_262 : i32
        %get3A_264 = arith.index_cast %add3A_263 : i32 to index
        %get3A_265 = arith.constant 0 : index
        %get3A_266 = tpu.vector_load %arg10[%get3A_264, %get3A_265] {strides = array<i32>} : memref<5120x16xf32, #tpu.memory_space<vmem>>, vector<16xf32>,
        %mul3A_267 = vector.broadcast %squeeze3A_258 : f32 to vector<16xf32>
        %mul3A_268 = arith.mulf %mul3A_267, %get3A_266 : vector<16xf32>
        %add3A_269 = arith.addf %add3A_217, %mul3A_268 : vector<16xf32>
        %slice3A_270 = vector.extract_strided_slice %get3A_108 {offsets = [12], sizes = [1], strides = [1]} : vector<16xf32> to vector<1xf32>
        %squeeze3A_271 = vector.extract %slice3A_270[0] : f32 from vector<1xf32>
        %mul3A_272 = arith.constant 16 : i32
        %mul3A_273 = arith.muli %scan3A_102, %mul3A_272 : i32
        %add3A_274 = arith.addi %mul3A_72, %mul3A_273 : i32
        %add3A_275 = arith.constant 12 : i32
        %add3A_276 = arith.addi %add3A_274, %add3A_275 : i32
        %get3A_277 = arith.index_cast %add3A_276 : i32 to index
        %get3A_278 = arith.constant 0 : index
        %get3A_279 = tpu.vector_load %arg10[%get3A_277, %get3A_278] {strides = array<i32>} : memref<5120x16xf32, #tpu.memory_space<vmem>>, vector<16xf32>,
        %mul3A_280 = vector.broadcast %squeeze3A_271 : f32 to vector<16xf32>
        %mul3A_281 = arith.mulf %mul3A_280, %get3A_279 : vector<16xf32>
        %add3A_282 = arith.addf %add3A_230, %mul3A_281 : vector<16xf32>
        %slice3A_283 = vector.extract_strided_slice %get3A_108 {offsets = [13], sizes = [1], strides = [1]} : vector<16xf32> to vector<1xf32>
        %squeeze3A_284 = vector.extract %slice3A_283[0] : f32 from vector<1xf32>
        %mul3A_285 = arith.constant 16 : i32
        %mul3A_286 = arith.muli %scan3A_102, %mul3A_285 : i32
        %add3A_287 = arith.addi %mul3A_72, %mul3A_286 : i32
        %add3A_288 = arith.constant 13 : i32
        %add3A_289 = arith.addi %add3A_287, %add3A_288 : i32
        %get3A_290 = arith.index_cast %add3A_289 : i32 to index
        %get3A_291 = arith.constant 0 : index
        %get3A_292 = tpu.vector_load %arg10[%get3A_290, %get3A_291] {strides = array<i32>} : memref<5120x16xf32, #tpu.memory_space<vmem>>, vector<16xf32>,
        %mul3A_293 = vector.broadcast %squeeze3A_284 : f32 to vector<16xf32>
        %mul3A_294 = arith.mulf %mul3A_293, %get3A_292 : vector<16xf32>
        %add3A_295 = arith.addf %add3A_243, %mul3A_294 : vector<16xf32>
        %slice3A_296 = vector.extract_strided_slice %get3A_108 {offsets = [14], sizes = [1], strides = [1]} : vector<16xf32> to vector<1xf32>
        %squeeze3A_297 = vector.extract %slice3A_296[0] : f32 from vector<1xf32>
        %mul3A_298 = arith.constant 16 : i32
        %mul3A_299 = arith.muli %scan3A_102, %mul3A_298 : i32
        %add3A_300 = arith.addi %mul3A_72, %mul3A_299 : i32
        %add3A_301 = arith.constant 14 : i32
        %add3A_302 = arith.addi %add3A_300, %add3A_301 : i32
        %get3A_303 = arith.index_cast %add3A_302 : i32 to index
        %get3A_304 = arith.constant 0 : index
        %get3A_305 = tpu.vector_load %arg10[%get3A_303, %get3A_304] {strides = array<i32>} : memref<5120x16xf32, #tpu.memory_space<vmem>>, vector<16xf32>,
        %mul3A_306 = vector.broadcast %squeeze3A_297 : f32 to vector<16xf32>
        %mul3A_307 = arith.mulf %mul3A_306, %get3A_305 : vector<16xf32>
        %add3A_308 = arith.addf %add3A_256, %mul3A_307 : vector<16xf32>
        %slice3A_309 = vector.extract_strided_slice %get3A_108 {offsets = [15], sizes = [1], strides = [1]} : vector<16xf32> to vector<1xf32>
        %squeeze3A_310 = vector.extract %slice3A_309[0] : f32 from vector<1xf32>
        %mul3A_311 = arith.constant 16 : i32
        %mul3A_312 = arith.muli %scan3A_102, %mul3A_311 : i32
        %add3A_313 = arith.addi %mul3A_72, %mul3A_312 : i32
        %add3A_314 = arith.constant 15 : i32
        %add3A_315 = arith.addi %add3A_313, %add3A_314 : i32
        %get3A_316 = arith.index_cast %add3A_315 : i32 to index
        %get3A_317 = arith.constant 0 : index
        %get3A_318 = tpu.vector_load %arg10[%get3A_316, %get3A_317] {strides = array<i32>} : memref<5120x16xf32, #tpu.memory_space<vmem>>, vector<16xf32>,
        %mul3A_319 = vector.broadcast %squeeze3A_310 : f32 to vector<16xf32>
        %mul3A_320 = arith.mulf %mul3A_319, %get3A_318 : vector<16xf32>
        %add3A_321 = arith.addf %add3A_269, %mul3A_320 : vector<16xf32>
        %add3A_322 = arith.addf %add3A_282, %add3A_295 : vector<16xf32>
        %add3A_323 = arith.addf %add3A_308, %add3A_321 : vector<16xf32>
        %add3A_324 = arith.addf %add3A_322, %add3A_323 : vector<16xf32>
        %mul3A_325 = arith.constant 16 : i32
        %mul3A_326 = arith.muli %scan3A_102, %mul3A_325 : i32
        %multiple_of3A_327 = tpu.assume_multiple %mul3A_326, 8 : i32
        %swap3A = arith.index_cast %multiple_of3A_327 : i32 to index
        %swap3A_328 = tpu.vector_load %arg11[%swap3A] {strides = array<i32>} : memref<2560xf32, #tpu.memory_space<vmem>>, vector<16xf32>,
        tpu.vector_store %arg11[%swap3A], %add3A_324 {strides = array<i32>} : memref<2560xf32, #tpu.memory_space<vmem>>, vector<16xf32>,
      }
      %scan3A_79 = arith.constant 160 : i32
      %get3A = arith.constant 0 : index
      %get3A_80 = tpu.vector_load %arg13[%get3A] {strides = array<i32>} : memref<16xf32, #tpu.memory_space<vmem>>, vector<16xf32>,
      %mul3A_81 = arith.constant 160 : i32
      %mul3A_82 = arith.muli %rem3A_44, %mul3A_81 : i32
      %scan3A_83 = arith.constant 0 : i32
      %scan3A_84 = arith.constant 0 : i32
      %scan3A_85 = arith.constant 10 : i32
      %scan3A_86 = arith.addi %scan3A_84, %scan3A_85 : i32
      %scan3A_87 = arith.constant 1 : i32
      scf.for %scan3A_102 = %scan3A_84 to %scan3A_86 step %scan3A_87  : i32 {
        %mul3A_103 = arith.constant 16 : i32
        %mul3A_104 = arith.muli %scan3A_102, %mul3A_103 : i32
        %add3A_105 = vector.broadcast %mul3A_104 : i32 to vector<16xi32>
        %add3A_106 = arith.addi %iota3A, %add3A_105 : vector<16xi32>
        %mul3A_107 = arith.constant 16 : i32
        %mul3A_108 = vector.broadcast %mul3A_107 : i32 to vector<16xi32>
        %mul3A_109 = arith.muli %add3A_106, %mul3A_108 : vector<16xi32>
        %add3A_110 = vector.broadcast %mul3A_82 : i32 to vector<16xi32>
        %add3A_111 = arith.addi %add3A_106, %add3A_110 : vector<16xi32>
        %broadcast_in_dim3A = arith.constant 0 : i32
        %broadcast_in_dim3A_112 = vector.broadcast %broadcast_in_dim3A : i32 to vector<16xi32>
        %gather3A = tpu.vector_load_idx %arg9[%add3A_111, %broadcast_in_dim3A_112] : memref<480x16xf32, #tpu.memory_space<vmem>>[vector<16xi32>, vector<16xi32>], vector<16xf32>,
        %broadcast_in_dim3A_113 = arith.constant 1 : i32
        %broadcast_in_dim3A_114 = vector.broadcast %broadcast_in_dim3A_113 : i32 to vector<16xi32>
        %gather3A_115 = tpu.vector_load_idx %arg9[%add3A_111, %broadcast_in_dim3A_114] : memref<480x16xf32, #tpu.memory_space<vmem>>[vector<16xi32>, vector<16xi32>], vector<16xf32>,
        %broadcast_in_dim3A_116 = arith.constant 2 : i32
        %broadcast_in_dim3A_117 = vector.broadcast %broadcast_in_dim3A_116 : i32 to vector<16xi32>
        %gather3A_118 = tpu.vector_load_idx %arg9[%add3A_111, %broadcast_in_dim3A_117] : memref<480x16xf32, #tpu.memory_space<vmem>>[vector<16xi32>, vector<16xi32>], vector<16xf32>,
        %broadcast_in_dim3A_119 = arith.constant 6 : i32
        %broadcast_in_dim3A_120 = vector.broadcast %broadcast_in_dim3A_119 : i32 to vector<16xi32>
        %gather3A_121 = tpu.vector_load_idx %arg9[%add3A_111, %broadcast_in_dim3A_120] : memref<480x16xf32, #tpu.memory_space<vmem>>[vector<16xi32>, vector<16xi32>], vector<16xf32>,
        %broadcast_in_dim3A_122 = arith.constant 7 : i32
        %broadcast_in_dim3A_123 = vector.broadcast %broadcast_in_dim3A_122 : i32 to vector<16xi32>
        %gather3A_124 = tpu.vector_load_idx %arg9[%add3A_111, %broadcast_in_dim3A_123] : memref<480x16xf32, #tpu.memory_space<vmem>>[vector<16xi32>, vector<16xi32>], vector<16xf32>,
        %broadcast_in_dim3A_125 = arith.constant 8 : i32
        %broadcast_in_dim3A_126 = vector.broadcast %broadcast_in_dim3A_125 : i32 to vector<16xi32>
        %gather3A_127 = tpu.vector_load_idx %arg9[%add3A_111, %broadcast_in_dim3A_126] : memref<480x16xf32, #tpu.memory_space<vmem>>[vector<16xi32>, vector<16xi32>], vector<16xf32>,
        %broadcast_in_dim3A_128 = arith.constant 9 : i32
        %broadcast_in_dim3A_129 = vector.broadcast %broadcast_in_dim3A_128 : i32 to vector<16xi32>
        %gather3A_130 = tpu.vector_load_idx %arg9[%add3A_111, %broadcast_in_dim3A_129] : memref<480x16xf32, #tpu.memory_space<vmem>>[vector<16xi32>, vector<16xi32>], vector<16xf32>,
        %broadcast_in_dim3A_131 = arith.constant 10 : i32
        %broadcast_in_dim3A_132 = vector.broadcast %broadcast_in_dim3A_131 : i32 to vector<16xi32>
        %gather3A_133 = tpu.vector_load_idx %arg9[%add3A_111, %broadcast_in_dim3A_132] : memref<480x16xf32, #tpu.memory_space<vmem>>[vector<16xi32>, vector<16xi32>], vector<16xf32>,
        %broadcast_in_dim3A_134 = arith.constant 11 : i32
        %broadcast_in_dim3A_135 = vector.broadcast %broadcast_in_dim3A_134 : i32 to vector<16xi32>
        %gather3A_136 = tpu.vector_load_idx %arg9[%add3A_111, %broadcast_in_dim3A_135] : memref<480x16xf32, #tpu.memory_space<vmem>>[vector<16xi32>, vector<16xi32>], vector<16xf32>,
        %broadcast_in_dim3A_137 = arith.constant 12 : i32
        %broadcast_in_dim3A_138 = vector.broadcast %broadcast_in_dim3A_137 : i32 to vector<16xi32>
        %gather3A_139 = tpu.vector_load_idx %arg9[%add3A_111, %broadcast_in_dim3A_138] : memref<480x16xf32, #tpu.memory_space<vmem>>[vector<16xi32>, vector<16xi32>], vector<16xf32>,
        %broadcast_in_dim3A_140 = arith.constant 13 : i32
        %broadcast_in_dim3A_141 = vector.broadcast %broadcast_in_dim3A_140 : i32 to vector<16xi32>
        %gather3A_142 = tpu.vector_load_idx %arg9[%add3A_111, %broadcast_in_dim3A_141] : memref<480x16xf32, #tpu.memory_space<vmem>>[vector<16xi32>, vector<16xi32>], vector<16xf32>,
        %broadcast_in_dim3A_143 = arith.constant 14 : i32
        %broadcast_in_dim3A_144 = vector.broadcast %broadcast_in_dim3A_143 : i32 to vector<16xi32>
        %gather3A_145 = tpu.vector_load_idx %arg9[%add3A_111, %broadcast_in_dim3A_144] : memref<480x16xf32, #tpu.memory_space<vmem>>[vector<16xi32>, vector<16xi32>], vector<16xf32>,
        %add3A_146 = arith.constant 0 : i32
        %add3A_147 = vector.broadcast %add3A_146 : i32 to vector<16xi32>
        %add3A_148 = arith.addi %mul3A_109, %add3A_147 : vector<16xi32>
        %gather3A_149 = tpu.vector_load_idx %arg11[%add3A_148] : memref<2560xf32, #tpu.memory_space<vmem>>[vector<16xi32>], vector<16xf32>,
        %add3A_150 = arith.constant 1 : i32
        %add3A_151 = vector.broadcast %add3A_150 : i32 to vector<16xi32>
        %add3A_152 = arith.addi %mul3A_109, %add3A_151 : vector<16xi32>
        %gather3A_153 = tpu.vector_load_idx %arg11[%add3A_152] : memref<2560xf32, #tpu.memory_space<vmem>>[vector<16xi32>], vector<16xf32>,
        %add3A_154 = arith.constant 2 : i32
        %add3A_155 = vector.broadcast %add3A_154 : i32 to vector<16xi32>
        %add3A_156 = arith.addi %mul3A_109, %add3A_155 : vector<16xi32>
        %gather3A_157 = tpu.vector_load_idx %arg11[%add3A_156] : memref<2560xf32, #tpu.memory_space<vmem>>[vector<16xi32>], vector<16xf32>,
        %add3A_158 = arith.constant 3 : i32
        %add3A_159 = vector.broadcast %add3A_158 : i32 to vector<16xi32>
        %add3A_160 = arith.addi %mul3A_109, %add3A_159 : vector<16xi32>
        %add3A_161 = arith.constant 0 : i32
        %add3A_162 = vector.broadcast %add3A_161 : i32 to vector<16xi32>
        %add3A_163 = arith.addi %add3A_160, %add3A_162 : vector<16xi32>
        %gather3A_164 = tpu.vector_load_idx %arg11[%add3A_163] : memref<2560xf32, #tpu.memory_space<vmem>>[vector<16xi32>], vector<16xf32>,
        %add3A_165 = arith.constant 3 : i32
        %add3A_166 = vector.broadcast %add3A_165 : i32 to vector<16xi32>
        %add3A_167 = arith.addi %mul3A_109, %add3A_166 : vector<16xi32>
        %add3A_168 = arith.constant 1 : i32
        %add3A_169 = vector.broadcast %add3A_168 : i32 to vector<16xi32>
        %add3A_170 = arith.addi %add3A_167, %add3A_169 : vector<16xi32>
        %gather3A_171 = tpu.vector_load_idx %arg11[%add3A_170] : memref<2560xf32, #tpu.memory_space<vmem>>[vector<16xi32>], vector<16xf32>,
        %add3A_172 = arith.constant 3 : i32
        %add3A_173 = vector.broadcast %add3A_172 : i32 to vector<16xi32>
        %add3A_174 = arith.addi %mul3A_109, %add3A_173 : vector<16xi32>
        %add3A_175 = arith.constant 2 : i32
        %add3A_176 = vector.broadcast %add3A_175 : i32 to vector<16xi32>
        %add3A_177 = arith.addi %add3A_174, %add3A_176 : vector<16xi32>
        %gather3A_178 = tpu.vector_load_idx %arg11[%add3A_177] : memref<2560xf32, #tpu.memory_space<vmem>>[vector<16xi32>], vector<16xf32>,
        %add3A_179 = arith.constant 6 : i32
        %add3A_180 = vector.broadcast %add3A_179 : i32 to vector<16xi32>
        %add3A_181 = arith.addi %mul3A_109, %add3A_180 : vector<16xi32>
        %add3A_182 = arith.constant 0 : i32
        %add3A_183 = vector.broadcast %add3A_182 : i32 to vector<16xi32>
        %add3A_184 = arith.addi %add3A_181, %add3A_183 : vector<16xi32>
        %gather3A_185 = tpu.vector_load_idx %arg11[%add3A_184] : memref<2560xf32, #tpu.memory_space<vmem>>[vector<16xi32>], vector<16xf32>,
        %add3A_186 = arith.constant 6 : i32
        %add3A_187 = vector.broadcast %add3A_186 : i32 to vector<16xi32>
        %add3A_188 = arith.addi %mul3A_109, %add3A_187 : vector<16xi32>
        %add3A_189 = arith.constant 1 : i32
        %add3A_190 = vector.broadcast %add3A_189 : i32 to vector<16xi32>
        %add3A_191 = arith.addi %add3A_188, %add3A_190 : vector<16xi32>
        %gather3A_192 = tpu.vector_load_idx %arg11[%add3A_191] : memref<2560xf32, #tpu.memory_space<vmem>>[vector<16xi32>], vector<16xf32>,
        %add3A_193 = arith.constant 6 : i32
        %add3A_194 = vector.broadcast %add3A_193 : i32 to vector<16xi32>
        %add3A_195 = arith.addi %mul3A_109, %add3A_194 : vector<16xi32>
        %add3A_196 = arith.constant 2 : i32
        %add3A_197 = vector.broadcast %add3A_196 : i32 to vector<16xi32>
        %add3A_198 = arith.addi %add3A_195, %add3A_197 : vector<16xi32>
        %gather3A_199 = tpu.vector_load_idx %arg11[%add3A_198] : memref<2560xf32, #tpu.memory_space<vmem>>[vector<16xi32>], vector<16xf32>,
        %add3A_200 = arith.constant 6 : i32
        %add3A_201 = vector.broadcast %add3A_200 : i32 to vector<16xi32>
        %add3A_202 = arith.addi %mul3A_109, %add3A_201 : vector<16xi32>
        %add3A_203 = arith.constant 3 : i32
        %add3A_204 = vector.broadcast %add3A_203 : i32 to vector<16xi32>
        %add3A_205 = arith.addi %add3A_202, %add3A_204 : vector<16xi32>
        %gather3A_206 = tpu.vector_load_idx %arg11[%add3A_205] : memref<2560xf32, #tpu.memory_space<vmem>>[vector<16xi32>], vector<16xf32>,
        %add3A_207 = arith.constant 6 : i32
        %add3A_208 = vector.broadcast %add3A_207 : i32 to vector<16xi32>
        %add3A_209 = arith.addi %mul3A_109, %add3A_208 : vector<16xi32>
        %add3A_210 = arith.constant 4 : i32
        %add3A_211 = vector.broadcast %add3A_210 : i32 to vector<16xi32>
        %add3A_212 = arith.addi %add3A_209, %add3A_211 : vector<16xi32>
        %gather3A_213 = tpu.vector_load_idx %arg11[%add3A_212] : memref<2560xf32, #tpu.memory_space<vmem>>[vector<16xi32>], vector<16xf32>,
        %add3A_214 = arith.constant 6 : i32
        %add3A_215 = vector.broadcast %add3A_214 : i32 to vector<16xi32>
        %add3A_216 = arith.addi %mul3A_109, %add3A_215 : vector<16xi32>
        %add3A_217 = arith.constant 5 : i32
        %add3A_218 = vector.broadcast %add3A_217 : i32 to vector<16xi32>
        %add3A_219 = arith.addi %add3A_216, %add3A_218 : vector<16xi32>
        %gather3A_220 = tpu.vector_load_idx %arg11[%add3A_219] : memref<2560xf32, #tpu.memory_space<vmem>>[vector<16xi32>], vector<16xf32>,
        %add3A_221 = arith.constant 6 : i32
        %add3A_222 = vector.broadcast %add3A_221 : i32 to vector<16xi32>
        %add3A_223 = arith.addi %mul3A_109, %add3A_222 : vector<16xi32>
        %add3A_224 = arith.constant 6 : i32
        %add3A_225 = vector.broadcast %add3A_224 : i32 to vector<16xi32>
        %add3A_226 = arith.addi %add3A_223, %add3A_225 : vector<16xi32>
        %gather3A_227 = tpu.vector_load_idx %arg11[%add3A_226] : memref<2560xf32, #tpu.memory_space<vmem>>[vector<16xi32>], vector<16xf32>,
        %add3A_228 = arith.constant 6 : i32
        %add3A_229 = vector.broadcast %add3A_228 : i32 to vector<16xi32>
        %add3A_230 = arith.addi %mul3A_109, %add3A_229 : vector<16xi32>
        %add3A_231 = arith.constant 7 : i32
        %add3A_232 = vector.broadcast %add3A_231 : i32 to vector<16xi32>
        %add3A_233 = arith.addi %add3A_230, %add3A_232 : vector<16xi32>
        %gather3A_234 = tpu.vector_load_idx %arg11[%add3A_233] : memref<2560xf32, #tpu.memory_space<vmem>>[vector<16xi32>], vector<16xf32>,
        %add3A_235 = arith.constant 6 : i32
        %add3A_236 = vector.broadcast %add3A_235 : i32 to vector<16xi32>
        %add3A_237 = arith.addi %mul3A_109, %add3A_236 : vector<16xi32>
        %add3A_238 = arith.constant 8 : i32
        %add3A_239 = vector.broadcast %add3A_238 : i32 to vector<16xi32>
        %add3A_240 = arith.addi %add3A_237, %add3A_239 : vector<16xi32>
        %gather3A_241 = tpu.vector_load_idx %arg11[%add3A_240] : memref<2560xf32, #tpu.memory_space<vmem>>[vector<16xi32>], vector<16xf32>,
        %add3A_242 = arith.constant 15 : i32
        %add3A_243 = vector.broadcast %add3A_242 : i32 to vector<16xi32>
        %add3A_244 = arith.addi %mul3A_109, %add3A_243 : vector<16xi32>
        %gather3A_245 = tpu.vector_load_idx %arg11[%add3A_244] : memref<2560xf32, #tpu.memory_space<vmem>>[vector<16xi32>], vector<16xf32>,
        %mul3A_246 = arith.mulf %gather3A_245, %gather3A : vector<16xf32>
        %sub3A = arith.subf %mul3A_246, %gather3A_149 : vector<16xf32>
        %mul3A_247 = arith.mulf %gather3A_245, %gather3A_115 : vector<16xf32>
        %sub3A_248 = arith.subf %mul3A_247, %gather3A_153 : vector<16xf32>
        %mul3A_249 = arith.mulf %gather3A_245, %gather3A_118 : vector<16xf32>
        %sub3A_250 = arith.subf %mul3A_249, %gather3A_157 : vector<16xf32>
        %neg3A = arith.constant 0.000000e+00 : f32
        %neg3A_251 = vector.broadcast %neg3A : f32 to vector<16xf32>
        %neg3A_252 = arith.subf %neg3A_251, %gather3A_164 : vector<16xf32>
        %mul3A_253 = arith.mulf %gather3A_121, %sub3A : vector<16xf32>
        %add3A_254 = arith.addf %neg3A_252, %mul3A_253 : vector<16xf32>
        %mul3A_255 = arith.mulf %gather3A_185, %gather3A : vector<16xf32>
        %add3A_256 = arith.addf %add3A_254, %mul3A_255 : vector<16xf32>
        %mul3A_257 = arith.mulf %gather3A_124, %sub3A_248 : vector<16xf32>
        %add3A_258 = arith.addf %add3A_256, %mul3A_257 : vector<16xf32>
        %mul3A_259 = arith.mulf %gather3A_192, %gather3A_115 : vector<16xf32>
        %add3A_260 = arith.addf %add3A_258, %mul3A_259 : vector<16xf32>
        %mul3A_261 = arith.mulf %gather3A_127, %sub3A_250 : vector<16xf32>
        %add3A_262 = arith.addf %add3A_260, %mul3A_261 : vector<16xf32>
        %mul3A_263 = arith.mulf %gather3A_199, %gather3A_118 : vector<16xf32>
        %add3A_264 = arith.addf %add3A_262, %mul3A_263 : vector<16xf32>
        %mul3A_265 = arith.constant 8 : i32
        %mul3A_266 = arith.muli %mul3A_265, %rem3A_42 : i32
        %add3A_267 = arith.constant 0 : i32
        %add3A_268 = arith.addi %mul3A_266, %add3A_267 : i32
        %broadcast_in_dim3A_269 = vector.broadcast %add3A_268 : i32 to vector<16xi32>
        %mul3A_270 = arith.mulf %get3A_80, %add3A_264 : vector<16xf32>
        tpu.vector_store_idx %arg12[%broadcast_in_dim3A_269, %add3A_106], %mul3A_270 : memref<16x160xf32, #tpu.memory_space<vmem>>[vector<16xi32>, vector<16xi32>], vector<16xf32>,
        %neg3A_271 = arith.constant 0.000000e+00 : f32
        %neg3A_272 = vector.broadcast %neg3A_271 : f32 to vector<16xf32>
        %neg3A_273 = arith.subf %neg3A_272, %gather3A_171 : vector<16xf32>
        %mul3A_274 = arith.mulf %gather3A_130, %sub3A : vector<16xf32>
        %add3A_275 = arith.addf %neg3A_273, %mul3A_274 : vector<16xf32>
        %mul3A_276 = arith.mulf %gather3A_206, %gather3A : vector<16xf32>
        %add3A_277 = arith.addf %add3A_275, %mul3A_276 : vector<16xf32>
        %mul3A_278 = arith.mulf %gather3A_133, %sub3A_248 : vector<16xf32>
        %add3A_279 = arith.addf %add3A_277, %mul3A_278 : vector<16xf32>
        %mul3A_280 = arith.mulf %gather3A_213, %gather3A_115 : vector<16xf32>
        %add3A_281 = arith.addf %add3A_279, %mul3A_280 : vector<16xf32>
        %mul3A_282 = arith.mulf %gather3A_136, %sub3A_250 : vector<16xf32>
        %add3A_283 = arith.addf %add3A_281, %mul3A_282 : vector<16xf32>
        %mul3A_284 = arith.mulf %gather3A_220, %gather3A_118 : vector<16xf32>
        %add3A_285 = arith.addf %add3A_283, %mul3A_284 : vector<16xf32>
        %mul3A_286 = arith.constant 8 : i32
        %mul3A_287 = arith.muli %mul3A_286, %rem3A_42 : i32
        %add3A_288 = arith.constant 1 : i32
        %add3A_289 = arith.addi %mul3A_287, %add3A_288 : i32
        %broadcast_in_dim3A_290 = vector.broadcast %add3A_289 : i32 to vector<16xi32>
        %mul3A_291 = arith.mulf %get3A_80, %add3A_285 : vector<16xf32>
        tpu.vector_store_idx %arg12[%broadcast_in_dim3A_290, %add3A_106], %mul3A_291 : memref<16x160xf32, #tpu.memory_space<vmem>>[vector<16xi32>, vector<16xi32>], vector<16xf32>,
        %neg3A_292 = arith.constant 0.000000e+00 : f32
        %neg3A_293 = vector.broadcast %neg3A_292 : f32 to vector<16xf32>
        %neg3A_294 = arith.subf %neg3A_293, %gather3A_178 : vector<16xf32>
        %mul3A_295 = arith.mulf %gather3A_139, %sub3A : vector<16xf32>
        %add3A_296 = arith.addf %neg3A_294, %mul3A_295 : vector<16xf32>
        %mul3A_297 = arith.mulf %gather3A_227, %gather3A : vector<16xf32>
        %add3A_298 = arith.addf %add3A_296, %mul3A_297 : vector<16xf32>
        %mul3A_299 = arith.mulf %gather3A_142, %sub3A_248 : vector<16xf32>
        %add3A_300 = arith.addf %add3A_298, %mul3A_299 : vector<16xf32>
        %mul3A_301 = arith.mulf %gather3A_234, %gather3A_115 : vector<16xf32>
        %add3A_302 = arith.addf %add3A_300, %mul3A_301 : vector<16xf32>
        %mul3A_303 = arith.mulf %gather3A_145, %sub3A_250 : vector<16xf32>
        %add3A_304 = arith.addf %add3A_302, %mul3A_303 : vector<16xf32>
        %mul3A_305 = arith.mulf %gather3A_241, %gather3A_118 : vector<16xf32>
        %add3A_306 = arith.addf %add3A_304, %mul3A_305 : vector<16xf32>
        %mul3A_307 = arith.constant 8 : i32
        %mul3A_308 = arith.muli %mul3A_307, %rem3A_42 : i32
        %add3A_309 = arith.constant 2 : i32
        %add3A_310 = arith.addi %mul3A_308, %add3A_309 : i32
        %broadcast_in_dim3A_311 = vector.broadcast %add3A_310 : i32 to vector<16xi32>
        %mul3A_312 = arith.mulf %get3A_80, %add3A_306 : vector<16xf32>
        tpu.vector_store_idx %arg12[%broadcast_in_dim3A_311, %add3A_106], %mul3A_312 : memref<16x160xf32, #tpu.memory_space<vmem>>[vector<16xi32>, vector<16xi32>], vector<16xf32>,
      }
      %scan3A_88 = arith.constant 10 : i32
      %mul3A_89 = arith.constant 160 : i32
      %mul3A_90 = arith.muli %mul3A_89, %add3A_41 : i32
      %multiple_of3A_91 = tpu.assume_multiple %mul3A_90, 8 : i32
      %mul3A_92 = arith.constant 8 : i32
      %mul3A_93 = arith.muli %mul3A_92, %rem3A_42 : i32
      %multiple_of3A_94 = tpu.assume_multiple %mul3A_93, 8 : i32
      %dma_start3A = arith.constant 0 : i32
      %dma_start3A_95 = tpu.memref_slice %arg12[%multiple_of3A_94, %dma_start3A] : memref<16x160xf32, #tpu.memory_space<vmem>> -> memref<3x160xf32, #tpu.memory_space<vmem>>
      %dma_start3A_96 = arith.constant 0 : i32
      %dma_start3A_97 = tpu.memref_slice %arg6[%dma_start3A_96, %multiple_of3A_91] : memref<3x100000xf32, #tpu.memory_space<hbm>> -> memref<3x160xf32, #tpu.memory_space<hbm>>
      %dma_start3A_98 = arith.constant 0 : i32
      %dma_start3A_99 = tpu.memref_slice %arg6[%dma_start3A_98, %multiple_of3A_91] : memref<3x100000xf32, #tpu.memory_space<hbm>> -> memref<3x160xf32, #tpu.memory_space<hbm>>
      %dma_start3A_100 = arith.constant 0 : i32
      %dma_start3A_101 = tpu.memref_slice %arg12[%multiple_of3A_94, %dma_start3A_100] : memref<16x160xf32, #tpu.memory_space<vmem>> -> memref<3x160xf32, #tpu.memory_space<vmem>>
      tpu.enqueue_dma source(%dma_start3A_101 : memref<3x160xf32, #tpu.memory_space<vmem>>) target(%dma_start3A_99 : memref<3x160xf32, #tpu.memory_space<hbm>>) target_semaphore(%arg16 : memref<!tpu.dma_semaphore, #tpu.memory_space<semaphore_mem>>)
    }
    %gt3A_30 = arith.constant 1 : i32
    %gt3A_31 = arith.cmpi sgt, %add3A_4, %gt3A_30 : i32
    %convert_element_type3A_32 = arith.extui %gt3A_31 : i1 to i32
    %cond3A_33 = arith.constant 0 : i32
    %cond3A_34 = arith.cmpi ne, %convert_element_type3A_32, %cond3A_33 : i32
    scf.if %cond3A_34 {
      %add3A_40 = arith.addi %add3A_8, %add3A_4 : i32
      %sub3A = arith.constant 2 : i32
      %sub3A_41 = arith.subi %add3A_40, %sub3A : i32
      %sub3A_42 = arith.constant 2 : i32
      %sub3A_43 = arith.subi %add3A_4, %sub3A_42 : i32
      %rem3A = arith.constant 2 : i32
      %rem3A_44 = arith.remsi %sub3A_43, %rem3A : i32
      %mul3A_45 = arith.constant 160 : i32
      %mul3A_46 = arith.muli %mul3A_45, %sub3A_41 : i32
      %multiple_of3A = tpu.assume_multiple %mul3A_46, 8 : i32
      %mul3A_47 = arith.constant 8 : i32
      %mul3A_48 = arith.muli %mul3A_47, %rem3A_44 : i32
      %multiple_of3A_49 = tpu.assume_multiple %mul3A_48, 8 : i32
      %dma_wait3A = arith.constant 0 : i32
      %dma_wait3A_50 = tpu.memref_slice %arg12[%multiple_of3A_49, %dma_wait3A] : memref<16x160xf32, #tpu.memory_space<vmem>> -> memref<3x160xf32, #tpu.memory_space<vmem>>
      %dma_wait3A_51 = arith.constant 0 : i32
      %dma_wait3A_52 = tpu.memref_slice %arg6[%dma_wait3A_51, %multiple_of3A] : memref<3x100000xf32, #tpu.memory_space<hbm>> -> memref<3x160xf32, #tpu.memory_space<hbm>>
      %dma_wait3A_53 = arith.constant 0 : i32
      %dma_wait3A_54 = tpu.memref_slice %arg6[%dma_wait3A_53, %multiple_of3A] : memref<3x100000xf32, #tpu.memory_space<hbm>> -> memref<3x160xf32, #tpu.memory_space<hbm>>
      %dma_wait3A_55 = arith.constant 0 : i32
      %dma_wait3A_56 = tpu.memref_slice %arg12[%multiple_of3A_49, %dma_wait3A_55] : memref<16x160xf32, #tpu.memory_space<vmem>> -> memref<3x160xf32, #tpu.memory_space<vmem>>
      tpu.wait_dma2 semaphore(%arg16 : memref<!tpu.dma_semaphore, #tpu.memory_space<semaphore_mem>>) src(%dma_wait3A_56 : memref<3x160xf32, #tpu.memory_space<vmem>>) dst(%dma_wait3A_54 : memref<3x160xf32, #tpu.memory_space<hbm>>)
    } else {
    }
    %gt3A_35 = arith.constant 0 : i32
    %gt3A_36 = arith.cmpi sgt, %add3A_4, %gt3A_35 : i32
    %convert_element_type3A_37 = arith.extui %gt3A_36 : i1 to i32
    %cond3A_38 = arith.constant 0 : i32
    %cond3A_39 = arith.cmpi ne, %convert_element_type3A_37, %cond3A_38 : i32
    scf.if %cond3A_39 {
      %add3A_40 = arith.addi %add3A_8, %add3A_4 : i32
      %sub3A = arith.constant 1 : i32
      %sub3A_41 = arith.subi %add3A_40, %sub3A : i32
      %sub3A_42 = arith.constant 1 : i32
      %sub3A_43 = arith.subi %add3A_4, %sub3A_42 : i32
      %rem3A = arith.constant 2 : i32
      %rem3A_44 = arith.remsi %sub3A_43, %rem3A : i32
      %mul3A_45 = arith.constant 160 : i32
      %mul3A_46 = arith.muli %mul3A_45, %sub3A_41 : i32
      %multiple_of3A = tpu.assume_multiple %mul3A_46, 8 : i32
      %mul3A_47 = arith.constant 8 : i32
      %mul3A_48 = arith.muli %mul3A_47, %rem3A_44 : i32
      %multiple_of3A_49 = tpu.assume_multiple %mul3A_48, 8 : i32
      %dma_wait3A = arith.constant 0 : i32
      %dma_wait3A_50 = tpu.memref_slice %arg12[%multiple_of3A_49, %dma_wait3A] : memref<16x160xf32, #tpu.memory_space<vmem>> -> memref<3x160xf32, #tpu.memory_space<vmem>>
      %dma_wait3A_51 = arith.constant 0 : i32
      %dma_wait3A_52 = tpu.memref_slice %arg6[%dma_wait3A_51, %multiple_of3A] : memref<3x100000xf32, #tpu.memory_space<hbm>> -> memref<3x160xf32, #tpu.memory_space<hbm>>
      %dma_wait3A_53 = arith.constant 0 : i32
      %dma_wait3A_54 = tpu.memref_slice %arg6[%dma_wait3A_53, %multiple_of3A] : memref<3x100000xf32, #tpu.memory_space<hbm>> -> memref<3x160xf32, #tpu.memory_space<hbm>>
      %dma_wait3A_55 = arith.constant 0 : i32
      %dma_wait3A_56 = tpu.memref_slice %arg12[%multiple_of3A_49, %dma_wait3A_55] : memref<16x160xf32, #tpu.memory_space<vmem>> -> memref<3x160xf32, #tpu.memory_space<vmem>>
      tpu.wait_dma2 semaphore(%arg16 : memref<!tpu.dma_semaphore, #tpu.memory_space<semaphore_mem>>) src(%dma_wait3A_56 : memref<3x160xf32, #tpu.memory_space<vmem>>) dst(%dma_wait3A_54 : memref<3x160xf32, #tpu.memory_space<hbm>>)
    } else {
    }
    return
  }
}

#map = affine_map<(d0, d1) -> (0, 0)>
#map1 = affine_map<(d0, d1) -> (0)>
module attributes {stable_mosaic.version = 14 : i64} {
  func.func @tk(%arg0: i32, %arg1: i32, %arg2: memref<3x100000xf32, #tpu.memory_space<hbm>>, %arg3: memref<9x100000xf32, #tpu.memory_space<hbm>>, %arg4: memref<1600000xf32, #tpu.memory_space<hbm>>, %arg5: memref<24x160xf32, #tpu.memory_space<vmem>>, %arg6: memref<48x160xf32, #tpu.memory_space<vmem>>, %arg7: memref<5120xf32, #tpu.memory_space<vmem>>, %arg8: memref<!tpu.dma_semaphore, #tpu.memory_space<semaphore_mem>>, %arg9: memref<!tpu.dma_semaphore, #tpu.memory_space<semaphore_mem>>) attributes {dimension_semantics = [#tpu.dimension_semantics<core_parallel>, #tpu.dimension_semantics<subcore_parallel>], iteration_bounds = array<i64: 2, 16>, scalar_prefetch = 0 : i64, scratch_operands = 5 : i64, tpu.core_type = #tpu.core_type<sc_vector_subcore>, window_params = [{transform_indices = #map}, {transform_indices = #map}, {transform_indices = #map1}]} {
    %mul3A = arith.constant 2 : i32
    %mul3A_0 = arith.muli %arg1, %mul3A : i32
    %add3A = arith.addi %mul3A_0, %arg0 : i32
    %lt3A = arith.constant 17 : i32
    %lt3A_1 = arith.cmpi slt, %add3A, %lt3A : i32
    %jit3A = arith.constant 1 : i32
    %jit3A_2 = arith.constant 0 : i32
    %select_n3A = arith.select %lt3A_1, %jit3A, %jit3A_2 : i32
    %add3A_3 = arith.constant 19 : i32
    %add3A_4 = arith.addi %add3A_3, %select_n3A : i32
    %mul3A_5 = arith.constant 19 : i32
    %mul3A_6 = arith.muli %mul3A_5, %add3A : i32
    %min3A = arith.constant 17 : i32
    %min3A_7 = arith.minsi %add3A, %min3A : i32
    %add3A_8 = arith.addi %mul3A_6, %min3A_7 : i32
    %iota3A = tpu.iota {dimensions = array<i32: 0>} : vector<16xi32>
    %gt3A = arith.constant 0 : i32
    %gt3A_9 = arith.cmpi sgt, %add3A_4, %gt3A : i32
    %convert_element_type3A = arith.extui %gt3A_9 : i1 to i32
    %cond3A = arith.constant 0 : i32
    %cond3A_10 = arith.cmpi ne, %convert_element_type3A, %cond3A : i32
    scf.if %cond3A_10 {
      %mul3A_35 = arith.constant 160 : i32
      %mul3A_36 = arith.muli %mul3A_35, %add3A_8 : i32
      %multiple_of3A = tpu.assume_multiple %mul3A_36, 8 : i32
      %multiple_of3A_37 = arith.constant 0 : i32
      %multiple_of3A_38 = tpu.assume_multiple %multiple_of3A_37, 8 : i32
      %multiple_of3A_39 = arith.constant 0 : i32
      %multiple_of3A_40 = tpu.assume_multiple %multiple_of3A_39, 8 : i32
      %dma_start3A = arith.constant 0 : i32
      %dma_start3A_41 = tpu.memref_slice %arg5[%multiple_of3A_38, %dma_start3A] : memref<24x160xf32, #tpu.memory_space<vmem>> -> memref<3x160xf32, #tpu.memory_space<vmem>>
      %dma_start3A_42 = arith.constant 0 : i32
      %dma_start3A_43 = tpu.memref_slice %arg2[%dma_start3A_42, %multiple_of3A] : memref<3x100000xf32, #tpu.memory_space<hbm>> -> memref<3x160xf32, #tpu.memory_space<hbm>>
      %dma_start3A_44 = arith.constant 0 : i32
      %dma_start3A_45 = tpu.memref_slice %arg5[%multiple_of3A_38, %dma_start3A_44] : memref<24x160xf32, #tpu.memory_space<vmem>> -> memref<3x160xf32, #tpu.memory_space<vmem>>
      %dma_start3A_46 = arith.constant 0 : i32
      %dma_start3A_47 = tpu.memref_slice %arg2[%dma_start3A_46, %multiple_of3A] : memref<3x100000xf32, #tpu.memory_space<hbm>> -> memref<3x160xf32, #tpu.memory_space<hbm>>
      tpu.enqueue_dma source(%dma_start3A_47 : memref<3x160xf32, #tpu.memory_space<hbm>>) target(%dma_start3A_45 : memref<3x160xf32, #tpu.memory_space<vmem>>) target_semaphore(%arg8 : memref<!tpu.dma_semaphore, #tpu.memory_space<semaphore_mem>>)
      %dma_start3A_48 = arith.constant 0 : i32
      %dma_start3A_49 = tpu.memref_slice %arg6[%multiple_of3A_40, %dma_start3A_48] : memref<48x160xf32, #tpu.memory_space<vmem>> -> memref<9x160xf32, #tpu.memory_space<vmem>>
      %dma_start3A_50 = arith.constant 0 : i32
      %dma_start3A_51 = tpu.memref_slice %arg3[%dma_start3A_50, %multiple_of3A] : memref<9x100000xf32, #tpu.memory_space<hbm>> -> memref<9x160xf32, #tpu.memory_space<hbm>>
      %dma_start3A_52 = arith.constant 0 : i32
      %dma_start3A_53 = tpu.memref_slice %arg6[%multiple_of3A_40, %dma_start3A_52] : memref<48x160xf32, #tpu.memory_space<vmem>> -> memref<9x160xf32, #tpu.memory_space<vmem>>
      %dma_start3A_54 = arith.constant 0 : i32
      %dma_start3A_55 = tpu.memref_slice %arg3[%dma_start3A_54, %multiple_of3A] : memref<9x100000xf32, #tpu.memory_space<hbm>> -> memref<9x160xf32, #tpu.memory_space<hbm>>
      tpu.enqueue_dma source(%dma_start3A_55 : memref<9x160xf32, #tpu.memory_space<hbm>>) target(%dma_start3A_53 : memref<9x160xf32, #tpu.memory_space<vmem>>) target_semaphore(%arg8 : memref<!tpu.dma_semaphore, #tpu.memory_space<semaphore_mem>>)
    } else {
    }
    %gt3A_11 = arith.constant 1 : i32
    %gt3A_12 = arith.cmpi sgt, %add3A_4, %gt3A_11 : i32
    %convert_element_type3A_13 = arith.extui %gt3A_12 : i1 to i32
    %cond3A_14 = arith.constant 0 : i32
    %cond3A_15 = arith.cmpi ne, %convert_element_type3A_13, %cond3A_14 : i32
    scf.if %cond3A_15 {
      %add3A_35 = arith.constant 1 : i32
      %add3A_36 = arith.addi %add3A_8, %add3A_35 : i32
      %mul3A_37 = arith.constant 160 : i32
      %mul3A_38 = arith.muli %mul3A_37, %add3A_36 : i32
      %multiple_of3A = tpu.assume_multiple %mul3A_38, 8 : i32
      %multiple_of3A_39 = arith.constant 8 : i32
      %multiple_of3A_40 = tpu.assume_multiple %multiple_of3A_39, 8 : i32
      %multiple_of3A_41 = arith.constant 16 : i32
      %multiple_of3A_42 = tpu.assume_multiple %multiple_of3A_41, 8 : i32
      %dma_start3A = arith.constant 0 : i32
      %dma_start3A_43 = tpu.memref_slice %arg5[%multiple_of3A_40, %dma_start3A] : memref<24x160xf32, #tpu.memory_space<vmem>> -> memref<3x160xf32, #tpu.memory_space<vmem>>
      %dma_start3A_44 = arith.constant 0 : i32
      %dma_start3A_45 = tpu.memref_slice %arg2[%dma_start3A_44, %multiple_of3A] : memref<3x100000xf32, #tpu.memory_space<hbm>> -> memref<3x160xf32, #tpu.memory_space<hbm>>
      %dma_start3A_46 = arith.constant 0 : i32
      %dma_start3A_47 = tpu.memref_slice %arg5[%multiple_of3A_40, %dma_start3A_46] : memref<24x160xf32, #tpu.memory_space<vmem>> -> memref<3x160xf32, #tpu.memory_space<vmem>>
      %dma_start3A_48 = arith.constant 0 : i32
      %dma_start3A_49 = tpu.memref_slice %arg2[%dma_start3A_48, %multiple_of3A] : memref<3x100000xf32, #tpu.memory_space<hbm>> -> memref<3x160xf32, #tpu.memory_space<hbm>>
      tpu.enqueue_dma source(%dma_start3A_49 : memref<3x160xf32, #tpu.memory_space<hbm>>) target(%dma_start3A_47 : memref<3x160xf32, #tpu.memory_space<vmem>>) target_semaphore(%arg8 : memref<!tpu.dma_semaphore, #tpu.memory_space<semaphore_mem>>)
      %dma_start3A_50 = arith.constant 0 : i32
      %dma_start3A_51 = tpu.memref_slice %arg6[%multiple_of3A_42, %dma_start3A_50] : memref<48x160xf32, #tpu.memory_space<vmem>> -> memref<9x160xf32, #tpu.memory_space<vmem>>
      %dma_start3A_52 = arith.constant 0 : i32
      %dma_start3A_53 = tpu.memref_slice %arg3[%dma_start3A_52, %multiple_of3A] : memref<9x100000xf32, #tpu.memory_space<hbm>> -> memref<9x160xf32, #tpu.memory_space<hbm>>
      %dma_start3A_54 = arith.constant 0 : i32
      %dma_start3A_55 = tpu.memref_slice %arg6[%multiple_of3A_42, %dma_start3A_54] : memref<48x160xf32, #tpu.memory_space<vmem>> -> memref<9x160xf32, #tpu.memory_space<vmem>>
      %dma_start3A_56 = arith.constant 0 : i32
      %dma_start3A_57 = tpu.memref_slice %arg3[%dma_start3A_56, %multiple_of3A] : memref<9x100000xf32, #tpu.memory_space<hbm>> -> memref<9x160xf32, #tpu.memory_space<hbm>>
      tpu.enqueue_dma source(%dma_start3A_57 : memref<9x160xf32, #tpu.memory_space<hbm>>) target(%dma_start3A_55 : memref<9x160xf32, #tpu.memory_space<vmem>>) target_semaphore(%arg8 : memref<!tpu.dma_semaphore, #tpu.memory_space<semaphore_mem>>)
    } else {
    }
    %while3A = arith.constant 0 : i32
    %while3A_16 = arith.constant 0 : i32
    %while3A_17 = arith.subi %add3A_4, %while3A_16 : i32
    %while3A_18 = arith.addi %while3A_16, %while3A_17 : i32
    %while3A_19 = arith.constant 1 : i32
    %while3A_20 = arith.divsi %while3A_17, %while3A_19 : i32
    %while3A_21 = arith.muli %while3A_20, %while3A_19 : i32
    %while3A_22 = arith.addi %while3A_16, %while3A_21 : i32
    %while3A_23 = arith.constant 1 : i32
    scf.for %while3A_35 = %while3A_16 to %while3A_22 step %while3A_23  : i32 {
      %add3A_36 = arith.addi %add3A_8, %while3A_35 : i32
      %rem3A = arith.constant 2 : i32
      %rem3A_37 = arith.remsi %while3A_35, %rem3A : i32
      %rem3A_38 = arith.constant 3 : i32
      %rem3A_39 = arith.remsi %while3A_35, %rem3A_38 : i32
      %add3A_40 = arith.constant 2 : i32
      %add3A_41 = arith.addi %while3A_35, %add3A_40 : i32
      %lt3A_42 = arith.cmpi slt, %add3A_41, %add3A_4 : i32
      %convert_element_type3A_43 = arith.extui %lt3A_42 : i1 to i32
      %cond3A_44 = arith.constant 0 : i32
      %cond3A_45 = arith.cmpi ne, %convert_element_type3A_43, %cond3A_44 : i32
      scf.if %cond3A_45 {
        %add3A_97 = arith.constant 2 : i32
        %add3A_98 = arith.addi %add3A_36, %add3A_97 : i32
        %add3A_99 = arith.constant 2 : i32
        %add3A_100 = arith.addi %while3A_35, %add3A_99 : i32
        %rem3A_101 = arith.constant 3 : i32
        %rem3A_102 = arith.remsi %add3A_100, %rem3A_101 : i32
        %mul3A_103 = arith.constant 160 : i32
        %mul3A_104 = arith.muli %mul3A_103, %add3A_98 : i32
        %multiple_of3A_105 = tpu.assume_multiple %mul3A_104, 8 : i32
        %mul3A_106 = arith.constant 8 : i32
        %mul3A_107 = arith.muli %mul3A_106, %rem3A_102 : i32
        %multiple_of3A_108 = tpu.assume_multiple %mul3A_107, 8 : i32
        %mul3A_109 = arith.constant 16 : i32
        %mul3A_110 = arith.muli %mul3A_109, %rem3A_102 : i32
        %multiple_of3A_111 = tpu.assume_multiple %mul3A_110, 8 : i32
        %dma_start3A_112 = arith.constant 0 : i32
        %dma_start3A_113 = tpu.memref_slice %arg5[%multiple_of3A_108, %dma_start3A_112] : memref<24x160xf32, #tpu.memory_space<vmem>> -> memref<3x160xf32, #tpu.memory_space<vmem>>
        %dma_start3A_114 = arith.constant 0 : i32
        %dma_start3A_115 = tpu.memref_slice %arg2[%dma_start3A_114, %multiple_of3A_105] : memref<3x100000xf32, #tpu.memory_space<hbm>> -> memref<3x160xf32, #tpu.memory_space<hbm>>
        %dma_start3A_116 = arith.constant 0 : i32
        %dma_start3A_117 = tpu.memref_slice %arg5[%multiple_of3A_108, %dma_start3A_116] : memref<24x160xf32, #tpu.memory_space<vmem>> -> memref<3x160xf32, #tpu.memory_space<vmem>>
        %dma_start3A_118 = arith.constant 0 : i32
        %dma_start3A_119 = tpu.memref_slice %arg2[%dma_start3A_118, %multiple_of3A_105] : memref<3x100000xf32, #tpu.memory_space<hbm>> -> memref<3x160xf32, #tpu.memory_space<hbm>>
        tpu.enqueue_dma source(%dma_start3A_119 : memref<3x160xf32, #tpu.memory_space<hbm>>) target(%dma_start3A_117 : memref<3x160xf32, #tpu.memory_space<vmem>>) target_semaphore(%arg8 : memref<!tpu.dma_semaphore, #tpu.memory_space<semaphore_mem>>)
        %dma_start3A_120 = arith.constant 0 : i32
        %dma_start3A_121 = tpu.memref_slice %arg6[%multiple_of3A_111, %dma_start3A_120] : memref<48x160xf32, #tpu.memory_space<vmem>> -> memref<9x160xf32, #tpu.memory_space<vmem>>
        %dma_start3A_122 = arith.constant 0 : i32
        %dma_start3A_123 = tpu.memref_slice %arg3[%dma_start3A_122, %multiple_of3A_105] : memref<9x100000xf32, #tpu.memory_space<hbm>> -> memref<9x160xf32, #tpu.memory_space<hbm>>
        %dma_start3A_124 = arith.constant 0 : i32
        %dma_start3A_125 = tpu.memref_slice %arg6[%multiple_of3A_111, %dma_start3A_124] : memref<48x160xf32, #tpu.memory_space<vmem>> -> memref<9x160xf32, #tpu.memory_space<vmem>>
        %dma_start3A_126 = arith.constant 0 : i32
        %dma_start3A_127 = tpu.memref_slice %arg3[%dma_start3A_126, %multiple_of3A_105] : memref<9x100000xf32, #tpu.memory_space<hbm>> -> memref<9x160xf32, #tpu.memory_space<hbm>>
        tpu.enqueue_dma source(%dma_start3A_127 : memref<9x160xf32, #tpu.memory_space<hbm>>) target(%dma_start3A_125 : memref<9x160xf32, #tpu.memory_space<vmem>>) target_semaphore(%arg8 : memref<!tpu.dma_semaphore, #tpu.memory_space<semaphore_mem>>)
      } else {
      }
      %mul3A_46 = arith.constant 160 : i32
      %mul3A_47 = arith.muli %mul3A_46, %add3A_36 : i32
      %multiple_of3A = tpu.assume_multiple %mul3A_47, 8 : i32
      %mul3A_48 = arith.constant 8 : i32
      %mul3A_49 = arith.muli %mul3A_48, %rem3A_39 : i32
      %multiple_of3A_50 = tpu.assume_multiple %mul3A_49, 8 : i32
      %mul3A_51 = arith.constant 16 : i32
      %mul3A_52 = arith.muli %mul3A_51, %rem3A_39 : i32
      %multiple_of3A_53 = tpu.assume_multiple %mul3A_52, 8 : i32
      %dma_wait3A = arith.constant 0 : i32
      %dma_wait3A_54 = tpu.memref_slice %arg5[%multiple_of3A_50, %dma_wait3A] : memref<24x160xf32, #tpu.memory_space<vmem>> -> memref<3x160xf32, #tpu.memory_space<vmem>>
      %dma_wait3A_55 = arith.constant 0 : i32
      %dma_wait3A_56 = tpu.memref_slice %arg2[%dma_wait3A_55, %multiple_of3A] : memref<3x100000xf32, #tpu.memory_space<hbm>> -> memref<3x160xf32, #tpu.memory_space<hbm>>
      %dma_wait3A_57 = arith.constant 0 : i32
      %dma_wait3A_58 = tpu.memref_slice %arg5[%multiple_of3A_50, %dma_wait3A_57] : memref<24x160xf32, #tpu.memory_space<vmem>> -> memref<3x160xf32, #tpu.memory_space<vmem>>
      %dma_wait3A_59 = arith.constant 0 : i32
      %dma_wait3A_60 = tpu.memref_slice %arg2[%dma_wait3A_59, %multiple_of3A] : memref<3x100000xf32, #tpu.memory_space<hbm>> -> memref<3x160xf32, #tpu.memory_space<hbm>>
      tpu.wait_dma2 semaphore(%arg8 : memref<!tpu.dma_semaphore, #tpu.memory_space<semaphore_mem>>) src(%dma_wait3A_60 : memref<3x160xf32, #tpu.memory_space<hbm>>) dst(%dma_wait3A_58 : memref<3x160xf32, #tpu.memory_space<vmem>>)
      %dma_wait3A_61 = arith.constant 0 : i32
      %dma_wait3A_62 = tpu.memref_slice %arg6[%multiple_of3A_53, %dma_wait3A_61] : memref<48x160xf32, #tpu.memory_space<vmem>> -> memref<9x160xf32, #tpu.memory_space<vmem>>
      %dma_wait3A_63 = arith.constant 0 : i32
      %dma_wait3A_64 = tpu.memref_slice %arg3[%dma_wait3A_63, %multiple_of3A] : memref<9x100000xf32, #tpu.memory_space<hbm>> -> memref<9x160xf32, #tpu.memory_space<hbm>>
      %dma_wait3A_65 = arith.constant 0 : i32
      %dma_wait3A_66 = tpu.memref_slice %arg6[%multiple_of3A_53, %dma_wait3A_65] : memref<48x160xf32, #tpu.memory_space<vmem>> -> memref<9x160xf32, #tpu.memory_space<vmem>>
      %dma_wait3A_67 = arith.constant 0 : i32
      %dma_wait3A_68 = tpu.memref_slice %arg3[%dma_wait3A_67, %multiple_of3A] : memref<9x100000xf32, #tpu.memory_space<hbm>> -> memref<9x160xf32, #tpu.memory_space<hbm>>
      tpu.wait_dma2 semaphore(%arg8 : memref<!tpu.dma_semaphore, #tpu.memory_space<semaphore_mem>>) src(%dma_wait3A_68 : memref<9x160xf32, #tpu.memory_space<hbm>>) dst(%dma_wait3A_66 : memref<9x160xf32, #tpu.memory_space<vmem>>)
      %ge3A = arith.constant 2 : i32
      %ge3A_69 = arith.cmpi sge, %while3A_35, %ge3A : i32
      %convert_element_type3A_70 = arith.extui %ge3A_69 : i1 to i32
      %cond3A_71 = arith.constant 0 : i32
      %cond3A_72 = arith.cmpi ne, %convert_element_type3A_70, %cond3A_71 : i32
      scf.if %cond3A_72 {
        %sub3A = arith.constant 2 : i32
        %sub3A_97 = arith.subi %add3A_36, %sub3A : i32
        %mul3A_98 = arith.constant 2560 : i32
        %mul3A_99 = arith.muli %mul3A_98, %sub3A_97 : i32
        %multiple_of3A_100 = tpu.assume_multiple %mul3A_99, 8 : i32
        %mul3A_101 = arith.constant 16 : i32
        %mul3A_102 = arith.muli %rem3A_37, %mul3A_101 : i32
        %mul3A_103 = arith.constant 160 : i32
        %mul3A_104 = arith.muli %mul3A_102, %mul3A_103 : i32
        %multiple_of3A_105 = tpu.assume_multiple %mul3A_104, 8 : i32
        %dma_wait3A_106 = tpu.memref_slice %arg7[%multiple_of3A_105] : memref<5120xf32, #tpu.memory_space<vmem>> -> memref<2560xf32, #tpu.memory_space<vmem>>
        %dma_wait3A_107 = tpu.memref_slice %arg4[%multiple_of3A_100] : memref<1600000xf32, #tpu.memory_space<hbm>> -> memref<2560xf32, #tpu.memory_space<hbm>>
        %dma_wait3A_108 = tpu.memref_slice %arg4[%multiple_of3A_100] : memref<1600000xf32, #tpu.memory_space<hbm>> -> memref<2560xf32, #tpu.memory_space<hbm>>
        %dma_wait3A_109 = tpu.memref_slice %arg7[%multiple_of3A_105] : memref<5120xf32, #tpu.memory_space<vmem>> -> memref<2560xf32, #tpu.memory_space<vmem>>
        tpu.wait_dma2 semaphore(%arg9 : memref<!tpu.dma_semaphore, #tpu.memory_space<semaphore_mem>>) src(%dma_wait3A_109 : memref<2560xf32, #tpu.memory_space<vmem>>) dst(%dma_wait3A_108 : memref<2560xf32, #tpu.memory_space<hbm>>)
      } else {
      }
      %mul3A_73 = arith.constant 8 : i32
      %mul3A_74 = arith.muli %mul3A_73, %rem3A_39 : i32
      %mul3A_75 = arith.constant 16 : i32
      %mul3A_76 = arith.muli %mul3A_75, %rem3A_39 : i32
      %mul3A_77 = arith.constant 16 : i32
      %mul3A_78 = arith.muli %rem3A_37, %mul3A_77 : i32
      %mul3A_79 = arith.constant 160 : i32
      %mul3A_80 = arith.muli %mul3A_78, %mul3A_79 : i32
      %scan3A = arith.constant 0 : i32
      %scan3A_81 = arith.constant 0 : i32
      %scan3A_82 = arith.constant 10 : i32
      %scan3A_83 = arith.addi %scan3A_81, %scan3A_82 : i32
      %scan3A_84 = arith.constant 1 : i32
      scf.for %scan3A_97 = %scan3A_81 to %scan3A_83 step %scan3A_84  : i32 {
        %mul3A_98 = arith.constant 16 : i32
        %mul3A_99 = arith.muli %scan3A_97, %mul3A_98 : i32
        %add3A_100 = vector.broadcast %mul3A_99 : i32 to vector<16xi32>
        %add3A_101 = arith.addi %iota3A, %add3A_100 : vector<16xi32>
        %mul3A_102 = arith.constant 16 : i32
        %mul3A_103 = vector.broadcast %mul3A_102 : i32 to vector<16xi32>
        %mul3A_104 = arith.muli %add3A_101, %mul3A_103 : vector<16xi32>
        %add3A_105 = vector.broadcast %mul3A_80 : i32 to vector<16xi32>
        %add3A_106 = arith.addi %mul3A_104, %add3A_105 : vector<16xi32>
        %add3A_107 = arith.constant 0 : i32
        %add3A_108 = arith.addi %mul3A_74, %add3A_107 : i32
        %broadcast_in_dim3A = vector.broadcast %add3A_108 : i32 to vector<16xi32>
        %gather3A = tpu.vector_load_idx %arg5[%broadcast_in_dim3A, %add3A_101] : memref<24x160xf32, #tpu.memory_space<vmem>>[vector<16xi32>, vector<16xi32>], vector<16xf32>,
        %add3A_109 = arith.constant 1 : i32
        %add3A_110 = arith.addi %mul3A_74, %add3A_109 : i32
        %broadcast_in_dim3A_111 = vector.broadcast %add3A_110 : i32 to vector<16xi32>
        %gather3A_112 = tpu.vector_load_idx %arg5[%broadcast_in_dim3A_111, %add3A_101] : memref<24x160xf32, #tpu.memory_space<vmem>>[vector<16xi32>, vector<16xi32>], vector<16xf32>,
        %add3A_113 = arith.constant 2 : i32
        %add3A_114 = arith.addi %mul3A_74, %add3A_113 : i32
        %broadcast_in_dim3A_115 = vector.broadcast %add3A_114 : i32 to vector<16xi32>
        %gather3A_116 = tpu.vector_load_idx %arg5[%broadcast_in_dim3A_115, %add3A_101] : memref<24x160xf32, #tpu.memory_space<vmem>>[vector<16xi32>, vector<16xi32>], vector<16xf32>,
        %add3A_117 = arith.constant 0 : i32
        %add3A_118 = arith.addi %mul3A_76, %add3A_117 : i32
        %broadcast_in_dim3A_119 = vector.broadcast %add3A_118 : i32 to vector<16xi32>
        %gather3A_120 = tpu.vector_load_idx %arg6[%broadcast_in_dim3A_119, %add3A_101] : memref<48x160xf32, #tpu.memory_space<vmem>>[vector<16xi32>, vector<16xi32>], vector<16xf32>,
        %add3A_121 = arith.constant 1 : i32
        %add3A_122 = arith.addi %mul3A_76, %add3A_121 : i32
        %broadcast_in_dim3A_123 = vector.broadcast %add3A_122 : i32 to vector<16xi32>
        %gather3A_124 = tpu.vector_load_idx %arg6[%broadcast_in_dim3A_123, %add3A_101] : memref<48x160xf32, #tpu.memory_space<vmem>>[vector<16xi32>, vector<16xi32>], vector<16xf32>,
        %add3A_125 = arith.constant 2 : i32
        %add3A_126 = arith.addi %mul3A_76, %add3A_125 : i32
        %broadcast_in_dim3A_127 = vector.broadcast %add3A_126 : i32 to vector<16xi32>
        %gather3A_128 = tpu.vector_load_idx %arg6[%broadcast_in_dim3A_127, %add3A_101] : memref<48x160xf32, #tpu.memory_space<vmem>>[vector<16xi32>, vector<16xi32>], vector<16xf32>,
        %add3A_129 = arith.constant 3 : i32
        %add3A_130 = arith.addi %mul3A_76, %add3A_129 : i32
        %broadcast_in_dim3A_131 = vector.broadcast %add3A_130 : i32 to vector<16xi32>
        %gather3A_132 = tpu.vector_load_idx %arg6[%broadcast_in_dim3A_131, %add3A_101] : memref<48x160xf32, #tpu.memory_space<vmem>>[vector<16xi32>, vector<16xi32>], vector<16xf32>,
        %add3A_133 = arith.constant 4 : i32
        %add3A_134 = arith.addi %mul3A_76, %add3A_133 : i32
        %broadcast_in_dim3A_135 = vector.broadcast %add3A_134 : i32 to vector<16xi32>
        %gather3A_136 = tpu.vector_load_idx %arg6[%broadcast_in_dim3A_135, %add3A_101] : memref<48x160xf32, #tpu.memory_space<vmem>>[vector<16xi32>, vector<16xi32>], vector<16xf32>,
        %add3A_137 = arith.constant 5 : i32
        %add3A_138 = arith.addi %mul3A_76, %add3A_137 : i32
        %broadcast_in_dim3A_139 = vector.broadcast %add3A_138 : i32 to vector<16xi32>
        %gather3A_140 = tpu.vector_load_idx %arg6[%broadcast_in_dim3A_139, %add3A_101] : memref<48x160xf32, #tpu.memory_space<vmem>>[vector<16xi32>, vector<16xi32>], vector<16xf32>,
        %add3A_141 = arith.constant 6 : i32
        %add3A_142 = arith.addi %mul3A_76, %add3A_141 : i32
        %broadcast_in_dim3A_143 = vector.broadcast %add3A_142 : i32 to vector<16xi32>
        %gather3A_144 = tpu.vector_load_idx %arg6[%broadcast_in_dim3A_143, %add3A_101] : memref<48x160xf32, #tpu.memory_space<vmem>>[vector<16xi32>, vector<16xi32>], vector<16xf32>,
        %add3A_145 = arith.constant 7 : i32
        %add3A_146 = arith.addi %mul3A_76, %add3A_145 : i32
        %broadcast_in_dim3A_147 = vector.broadcast %add3A_146 : i32 to vector<16xi32>
        %gather3A_148 = tpu.vector_load_idx %arg6[%broadcast_in_dim3A_147, %add3A_101] : memref<48x160xf32, #tpu.memory_space<vmem>>[vector<16xi32>, vector<16xi32>], vector<16xf32>,
        %add3A_149 = arith.constant 8 : i32
        %add3A_150 = arith.addi %mul3A_76, %add3A_149 : i32
        %broadcast_in_dim3A_151 = vector.broadcast %add3A_150 : i32 to vector<16xi32>
        %gather3A_152 = tpu.vector_load_idx %arg6[%broadcast_in_dim3A_151, %add3A_101] : memref<48x160xf32, #tpu.memory_space<vmem>>[vector<16xi32>, vector<16xi32>], vector<16xf32>,
        %mul3A_153 = arith.mulf %gather3A_120, %gather3A : vector<16xf32>
        %mul3A_154 = arith.mulf %gather3A_124, %gather3A_112 : vector<16xf32>
        %add3A_155 = arith.addf %mul3A_153, %mul3A_154 : vector<16xf32>
        %mul3A_156 = arith.mulf %gather3A_128, %gather3A_116 : vector<16xf32>
        %add3A_157 = arith.addf %add3A_155, %mul3A_156 : vector<16xf32>
        %mul3A_158 = arith.mulf %gather3A_132, %gather3A : vector<16xf32>
        %mul3A_159 = arith.mulf %gather3A_136, %gather3A_112 : vector<16xf32>
        %add3A_160 = arith.addf %mul3A_158, %mul3A_159 : vector<16xf32>
        %mul3A_161 = arith.mulf %gather3A_140, %gather3A_116 : vector<16xf32>
        %add3A_162 = arith.addf %add3A_160, %mul3A_161 : vector<16xf32>
        %mul3A_163 = arith.mulf %gather3A_144, %gather3A : vector<16xf32>
        %mul3A_164 = arith.mulf %gather3A_148, %gather3A_112 : vector<16xf32>
        %add3A_165 = arith.addf %mul3A_163, %mul3A_164 : vector<16xf32>
        %mul3A_166 = arith.mulf %gather3A_152, %gather3A_116 : vector<16xf32>
        %add3A_167 = arith.addf %add3A_165, %mul3A_166 : vector<16xf32>
        %broadcast_in_dim3A_168 = arith.constant 1.000000e+00 : f32
        %broadcast_in_dim3A_169 = vector.broadcast %broadcast_in_dim3A_168 : f32 to vector<16xf32>
        %add3A_170 = arith.constant 0 : i32
        %add3A_171 = vector.broadcast %add3A_170 : i32 to vector<16xi32>
        %add3A_172 = arith.addi %add3A_106, %add3A_171 : vector<16xi32>
        tpu.vector_store_idx %arg7[%add3A_172], %gather3A : memref<5120xf32, #tpu.memory_space<vmem>>[vector<16xi32>], vector<16xf32>,
        %add3A_173 = arith.constant 1 : i32
        %add3A_174 = vector.broadcast %add3A_173 : i32 to vector<16xi32>
        %add3A_175 = arith.addi %add3A_106, %add3A_174 : vector<16xi32>
        tpu.vector_store_idx %arg7[%add3A_175], %gather3A_112 : memref<5120xf32, #tpu.memory_space<vmem>>[vector<16xi32>], vector<16xf32>,
        %add3A_176 = arith.constant 2 : i32
        %add3A_177 = vector.broadcast %add3A_176 : i32 to vector<16xi32>
        %add3A_178 = arith.addi %add3A_106, %add3A_177 : vector<16xi32>
        tpu.vector_store_idx %arg7[%add3A_178], %gather3A_116 : memref<5120xf32, #tpu.memory_space<vmem>>[vector<16xi32>], vector<16xf32>,
        %add3A_179 = arith.constant 3 : i32
        %add3A_180 = vector.broadcast %add3A_179 : i32 to vector<16xi32>
        %add3A_181 = arith.addi %add3A_106, %add3A_180 : vector<16xi32>
        tpu.vector_store_idx %arg7[%add3A_181], %add3A_157 : memref<5120xf32, #tpu.memory_space<vmem>>[vector<16xi32>], vector<16xf32>,
        %add3A_182 = arith.constant 4 : i32
        %add3A_183 = vector.broadcast %add3A_182 : i32 to vector<16xi32>
        %add3A_184 = arith.addi %add3A_106, %add3A_183 : vector<16xi32>
        tpu.vector_store_idx %arg7[%add3A_184], %add3A_162 : memref<5120xf32, #tpu.memory_space<vmem>>[vector<16xi32>], vector<16xf32>,
        %add3A_185 = arith.constant 5 : i32
        %add3A_186 = vector.broadcast %add3A_185 : i32 to vector<16xi32>
        %add3A_187 = arith.addi %add3A_106, %add3A_186 : vector<16xi32>
        tpu.vector_store_idx %arg7[%add3A_187], %add3A_167 : memref<5120xf32, #tpu.memory_space<vmem>>[vector<16xi32>], vector<16xf32>,
        %add3A_188 = arith.constant 6 : i32
        %add3A_189 = vector.broadcast %add3A_188 : i32 to vector<16xi32>
        %add3A_190 = arith.addi %add3A_106, %add3A_189 : vector<16xi32>
        tpu.vector_store_idx %arg7[%add3A_190], %gather3A_120 : memref<5120xf32, #tpu.memory_space<vmem>>[vector<16xi32>], vector<16xf32>,
        %add3A_191 = arith.constant 7 : i32
        %add3A_192 = vector.broadcast %add3A_191 : i32 to vector<16xi32>
        %add3A_193 = arith.addi %add3A_106, %add3A_192 : vector<16xi32>
        tpu.vector_store_idx %arg7[%add3A_193], %gather3A_124 : memref<5120xf32, #tpu.memory_space<vmem>>[vector<16xi32>], vector<16xf32>,
        %add3A_194 = arith.constant 8 : i32
        %add3A_195 = vector.broadcast %add3A_194 : i32 to vector<16xi32>
        %add3A_196 = arith.addi %add3A_106, %add3A_195 : vector<16xi32>
        tpu.vector_store_idx %arg7[%add3A_196], %gather3A_128 : memref<5120xf32, #tpu.memory_space<vmem>>[vector<16xi32>], vector<16xf32>,
        %add3A_197 = arith.constant 9 : i32
        %add3A_198 = vector.broadcast %add3A_197 : i32 to vector<16xi32>
        %add3A_199 = arith.addi %add3A_106, %add3A_198 : vector<16xi32>
        tpu.vector_store_idx %arg7[%add3A_199], %gather3A_132 : memref<5120xf32, #tpu.memory_space<vmem>>[vector<16xi32>], vector<16xf32>,
        %add3A_200 = arith.constant 10 : i32
        %add3A_201 = vector.broadcast %add3A_200 : i32 to vector<16xi32>
        %add3A_202 = arith.addi %add3A_106, %add3A_201 : vector<16xi32>
        tpu.vector_store_idx %arg7[%add3A_202], %gather3A_136 : memref<5120xf32, #tpu.memory_space<vmem>>[vector<16xi32>], vector<16xf32>,
        %add3A_203 = arith.constant 11 : i32
        %add3A_204 = vector.broadcast %add3A_203 : i32 to vector<16xi32>
        %add3A_205 = arith.addi %add3A_106, %add3A_204 : vector<16xi32>
        tpu.vector_store_idx %arg7[%add3A_205], %gather3A_140 : memref<5120xf32, #tpu.memory_space<vmem>>[vector<16xi32>], vector<16xf32>,
        %add3A_206 = arith.constant 12 : i32
        %add3A_207 = vector.broadcast %add3A_206 : i32 to vector<16xi32>
        %add3A_208 = arith.addi %add3A_106, %add3A_207 : vector<16xi32>
        tpu.vector_store_idx %arg7[%add3A_208], %gather3A_144 : memref<5120xf32, #tpu.memory_space<vmem>>[vector<16xi32>], vector<16xf32>,
        %add3A_209 = arith.constant 13 : i32
        %add3A_210 = vector.broadcast %add3A_209 : i32 to vector<16xi32>
        %add3A_211 = arith.addi %add3A_106, %add3A_210 : vector<16xi32>
        tpu.vector_store_idx %arg7[%add3A_211], %gather3A_148 : memref<5120xf32, #tpu.memory_space<vmem>>[vector<16xi32>], vector<16xf32>,
        %add3A_212 = arith.constant 14 : i32
        %add3A_213 = vector.broadcast %add3A_212 : i32 to vector<16xi32>
        %add3A_214 = arith.addi %add3A_106, %add3A_213 : vector<16xi32>
        tpu.vector_store_idx %arg7[%add3A_214], %gather3A_152 : memref<5120xf32, #tpu.memory_space<vmem>>[vector<16xi32>], vector<16xf32>,
        %add3A_215 = arith.constant 15 : i32
        %add3A_216 = vector.broadcast %add3A_215 : i32 to vector<16xi32>
        %add3A_217 = arith.addi %add3A_106, %add3A_216 : vector<16xi32>
        tpu.vector_store_idx %arg7[%add3A_217], %broadcast_in_dim3A_169 : memref<5120xf32, #tpu.memory_space<vmem>>[vector<16xi32>], vector<16xf32>,
      }
      %scan3A_85 = arith.constant 10 : i32
      %mul3A_86 = arith.constant 2560 : i32
      %mul3A_87 = arith.muli %mul3A_86, %add3A_36 : i32
      %multiple_of3A_88 = tpu.assume_multiple %mul3A_87, 8 : i32
      %mul3A_89 = arith.constant 16 : i32
      %mul3A_90 = arith.muli %rem3A_37, %mul3A_89 : i32
      %mul3A_91 = arith.constant 160 : i32
      %mul3A_92 = arith.muli %mul3A_90, %mul3A_91 : i32
      %multiple_of3A_93 = tpu.assume_multiple %mul3A_92, 8 : i32
      %dma_start3A = tpu.memref_slice %arg7[%multiple_of3A_93] : memref<5120xf32, #tpu.memory_space<vmem>> -> memref<2560xf32, #tpu.memory_space<vmem>>
      %dma_start3A_94 = tpu.memref_slice %arg4[%multiple_of3A_88] : memref<1600000xf32, #tpu.memory_space<hbm>> -> memref<2560xf32, #tpu.memory_space<hbm>>
      %dma_start3A_95 = tpu.memref_slice %arg4[%multiple_of3A_88] : memref<1600000xf32, #tpu.memory_space<hbm>> -> memref<2560xf32, #tpu.memory_space<hbm>>
      %dma_start3A_96 = tpu.memref_slice %arg7[%multiple_of3A_93] : memref<5120xf32, #tpu.memory_space<vmem>> -> memref<2560xf32, #tpu.memory_space<vmem>>
      tpu.enqueue_dma source(%dma_start3A_96 : memref<2560xf32, #tpu.memory_space<vmem>>) target(%dma_start3A_95 : memref<2560xf32, #tpu.memory_space<hbm>>) target_semaphore(%arg9 : memref<!tpu.dma_semaphore, #tpu.memory_space<semaphore_mem>>)
    }
    %while3A_24 = arith.constant 1 : i32
    scf.for %while3A_35 = %while3A_22 to %while3A_18 step %while3A_24  : i32 {
      %add3A_36 = arith.addi %add3A_8, %while3A_35 : i32
      %rem3A = arith.constant 2 : i32
      %rem3A_37 = arith.remsi %while3A_35, %rem3A : i32
      %rem3A_38 = arith.constant 3 : i32
      %rem3A_39 = arith.remsi %while3A_35, %rem3A_38 : i32
      %add3A_40 = arith.constant 2 : i32
      %add3A_41 = arith.addi %while3A_35, %add3A_40 : i32
      %lt3A_42 = arith.cmpi slt, %add3A_41, %add3A_4 : i32
      %convert_element_type3A_43 = arith.extui %lt3A_42 : i1 to i32
      %cond3A_44 = arith.constant 0 : i32
      %cond3A_45 = arith.cmpi ne, %convert_element_type3A_43, %cond3A_44 : i32
      scf.if %cond3A_45 {
        %add3A_97 = arith.constant 2 : i32
        %add3A_98 = arith.addi %add3A_36, %add3A_97 : i32
        %add3A_99 = arith.constant 2 : i32
        %add3A_100 = arith.addi %while3A_35, %add3A_99 : i32
        %rem3A_101 = arith.constant 3 : i32
        %rem3A_102 = arith.remsi %add3A_100, %rem3A_101 : i32
        %mul3A_103 = arith.constant 160 : i32
        %mul3A_104 = arith.muli %mul3A_103, %add3A_98 : i32
        %multiple_of3A_105 = tpu.assume_multiple %mul3A_104, 8 : i32
        %mul3A_106 = arith.constant 8 : i32
        %mul3A_107 = arith.muli %mul3A_106, %rem3A_102 : i32
        %multiple_of3A_108 = tpu.assume_multiple %mul3A_107, 8 : i32
        %mul3A_109 = arith.constant 16 : i32
        %mul3A_110 = arith.muli %mul3A_109, %rem3A_102 : i32
        %multiple_of3A_111 = tpu.assume_multiple %mul3A_110, 8 : i32
        %dma_start3A_112 = arith.constant 0 : i32
        %dma_start3A_113 = tpu.memref_slice %arg5[%multiple_of3A_108, %dma_start3A_112] : memref<24x160xf32, #tpu.memory_space<vmem>> -> memref<3x160xf32, #tpu.memory_space<vmem>>
        %dma_start3A_114 = arith.constant 0 : i32
        %dma_start3A_115 = tpu.memref_slice %arg2[%dma_start3A_114, %multiple_of3A_105] : memref<3x100000xf32, #tpu.memory_space<hbm>> -> memref<3x160xf32, #tpu.memory_space<hbm>>
        %dma_start3A_116 = arith.constant 0 : i32
        %dma_start3A_117 = tpu.memref_slice %arg5[%multiple_of3A_108, %dma_start3A_116] : memref<24x160xf32, #tpu.memory_space<vmem>> -> memref<3x160xf32, #tpu.memory_space<vmem>>
        %dma_start3A_118 = arith.constant 0 : i32
        %dma_start3A_119 = tpu.memref_slice %arg2[%dma_start3A_118, %multiple_of3A_105] : memref<3x100000xf32, #tpu.memory_space<hbm>> -> memref<3x160xf32, #tpu.memory_space<hbm>>
        tpu.enqueue_dma source(%dma_start3A_119 : memref<3x160xf32, #tpu.memory_space<hbm>>) target(%dma_start3A_117 : memref<3x160xf32, #tpu.memory_space<vmem>>) target_semaphore(%arg8 : memref<!tpu.dma_semaphore, #tpu.memory_space<semaphore_mem>>)
        %dma_start3A_120 = arith.constant 0 : i32
        %dma_start3A_121 = tpu.memref_slice %arg6[%multiple_of3A_111, %dma_start3A_120] : memref<48x160xf32, #tpu.memory_space<vmem>> -> memref<9x160xf32, #tpu.memory_space<vmem>>
        %dma_start3A_122 = arith.constant 0 : i32
        %dma_start3A_123 = tpu.memref_slice %arg3[%dma_start3A_122, %multiple_of3A_105] : memref<9x100000xf32, #tpu.memory_space<hbm>> -> memref<9x160xf32, #tpu.memory_space<hbm>>
        %dma_start3A_124 = arith.constant 0 : i32
        %dma_start3A_125 = tpu.memref_slice %arg6[%multiple_of3A_111, %dma_start3A_124] : memref<48x160xf32, #tpu.memory_space<vmem>> -> memref<9x160xf32, #tpu.memory_space<vmem>>
        %dma_start3A_126 = arith.constant 0 : i32
        %dma_start3A_127 = tpu.memref_slice %arg3[%dma_start3A_126, %multiple_of3A_105] : memref<9x100000xf32, #tpu.memory_space<hbm>> -> memref<9x160xf32, #tpu.memory_space<hbm>>
        tpu.enqueue_dma source(%dma_start3A_127 : memref<9x160xf32, #tpu.memory_space<hbm>>) target(%dma_start3A_125 : memref<9x160xf32, #tpu.memory_space<vmem>>) target_semaphore(%arg8 : memref<!tpu.dma_semaphore, #tpu.memory_space<semaphore_mem>>)
      } else {
      }
      %mul3A_46 = arith.constant 160 : i32
      %mul3A_47 = arith.muli %mul3A_46, %add3A_36 : i32
      %multiple_of3A = tpu.assume_multiple %mul3A_47, 8 : i32
      %mul3A_48 = arith.constant 8 : i32
      %mul3A_49 = arith.muli %mul3A_48, %rem3A_39 : i32
      %multiple_of3A_50 = tpu.assume_multiple %mul3A_49, 8 : i32
      %mul3A_51 = arith.constant 16 : i32
      %mul3A_52 = arith.muli %mul3A_51, %rem3A_39 : i32
      %multiple_of3A_53 = tpu.assume_multiple %mul3A_52, 8 : i32
      %dma_wait3A = arith.constant 0 : i32
      %dma_wait3A_54 = tpu.memref_slice %arg5[%multiple_of3A_50, %dma_wait3A] : memref<24x160xf32, #tpu.memory_space<vmem>> -> memref<3x160xf32, #tpu.memory_space<vmem>>
      %dma_wait3A_55 = arith.constant 0 : i32
      %dma_wait3A_56 = tpu.memref_slice %arg2[%dma_wait3A_55, %multiple_of3A] : memref<3x100000xf32, #tpu.memory_space<hbm>> -> memref<3x160xf32, #tpu.memory_space<hbm>>
      %dma_wait3A_57 = arith.constant 0 : i32
      %dma_wait3A_58 = tpu.memref_slice %arg5[%multiple_of3A_50, %dma_wait3A_57] : memref<24x160xf32, #tpu.memory_space<vmem>> -> memref<3x160xf32, #tpu.memory_space<vmem>>
      %dma_wait3A_59 = arith.constant 0 : i32
      %dma_wait3A_60 = tpu.memref_slice %arg2[%dma_wait3A_59, %multiple_of3A] : memref<3x100000xf32, #tpu.memory_space<hbm>> -> memref<3x160xf32, #tpu.memory_space<hbm>>
      tpu.wait_dma2 semaphore(%arg8 : memref<!tpu.dma_semaphore, #tpu.memory_space<semaphore_mem>>) src(%dma_wait3A_60 : memref<3x160xf32, #tpu.memory_space<hbm>>) dst(%dma_wait3A_58 : memref<3x160xf32, #tpu.memory_space<vmem>>)
      %dma_wait3A_61 = arith.constant 0 : i32
      %dma_wait3A_62 = tpu.memref_slice %arg6[%multiple_of3A_53, %dma_wait3A_61] : memref<48x160xf32, #tpu.memory_space<vmem>> -> memref<9x160xf32, #tpu.memory_space<vmem>>
      %dma_wait3A_63 = arith.constant 0 : i32
      %dma_wait3A_64 = tpu.memref_slice %arg3[%dma_wait3A_63, %multiple_of3A] : memref<9x100000xf32, #tpu.memory_space<hbm>> -> memref<9x160xf32, #tpu.memory_space<hbm>>
      %dma_wait3A_65 = arith.constant 0 : i32
      %dma_wait3A_66 = tpu.memref_slice %arg6[%multiple_of3A_53, %dma_wait3A_65] : memref<48x160xf32, #tpu.memory_space<vmem>> -> memref<9x160xf32, #tpu.memory_space<vmem>>
      %dma_wait3A_67 = arith.constant 0 : i32
      %dma_wait3A_68 = tpu.memref_slice %arg3[%dma_wait3A_67, %multiple_of3A] : memref<9x100000xf32, #tpu.memory_space<hbm>> -> memref<9x160xf32, #tpu.memory_space<hbm>>
      tpu.wait_dma2 semaphore(%arg8 : memref<!tpu.dma_semaphore, #tpu.memory_space<semaphore_mem>>) src(%dma_wait3A_68 : memref<9x160xf32, #tpu.memory_space<hbm>>) dst(%dma_wait3A_66 : memref<9x160xf32, #tpu.memory_space<vmem>>)
      %ge3A = arith.constant 2 : i32
      %ge3A_69 = arith.cmpi sge, %while3A_35, %ge3A : i32
      %convert_element_type3A_70 = arith.extui %ge3A_69 : i1 to i32
      %cond3A_71 = arith.constant 0 : i32
      %cond3A_72 = arith.cmpi ne, %convert_element_type3A_70, %cond3A_71 : i32
      scf.if %cond3A_72 {
        %sub3A = arith.constant 2 : i32
        %sub3A_97 = arith.subi %add3A_36, %sub3A : i32
        %mul3A_98 = arith.constant 2560 : i32
        %mul3A_99 = arith.muli %mul3A_98, %sub3A_97 : i32
        %multiple_of3A_100 = tpu.assume_multiple %mul3A_99, 8 : i32
        %mul3A_101 = arith.constant 16 : i32
        %mul3A_102 = arith.muli %rem3A_37, %mul3A_101 : i32
        %mul3A_103 = arith.constant 160 : i32
        %mul3A_104 = arith.muli %mul3A_102, %mul3A_103 : i32
        %multiple_of3A_105 = tpu.assume_multiple %mul3A_104, 8 : i32
        %dma_wait3A_106 = tpu.memref_slice %arg7[%multiple_of3A_105] : memref<5120xf32, #tpu.memory_space<vmem>> -> memref<2560xf32, #tpu.memory_space<vmem>>
        %dma_wait3A_107 = tpu.memref_slice %arg4[%multiple_of3A_100] : memref<1600000xf32, #tpu.memory_space<hbm>> -> memref<2560xf32, #tpu.memory_space<hbm>>
        %dma_wait3A_108 = tpu.memref_slice %arg4[%multiple_of3A_100] : memref<1600000xf32, #tpu.memory_space<hbm>> -> memref<2560xf32, #tpu.memory_space<hbm>>
        %dma_wait3A_109 = tpu.memref_slice %arg7[%multiple_of3A_105] : memref<5120xf32, #tpu.memory_space<vmem>> -> memref<2560xf32, #tpu.memory_space<vmem>>
        tpu.wait_dma2 semaphore(%arg9 : memref<!tpu.dma_semaphore, #tpu.memory_space<semaphore_mem>>) src(%dma_wait3A_109 : memref<2560xf32, #tpu.memory_space<vmem>>) dst(%dma_wait3A_108 : memref<2560xf32, #tpu.memory_space<hbm>>)
      } else {
      }
      %mul3A_73 = arith.constant 8 : i32
      %mul3A_74 = arith.muli %mul3A_73, %rem3A_39 : i32
      %mul3A_75 = arith.constant 16 : i32
      %mul3A_76 = arith.muli %mul3A_75, %rem3A_39 : i32
      %mul3A_77 = arith.constant 16 : i32
      %mul3A_78 = arith.muli %rem3A_37, %mul3A_77 : i32
      %mul3A_79 = arith.constant 160 : i32
      %mul3A_80 = arith.muli %mul3A_78, %mul3A_79 : i32
      %scan3A = arith.constant 0 : i32
      %scan3A_81 = arith.constant 0 : i32
      %scan3A_82 = arith.constant 10 : i32
      %scan3A_83 = arith.addi %scan3A_81, %scan3A_82 : i32
      %scan3A_84 = arith.constant 1 : i32
      scf.for %scan3A_97 = %scan3A_81 to %scan3A_83 step %scan3A_84  : i32 {
        %mul3A_98 = arith.constant 16 : i32
        %mul3A_99 = arith.muli %scan3A_97, %mul3A_98 : i32
        %add3A_100 = vector.broadcast %mul3A_99 : i32 to vector<16xi32>
        %add3A_101 = arith.addi %iota3A, %add3A_100 : vector<16xi32>
        %mul3A_102 = arith.constant 16 : i32
        %mul3A_103 = vector.broadcast %mul3A_102 : i32 to vector<16xi32>
        %mul3A_104 = arith.muli %add3A_101, %mul3A_103 : vector<16xi32>
        %add3A_105 = vector.broadcast %mul3A_80 : i32 to vector<16xi32>
        %add3A_106 = arith.addi %mul3A_104, %add3A_105 : vector<16xi32>
        %add3A_107 = arith.constant 0 : i32
        %add3A_108 = arith.addi %mul3A_74, %add3A_107 : i32
        %broadcast_in_dim3A = vector.broadcast %add3A_108 : i32 to vector<16xi32>
        %gather3A = tpu.vector_load_idx %arg5[%broadcast_in_dim3A, %add3A_101] : memref<24x160xf32, #tpu.memory_space<vmem>>[vector<16xi32>, vector<16xi32>], vector<16xf32>,
        %add3A_109 = arith.constant 1 : i32
        %add3A_110 = arith.addi %mul3A_74, %add3A_109 : i32
        %broadcast_in_dim3A_111 = vector.broadcast %add3A_110 : i32 to vector<16xi32>
        %gather3A_112 = tpu.vector_load_idx %arg5[%broadcast_in_dim3A_111, %add3A_101] : memref<24x160xf32, #tpu.memory_space<vmem>>[vector<16xi32>, vector<16xi32>], vector<16xf32>,
        %add3A_113 = arith.constant 2 : i32
        %add3A_114 = arith.addi %mul3A_74, %add3A_113 : i32
        %broadcast_in_dim3A_115 = vector.broadcast %add3A_114 : i32 to vector<16xi32>
        %gather3A_116 = tpu.vector_load_idx %arg5[%broadcast_in_dim3A_115, %add3A_101] : memref<24x160xf32, #tpu.memory_space<vmem>>[vector<16xi32>, vector<16xi32>], vector<16xf32>,
        %add3A_117 = arith.constant 0 : i32
        %add3A_118 = arith.addi %mul3A_76, %add3A_117 : i32
        %broadcast_in_dim3A_119 = vector.broadcast %add3A_118 : i32 to vector<16xi32>
        %gather3A_120 = tpu.vector_load_idx %arg6[%broadcast_in_dim3A_119, %add3A_101] : memref<48x160xf32, #tpu.memory_space<vmem>>[vector<16xi32>, vector<16xi32>], vector<16xf32>,
        %add3A_121 = arith.constant 1 : i32
        %add3A_122 = arith.addi %mul3A_76, %add3A_121 : i32
        %broadcast_in_dim3A_123 = vector.broadcast %add3A_122 : i32 to vector<16xi32>
        %gather3A_124 = tpu.vector_load_idx %arg6[%broadcast_in_dim3A_123, %add3A_101] : memref<48x160xf32, #tpu.memory_space<vmem>>[vector<16xi32>, vector<16xi32>], vector<16xf32>,
        %add3A_125 = arith.constant 2 : i32
        %add3A_126 = arith.addi %mul3A_76, %add3A_125 : i32
        %broadcast_in_dim3A_127 = vector.broadcast %add3A_126 : i32 to vector<16xi32>
        %gather3A_128 = tpu.vector_load_idx %arg6[%broadcast_in_dim3A_127, %add3A_101] : memref<48x160xf32, #tpu.memory_space<vmem>>[vector<16xi32>, vector<16xi32>], vector<16xf32>,
        %add3A_129 = arith.constant 3 : i32
        %add3A_130 = arith.addi %mul3A_76, %add3A_129 : i32
        %broadcast_in_dim3A_131 = vector.broadcast %add3A_130 : i32 to vector<16xi32>
        %gather3A_132 = tpu.vector_load_idx %arg6[%broadcast_in_dim3A_131, %add3A_101] : memref<48x160xf32, #tpu.memory_space<vmem>>[vector<16xi32>, vector<16xi32>], vector<16xf32>,
        %add3A_133 = arith.constant 4 : i32
        %add3A_134 = arith.addi %mul3A_76, %add3A_133 : i32
        %broadcast_in_dim3A_135 = vector.broadcast %add3A_134 : i32 to vector<16xi32>
        %gather3A_136 = tpu.vector_load_idx %arg6[%broadcast_in_dim3A_135, %add3A_101] : memref<48x160xf32, #tpu.memory_space<vmem>>[vector<16xi32>, vector<16xi32>], vector<16xf32>,
        %add3A_137 = arith.constant 5 : i32
        %add3A_138 = arith.addi %mul3A_76, %add3A_137 : i32
        %broadcast_in_dim3A_139 = vector.broadcast %add3A_138 : i32 to vector<16xi32>
        %gather3A_140 = tpu.vector_load_idx %arg6[%broadcast_in_dim3A_139, %add3A_101] : memref<48x160xf32, #tpu.memory_space<vmem>>[vector<16xi32>, vector<16xi32>], vector<16xf32>,
        %add3A_141 = arith.constant 6 : i32
        %add3A_142 = arith.addi %mul3A_76, %add3A_141 : i32
        %broadcast_in_dim3A_143 = vector.broadcast %add3A_142 : i32 to vector<16xi32>
        %gather3A_144 = tpu.vector_load_idx %arg6[%broadcast_in_dim3A_143, %add3A_101] : memref<48x160xf32, #tpu.memory_space<vmem>>[vector<16xi32>, vector<16xi32>], vector<16xf32>,
        %add3A_145 = arith.constant 7 : i32
        %add3A_146 = arith.addi %mul3A_76, %add3A_145 : i32
        %broadcast_in_dim3A_147 = vector.broadcast %add3A_146 : i32 to vector<16xi32>
        %gather3A_148 = tpu.vector_load_idx %arg6[%broadcast_in_dim3A_147, %add3A_101] : memref<48x160xf32, #tpu.memory_space<vmem>>[vector<16xi32>, vector<16xi32>], vector<16xf32>,
        %add3A_149 = arith.constant 8 : i32
        %add3A_150 = arith.addi %mul3A_76, %add3A_149 : i32
        %broadcast_in_dim3A_151 = vector.broadcast %add3A_150 : i32 to vector<16xi32>
        %gather3A_152 = tpu.vector_load_idx %arg6[%broadcast_in_dim3A_151, %add3A_101] : memref<48x160xf32, #tpu.memory_space<vmem>>[vector<16xi32>, vector<16xi32>], vector<16xf32>,
        %mul3A_153 = arith.mulf %gather3A_120, %gather3A : vector<16xf32>
        %mul3A_154 = arith.mulf %gather3A_124, %gather3A_112 : vector<16xf32>
        %add3A_155 = arith.addf %mul3A_153, %mul3A_154 : vector<16xf32>
        %mul3A_156 = arith.mulf %gather3A_128, %gather3A_116 : vector<16xf32>
        %add3A_157 = arith.addf %add3A_155, %mul3A_156 : vector<16xf32>
        %mul3A_158 = arith.mulf %gather3A_132, %gather3A : vector<16xf32>
        %mul3A_159 = arith.mulf %gather3A_136, %gather3A_112 : vector<16xf32>
        %add3A_160 = arith.addf %mul3A_158, %mul3A_159 : vector<16xf32>
        %mul3A_161 = arith.mulf %gather3A_140, %gather3A_116 : vector<16xf32>
        %add3A_162 = arith.addf %add3A_160, %mul3A_161 : vector<16xf32>
        %mul3A_163 = arith.mulf %gather3A_144, %gather3A : vector<16xf32>
        %mul3A_164 = arith.mulf %gather3A_148, %gather3A_112 : vector<16xf32>
        %add3A_165 = arith.addf %mul3A_163, %mul3A_164 : vector<16xf32>
        %mul3A_166 = arith.mulf %gather3A_152, %gather3A_116 : vector<16xf32>
        %add3A_167 = arith.addf %add3A_165, %mul3A_166 : vector<16xf32>
        %broadcast_in_dim3A_168 = arith.constant 1.000000e+00 : f32
        %broadcast_in_dim3A_169 = vector.broadcast %broadcast_in_dim3A_168 : f32 to vector<16xf32>
        %add3A_170 = arith.constant 0 : i32
        %add3A_171 = vector.broadcast %add3A_170 : i32 to vector<16xi32>
        %add3A_172 = arith.addi %add3A_106, %add3A_171 : vector<16xi32>
        tpu.vector_store_idx %arg7[%add3A_172], %gather3A : memref<5120xf32, #tpu.memory_space<vmem>>[vector<16xi32>], vector<16xf32>,
        %add3A_173 = arith.constant 1 : i32
        %add3A_174 = vector.broadcast %add3A_173 : i32 to vector<16xi32>
        %add3A_175 = arith.addi %add3A_106, %add3A_174 : vector<16xi32>
        tpu.vector_store_idx %arg7[%add3A_175], %gather3A_112 : memref<5120xf32, #tpu.memory_space<vmem>>[vector<16xi32>], vector<16xf32>,
        %add3A_176 = arith.constant 2 : i32
        %add3A_177 = vector.broadcast %add3A_176 : i32 to vector<16xi32>
        %add3A_178 = arith.addi %add3A_106, %add3A_177 : vector<16xi32>
        tpu.vector_store_idx %arg7[%add3A_178], %gather3A_116 : memref<5120xf32, #tpu.memory_space<vmem>>[vector<16xi32>], vector<16xf32>,
        %add3A_179 = arith.constant 3 : i32
        %add3A_180 = vector.broadcast %add3A_179 : i32 to vector<16xi32>
        %add3A_181 = arith.addi %add3A_106, %add3A_180 : vector<16xi32>
        tpu.vector_store_idx %arg7[%add3A_181], %add3A_157 : memref<5120xf32, #tpu.memory_space<vmem>>[vector<16xi32>], vector<16xf32>,
        %add3A_182 = arith.constant 4 : i32
        %add3A_183 = vector.broadcast %add3A_182 : i32 to vector<16xi32>
        %add3A_184 = arith.addi %add3A_106, %add3A_183 : vector<16xi32>
        tpu.vector_store_idx %arg7[%add3A_184], %add3A_162 : memref<5120xf32, #tpu.memory_space<vmem>>[vector<16xi32>], vector<16xf32>,
        %add3A_185 = arith.constant 5 : i32
        %add3A_186 = vector.broadcast %add3A_185 : i32 to vector<16xi32>
        %add3A_187 = arith.addi %add3A_106, %add3A_186 : vector<16xi32>
        tpu.vector_store_idx %arg7[%add3A_187], %add3A_167 : memref<5120xf32, #tpu.memory_space<vmem>>[vector<16xi32>], vector<16xf32>,
        %add3A_188 = arith.constant 6 : i32
        %add3A_189 = vector.broadcast %add3A_188 : i32 to vector<16xi32>
        %add3A_190 = arith.addi %add3A_106, %add3A_189 : vector<16xi32>
        tpu.vector_store_idx %arg7[%add3A_190], %gather3A_120 : memref<5120xf32, #tpu.memory_space<vmem>>[vector<16xi32>], vector<16xf32>,
        %add3A_191 = arith.constant 7 : i32
        %add3A_192 = vector.broadcast %add3A_191 : i32 to vector<16xi32>
        %add3A_193 = arith.addi %add3A_106, %add3A_192 : vector<16xi32>
        tpu.vector_store_idx %arg7[%add3A_193], %gather3A_124 : memref<5120xf32, #tpu.memory_space<vmem>>[vector<16xi32>], vector<16xf32>,
        %add3A_194 = arith.constant 8 : i32
        %add3A_195 = vector.broadcast %add3A_194 : i32 to vector<16xi32>
        %add3A_196 = arith.addi %add3A_106, %add3A_195 : vector<16xi32>
        tpu.vector_store_idx %arg7[%add3A_196], %gather3A_128 : memref<5120xf32, #tpu.memory_space<vmem>>[vector<16xi32>], vector<16xf32>,
        %add3A_197 = arith.constant 9 : i32
        %add3A_198 = vector.broadcast %add3A_197 : i32 to vector<16xi32>
        %add3A_199 = arith.addi %add3A_106, %add3A_198 : vector<16xi32>
        tpu.vector_store_idx %arg7[%add3A_199], %gather3A_132 : memref<5120xf32, #tpu.memory_space<vmem>>[vector<16xi32>], vector<16xf32>,
        %add3A_200 = arith.constant 10 : i32
        %add3A_201 = vector.broadcast %add3A_200 : i32 to vector<16xi32>
        %add3A_202 = arith.addi %add3A_106, %add3A_201 : vector<16xi32>
        tpu.vector_store_idx %arg7[%add3A_202], %gather3A_136 : memref<5120xf32, #tpu.memory_space<vmem>>[vector<16xi32>], vector<16xf32>,
        %add3A_203 = arith.constant 11 : i32
        %add3A_204 = vector.broadcast %add3A_203 : i32 to vector<16xi32>
        %add3A_205 = arith.addi %add3A_106, %add3A_204 : vector<16xi32>
        tpu.vector_store_idx %arg7[%add3A_205], %gather3A_140 : memref<5120xf32, #tpu.memory_space<vmem>>[vector<16xi32>], vector<16xf32>,
        %add3A_206 = arith.constant 12 : i32
        %add3A_207 = vector.broadcast %add3A_206 : i32 to vector<16xi32>
        %add3A_208 = arith.addi %add3A_106, %add3A_207 : vector<16xi32>
        tpu.vector_store_idx %arg7[%add3A_208], %gather3A_144 : memref<5120xf32, #tpu.memory_space<vmem>>[vector<16xi32>], vector<16xf32>,
        %add3A_209 = arith.constant 13 : i32
        %add3A_210 = vector.broadcast %add3A_209 : i32 to vector<16xi32>
        %add3A_211 = arith.addi %add3A_106, %add3A_210 : vector<16xi32>
        tpu.vector_store_idx %arg7[%add3A_211], %gather3A_148 : memref<5120xf32, #tpu.memory_space<vmem>>[vector<16xi32>], vector<16xf32>,
        %add3A_212 = arith.constant 14 : i32
        %add3A_213 = vector.broadcast %add3A_212 : i32 to vector<16xi32>
        %add3A_214 = arith.addi %add3A_106, %add3A_213 : vector<16xi32>
        tpu.vector_store_idx %arg7[%add3A_214], %gather3A_152 : memref<5120xf32, #tpu.memory_space<vmem>>[vector<16xi32>], vector<16xf32>,
        %add3A_215 = arith.constant 15 : i32
        %add3A_216 = vector.broadcast %add3A_215 : i32 to vector<16xi32>
        %add3A_217 = arith.addi %add3A_106, %add3A_216 : vector<16xi32>
        tpu.vector_store_idx %arg7[%add3A_217], %broadcast_in_dim3A_169 : memref<5120xf32, #tpu.memory_space<vmem>>[vector<16xi32>], vector<16xf32>,
      }
      %scan3A_85 = arith.constant 10 : i32
      %mul3A_86 = arith.constant 2560 : i32
      %mul3A_87 = arith.muli %mul3A_86, %add3A_36 : i32
      %multiple_of3A_88 = tpu.assume_multiple %mul3A_87, 8 : i32
      %mul3A_89 = arith.constant 16 : i32
      %mul3A_90 = arith.muli %rem3A_37, %mul3A_89 : i32
      %mul3A_91 = arith.constant 160 : i32
      %mul3A_92 = arith.muli %mul3A_90, %mul3A_91 : i32
      %multiple_of3A_93 = tpu.assume_multiple %mul3A_92, 8 : i32
      %dma_start3A = tpu.memref_slice %arg7[%multiple_of3A_93] : memref<5120xf32, #tpu.memory_space<vmem>> -> memref<2560xf32, #tpu.memory_space<vmem>>
      %dma_start3A_94 = tpu.memref_slice %arg4[%multiple_of3A_88] : memref<1600000xf32, #tpu.memory_space<hbm>> -> memref<2560xf32, #tpu.memory_space<hbm>>
      %dma_start3A_95 = tpu.memref_slice %arg4[%multiple_of3A_88] : memref<1600000xf32, #tpu.memory_space<hbm>> -> memref<2560xf32, #tpu.memory_space<hbm>>
      %dma_start3A_96 = tpu.memref_slice %arg7[%multiple_of3A_93] : memref<5120xf32, #tpu.memory_space<vmem>> -> memref<2560xf32, #tpu.memory_space<vmem>>
      tpu.enqueue_dma source(%dma_start3A_96 : memref<2560xf32, #tpu.memory_space<vmem>>) target(%dma_start3A_95 : memref<2560xf32, #tpu.memory_space<hbm>>) target_semaphore(%arg9 : memref<!tpu.dma_semaphore, #tpu.memory_space<semaphore_mem>>)
    }
    %gt3A_25 = arith.constant 1 : i32
    %gt3A_26 = arith.cmpi sgt, %add3A_4, %gt3A_25 : i32
    %convert_element_type3A_27 = arith.extui %gt3A_26 : i1 to i32
    %cond3A_28 = arith.constant 0 : i32
    %cond3A_29 = arith.cmpi ne, %convert_element_type3A_27, %cond3A_28 : i32
    scf.if %cond3A_29 {
      %add3A_35 = arith.addi %add3A_8, %add3A_4 : i32
      %sub3A = arith.constant 2 : i32
      %sub3A_36 = arith.subi %add3A_35, %sub3A : i32
      %sub3A_37 = arith.constant 2 : i32
      %sub3A_38 = arith.subi %add3A_4, %sub3A_37 : i32
      %rem3A = arith.constant 2 : i32
      %rem3A_39 = arith.remsi %sub3A_38, %rem3A : i32
      %mul3A_40 = arith.constant 2560 : i32
      %mul3A_41 = arith.muli %mul3A_40, %sub3A_36 : i32
      %multiple_of3A = tpu.assume_multiple %mul3A_41, 8 : i32
      %mul3A_42 = arith.constant 16 : i32
      %mul3A_43 = arith.muli %rem3A_39, %mul3A_42 : i32
      %mul3A_44 = arith.constant 160 : i32
      %mul3A_45 = arith.muli %mul3A_43, %mul3A_44 : i32
      %multiple_of3A_46 = tpu.assume_multiple %mul3A_45, 8 : i32
      %dma_wait3A = tpu.memref_slice %arg7[%multiple_of3A_46] : memref<5120xf32, #tpu.memory_space<vmem>> -> memref<2560xf32, #tpu.memory_space<vmem>>
      %dma_wait3A_47 = tpu.memref_slice %arg4[%multiple_of3A] : memref<1600000xf32, #tpu.memory_space<hbm>> -> memref<2560xf32, #tpu.memory_space<hbm>>
      %dma_wait3A_48 = tpu.memref_slice %arg4[%multiple_of3A] : memref<1600000xf32, #tpu.memory_space<hbm>> -> memref<2560xf32, #tpu.memory_space<hbm>>
      %dma_wait3A_49 = tpu.memref_slice %arg7[%multiple_of3A_46] : memref<5120xf32, #tpu.memory_space<vmem>> -> memref<2560xf32, #tpu.memory_space<vmem>>
      tpu.wait_dma2 semaphore(%arg9 : memref<!tpu.dma_semaphore, #tpu.memory_space<semaphore_mem>>) src(%dma_wait3A_49 : memref<2560xf32, #tpu.memory_space<vmem>>) dst(%dma_wait3A_48 : memref<2560xf32, #tpu.memory_space<hbm>>)
    } else {
    }
    %gt3A_30 = arith.constant 0 : i32
    %gt3A_31 = arith.cmpi sgt, %add3A_4, %gt3A_30 : i32
    %convert_element_type3A_32 = arith.extui %gt3A_31 : i1 to i32
    %cond3A_33 = arith.constant 0 : i32
    %cond3A_34 = arith.cmpi ne, %convert_element_type3A_32, %cond3A_33 : i32
    scf.if %cond3A_34 {
      %add3A_35 = arith.addi %add3A_8, %add3A_4 : i32
      %sub3A = arith.constant 1 : i32
      %sub3A_36 = arith.subi %add3A_35, %sub3A : i32
      %sub3A_37 = arith.constant 1 : i32
      %sub3A_38 = arith.subi %add3A_4, %sub3A_37 : i32
      %rem3A = arith.constant 2 : i32
      %rem3A_39 = arith.remsi %sub3A_38, %rem3A : i32
      %mul3A_40 = arith.constant 2560 : i32
      %mul3A_41 = arith.muli %mul3A_40, %sub3A_36 : i32
      %multiple_of3A = tpu.assume_multiple %mul3A_41, 8 : i32
      %mul3A_42 = arith.constant 16 : i32
      %mul3A_43 = arith.muli %rem3A_39, %mul3A_42 : i32
      %mul3A_44 = arith.constant 160 : i32
      %mul3A_45 = arith.muli %mul3A_43, %mul3A_44 : i32
      %multiple_of3A_46 = tpu.assume_multiple %mul3A_45, 8 : i32
      %dma_wait3A = tpu.memref_slice %arg7[%multiple_of3A_46] : memref<5120xf32, #tpu.memory_space<vmem>> -> memref<2560xf32, #tpu.memory_space<vmem>>
      %dma_wait3A_47 = tpu.memref_slice %arg4[%multiple_of3A] : memref<1600000xf32, #tpu.memory_space<hbm>> -> memref<2560xf32, #tpu.memory_space<hbm>>
      %dma_wait3A_48 = tpu.memref_slice %arg4[%multiple_of3A] : memref<1600000xf32, #tpu.memory_space<hbm>> -> memref<2560xf32, #tpu.memory_space<hbm>>
      %dma_wait3A_49 = tpu.memref_slice %arg7[%multiple_of3A_46] : memref<5120xf32, #tpu.memory_space<vmem>> -> memref<2560xf32, #tpu.memory_space<vmem>>
      tpu.wait_dma2 semaphore(%arg9 : memref<!tpu.dma_semaphore, #tpu.memory_space<semaphore_mem>>) src(%dma_wait3A_49 : memref<2560xf32, #tpu.memory_space<vmem>>) dst(%dma_wait3A_48 : memref<2560xf32, #tpu.memory_space<hbm>>)
    } else {
    }
    return
  }
}

</mosaic_0001>

<sc_bundles>
// kernel: kernel.4.cloned.1.call-start
scs
__scs_entry_jumppad:
0x0: {  	(pc) =	sbr.rel $0x88, $3  }
0x1: {  	(tag) =	ssettag $0x0;
	lr =	simm.s32 $0x1  }
0x2: {  	[smem:$0x3F9C] =	sst lr;
	_ =	strace $0xD0000000  }
0x3: {  	_ = 	snop  }
0x4: {  	_ = 	snop  }
0x5: {  	_ = 	snop  }
0x6: {  	_ = 	snop  }
0x7: {  	_ = 	snop  }
__scs_overlays_trampoline_lowered:
0x8: {  	[smem:$0x3FAB] =	sst s0  }
0x9: {  	[smem:$0x3FAC] =	sst s1  }
0xa: {  	[smem:$0x3FAD] =	sst s2  }
0xb: {  	[smem:$0x3FAE] =	sst s3  }
0xc: {  	[smem:$0x3FAF] =	sst s4  }
0xd: {  	[smem:$0x3FB0] =	sst s5  }
0xe: {  	[smem:$0x3FB1] =	sst s6  }
0xf: {  	[smem:$0x3FB2] =	sst s7  }
0x10: {  	[smem:$0x3FB3] =	sst s8  }
0x11: {  	[smem:$0x3FB4] =	sst s9;
	s0 =	simm.s32 @!p0 $0x0  }
0x12: {  	s1 =	sld [smem:$0x3F9A];
	s0 =	simm.s32 @p0 $0x1  }
0x13: {  	[smem:$0x3FB5] =	sst s0;
	s0 =	simm.s32 @!p1 $0x0  }
0x14: {  	s2 =	sld [smem:$0x3F99];
	s0 =	simm.s32 @p1 $0x1  }
0x15: {  	[smem:$0x3FB6] =	sst s0;
	s0 =	simm.s32 @!p2 $0x0  }
0x16: {  	s3 =	sld [smem:$0x3FDB];
	s0 =	simm.s32 @p2 $0x1  }
0x17: {  	s4 =	simm.s32 $0x1BF5;
	[smem:$0x3FB8] =	sst s0  }
0x18: {  	s0 =	sld [smem:$0x3F9B];
	_ =	swait.ge [sflag:s4], $0x0  }
0x19: {  	s7 =	sld [smem:$0x3F9C]  }
0x1a: {  	s8 =	sadd.s32 $0xFFFFE003, lr  }
0x1b: {  	s9 =	sadd.s32 $0xFFFFFEF7, lr;
	s5 =	simm.s32 $0xFFFFFFFF;
	p2 =	slt.u32 s8, $0xFFFFF086  }
0x1c: {  	p1 =	slt.u32 s9, $0xF7A;
	s5 =	simm.s32 @!p2 $0x0  }
0x1d: {  	s5 =	simm.s32 @p1 $0x1;
	p0 =	seq.s32 s7, s2  }
0x1e: {  	s7 =	smul.u32 @!p0 $0xF7A, s2;
	p2 =	seq.s32 @!p0 s5, $0x0  }
0x1f: {  	s9 =	smul.u32 $0xF7A, s1;
	s8 =	simm.s32 @!p0 $0x1BF5;
	p2 =	por !p2, p0  }
0x20: {  	[sflag:s8] =	ssyncset.s32 @!p0 $0xFFFFF086;
	s6 =	sadd.s32 @!p0 s3, s7;
	s7 =	simm.s32 @!p0 $0x108  }
0x21: {  	s3 =	sadd.s32 s3, s9;
	s6 =	sadd.s32 @!p0 $0x88, s6;
	s7 =	simm.s32 @p2 $0x1082  }
0x22: {  	[simem:s7], [sflag:s8] =	dma.local @!p0 [hbm:s6], $0xF7A  }
0x23: {  	s9 =	sor.u32 $0xD0000000, s2;
	s6 =	simm.s32 $0x108;
	_ =	swait.ge @!p0 [sflag:s8], $0x0  }
0x24: {  	s3 =	sadd.s32 $0x88, s3;
	s6 =	simm.s32 @!p1 $0x1082;
	[sflag:s4] =	ssyncset.s32 $0xFFFFF086  }
0x25: {  	[simem:s6], [sflag:s4] =	dma.local [hbm:s3], $0xF7A  }
0x26: {  	[smem:$0x3F9C] =	sst s1;
	(tag) =	ssettag s2;
	_ =	strace s9  }
0x27: {  	s1 =	sld [smem:$0x3FAC]  }
0x28: {  	s2 =	sld [smem:$0x3FAD]  }
0x29: {  	s4 =	sld [smem:$0x3FAF]  }
0x2a: {  	p0 =	seq.s32 s5, $0x0;
	s5 =	sld [smem:$0x3FB0]  }
0x2b: {  	s6 =	sld [smem:$0x3FB1]  }
0x2c: {  	s7 =	sld [smem:$0x3FB2]  }
0x2d: {  	s3 =	simm.s32 $0x108;
	s8 =	sld [smem:$0x3FB3]  }
0x2e: {  	s3 =	simm.s32 @!p0 $0x1082;
	s9 =	sld [smem:$0x3FB4]  }
0x2f: {  	lr =	sadd.s32 s0, s3;
	s0 =	sld [smem:$0x3FAB]  }
0x30: {  	s3 =	sld [smem:$0x3FAE]  }
0x31: {  	[smem:$0x3FB7] =	sst s10  }
0x32: {  	s10 =	sld [smem:$0x3FB5];
	_ =	sdelay $0x3  }
0x33: {  	p0 =	seq.s32 s10, $0x1;
	s10 =	sld [smem:$0x3FB7];
	_ =	sdelay $0x3  }
0x34: {  	[smem:$0x3FB7] =	sst s10  }
0x35: {  	s10 =	sld [smem:$0x3FB6];
	_ =	sdelay $0x3  }
0x36: {  	p1 =	seq.s32 s10, $0x1;
	s10 =	sld [smem:$0x3FB7];
	_ =	sdelay $0x3  }
0x37: {  	[smem:$0x3FB7] =	sst s10  }
0x38: {  	s10 =	sld [smem:$0x3FB8]  }
0x39: {  	_ = 	snop;
	(pc) =	sbr.ind lr, $3  }
0x3a: {  	_ = 	snop  }
0x3b: {  	_ = 	snop  }
0x3c: {  	p2 =	seq.s32 s10, $0x1;
	s10 =	sld [smem:$0x3FB7]  }
0x3d: {  	_ =	shalt  }
0x3e: {  	_ =	shalt  }
0x3f: {  	_ =	shalt  }
0x40: {  	_ =	shalt  }
0x41: {  	_ =	shalt  }
0x42: {  	_ =	shalt  }
0x43: {  	_ =	shalt  }
0x44: {  	_ =	shalt  }
0x45: {  	_ =	shalt  }
0x46: {  	_ =	shalt  }
0x47: {  	_ =	shalt  }
0x48: {  	_ =	shalt  }
0x49: {  	_ =	shalt  }
0x4a: {  	_ =	shalt  }
0x4b: {  	_ =	shalt  }
0x4c: {  	_ =	shalt  }
0x4d: {  	_ =	shalt  }
0x4e: {  	_ =	shalt  }
0x4f: {  	_ =	shalt  }
0x50: {  	_ =	shalt  }
0x51: {  	_ =	shalt  }
0x52: {  	_ =	shalt  }
0x53: {  	_ =	shalt  }
0x54: {  	_ =	shalt  }
0x55: {  	_ =	shalt  }
0x56: {  	_ =	shalt  }
0x57: {  	_ =	shalt  }
0x58: {  	_ =	shalt  }
0x59: {  	_ =	shalt  }
0x5a: {  	_ =	shalt  }
0x5b: {  	_ =	shalt  }
0x5c: {  	_ =	shalt  }
0x5d: {  	_ =	shalt  }
0x5e: {  	_ =	shalt  }
0x5f: {  	_ =	shalt  }
0x60: {  	_ =	shalt  }
0x61: {  	_ =	shalt  }
0x62: {  	_ =	shalt  }
0x63: {  	_ =	shalt  }
0x64: {  	_ =	shalt  }
0x65: {  	_ =	shalt  }
0x66: {  	_ =	shalt  }
0x67: {  	_ =	shalt  }
0x68: {  	_ =	shalt  }
0x69: {  	_ =	shalt  }
0x6a: {  	_ =	shalt  }
0x6b: {  	_ =	shalt  }
0x6c: {  	_ =	shalt  }
0x6d: {  	_ =	shalt  }
0x6e: {  	_ =	shalt  }
0x6f: {  	_ =	shalt  }
0x70: {  	_ =	shalt  }
0x71: {  	_ =	shalt  }
0x72: {  	_ =	shalt  }
0x73: {  	_ =	shalt  }
0x74: {  	_ =	shalt  }
0x75: {  	_ =	shalt  }
0x76: {  	_ =	shalt  }
0x77: {  	_ =	shalt  }
0x78: {  	_ =	shalt  }
0x79: {  	_ =	shalt  }
0x7a: {  	_ =	shalt  }
0x7b: {  	_ =	shalt  }
0x7c: {  	_ =	shalt  }
0x7d: {  	_ =	shalt  }
0x7e: {  	_ =	shalt  }
0x7f: {  	_ =	shalt  }
0x80: {  	_ =	shalt  }
0x81: {  	_ =	shalt  }
0x82: {  	_ =	shalt  }
0x83: {  	_ =	shalt  }
0x84: {  	_ =	shalt  }
0x85: {  	_ =	shalt  }
0x86: {  	_ =	shalt  }
0x87: {  	_ =	shalt  }
.Lfunc_end0:
.L_simem_size_0:
called_computation_lowered:
.L_overlay_start_0:
0x88: {  	s2 =	sld [smem:$0x3FD9]  }
0x89: {  	s3 =	sld [smem:$0x3FFE];
	_ =	sdelay $0x1  }
0x8a: {  	s1 =	srdreg.scid  }
0x8b: {  	s0 =	sand.u32 $0x1, s1  }
0x8c: {  	s17 =	sshll.u32 s0, $0xA;
	s2 =	sadd.s32 s3, s2  }
0x8d: {  	s2 =	sadd.s32 s2, s17  }
0x8e: {  	[smem:$0x3FC3] =	sst s2  }
0x8f: {  	_ = 	snop  }
0x90: {  	s2 =	sld [smem:$0x3FD0];
	(tm) =	ssettm $0x1  }
0x91: {  	s18 =	sld [smem:$0x3FFB];
	_ =	sdelay $0x3  }
0x92: {  	_ =	strace s18  }
0x93: {  	s3 =	sld [smem:$0x3FFC];
	_ =	sdelay $0x3  }
0x94: {  	_ =	strace s3  }
0x95: {  	s3 =	sld [smem:$0x3FFD];
	_ =	sdelay $0x3  }
0x96: {  	_ =	strace s3  }
0x97: {  	_ =	strace $0x8FFFFFFF  }
0x98: {  	s19 =	sld [smem:$0x3FDB];
	_ =	sdelay $0x1  }
0x99: {  	s4 =	simm.s32 $_scs_section_size  }
0x9a: {  	s5 =	simm.s32 $_size__tile_overlayer_lowered;
	s6 =	simm.s32 $_tile_overlayer_lowered  }
0x9b: {  	s22 =	simm.s32 $0x1BFF;
	s21 =	sshll.u32 s6, $0x1;
	s3 =	sadd.s32 s4, s19  }
0x9c: {  	s7 =	simm.s32 $0x0;
	s20 =	sshll.u32 s5, $0x1;
	s5 =	sadd.s32 s21, s3  }
0x9d: {  	[timem:s7], [sflag:s22] =	dma.local [hbm:s5], s20  }
0x9e: {  	_ =	swait.ge [sflag:s22], s20  }
0x9f: {  	s4 =	ssub.s32 $0x0, s20;
	[sflag:s22] =	ssyncset.done $0x0  }
0xa0: {  	[sflag:s22] =	ssyncadd.s32 s4;
	_ =	sdelay $0x1  }
0xa1: {  	s23 =	simm.s32 $0x1B8B  }
0xa2: {  	_ =	swait.ge [sflag:s23], $0x1  }
0xa3: {  	[sflag:s23] =	ssyncset.done $0x0  }
0xa4: {  	s25 =	simm.s32 $0x1B8E;
	s24 =	sld [smem:$0x3FFE];
	[sflag:s23] =	ssyncadd.s32 $0xFFFFFFFF  }
0xa5: {  	s26 =	simm.s32 $execute0_lowered;
	[smem:$0x3FD2] =	sst s25  }
0xa6: {  	s5 =	sshll.u32 s26, $0x1;
	_ =	strace $0x80000046;
	[dreg:$0x1] =	wrdreg $0xFFFFFFFF  }
0xa7: {  	s28 =	simm.s32 $_size_execute0_lowered;
	s3 =	sadd.s32 s3, s5;
	[dreg:$0x0] =	wrdreg $0x0  }
0xa8: {  	s5 =	sshll.u32 s28, $0x1;
	[dreg:$0x2] =	wrdreg s3  }
0xa9: {  	[dreg:$0x3] =	wrdreg s5  }
0xaa: {  	[dreg:$0x4] =	wrdreg $0xC0  }
0xab: {  	_ =	task [dreg:s7], $0x5FFFF  }
0xac: {  	[dreg:$0x1] =	wrdreg $0xFFFFFFFF  }
0xad: {  	[dreg:$0x0] =	wrdreg $0x60  }
0xae: {  	[dreg:$0x2] =	wrdreg s2  }
0xaf: {  	[dreg:$0x3] =	wrdreg s24  }
0xb0: {  	[dreg:$0x4] =	wrdreg $0x9  }
0xb1: {  	_ =	task.clear_ibuf [dreg:s7], $0x5FFFF;
	_ =	strace $0x90000046  }
0xb2: {  	s29 =	simm.s32 $0x9;
	_ =	strace $0x80000048  }
0xb3: {  	_ =	swait.ge [sflag:s29], $0x1  }
0xb4: {  	[sflag:s29] =	ssyncadd.s32 $0xFFFFFFFF  }
0xb5: {  	_ =	strace $0x90000048  }
0xb6: {  	_ =	sfence  }
0xb7: {  	s30 =	sld [smem:$0x0];
	_ =	sdelay $0x2  }
0xb8: {  	s31 =	sshll.u32 s1, $0xD;
	s1 =	sshrl.u32 s1, $0x2  }
0xb9: {  	s3 =	sand.u32 $0x4000, s31;
	s1 =	sadd.s32 s1, s30  }
0xba: {  	s0 =	sor.u32 s3, s0;
	s1 =	sshll.u32 s1, $0x11  }
0xbb: {  	s0 =	sor.u32 s1, s0  }
0xbc: {  	s0 =	sadd.s32 $0x8F2B, s0  }
0xbd: {  	[sflag:s0] =	ssyncadd.remote.s32 $0x1  }
0xbe: {  	_ =	sfence.sel $0xFFFF  }
0xbf: {  	[dreg:$0x0] =	wrdreg $0xFFFFFFFF;
	(pc) =	sbr.abs _section_cstart, $3  }
0xc0: {  	[dreg:$0x1] =	wrdreg $0xFFFFFFFF  }
0xc1: {  	_ =	task.clear_ibuf [dreg:s7], $0x2FFFF;
	_ =	strace $0x9FFFFFFF  }
0xc2: {  	(tm) =	ssettm $0x7FFFFFFF  }
0xc3: {  	_ =	shalt  }
tec
execute0_lowered:
.L_overlay_start_1:
0x0: {  	(tag) =	ssettag $0x1  }
0x1: {  	s2 =	rddreg [dreg:$0x0]  }
0x2: {  	s1 =	srdreg.scid;
	s0 =	stileid.u32  }
0x3: {  	s6 =	rddreg [dreg:$0x1];
	s3 =	simm.s32 $0x0;
	s13 =	simm.s32 $0xA0  }
0x4: {  	s14 =	simm.s32 $0x186A0;
	s15 =	simm.s32 $0xF00;
	s16 =	simm.s32 $0x500  }
0x5: {  	s17 =	simm.s32 $0x1900;
	s5 =	sand.u32 $0x1, s1;
	s4 =	sshll.u32 s0, $0x1  }
0x6: {  	s18 =	simm.s32 $0x1;
	s19 =	simm.s32 $0x2D00;
	s7 =	sor.u32 s5, s4  }
0x7: {  	s20 =	simm.s32 $0x2;
	[smem:$0x7FF] =	sst s3;
	s8 =	smul.u32 $0x13, s7  }
0x8: {  	s21 =	simm.s32 $0x0;
	_ =	strace $0x80000047;
	s9 =	smin.u32 s7, $0x11  }
0x9: {  	s4 =	sadd.s32 $0xA00, s6;
	s10 =	ssub.s32 $0x2, s5;
	s5 =	sadd.s32 s9, s8  }
0xa: {  	s6 =	sadd.s32 $0x1C200, s6;
	s29 =	sshrl.u32 s10, $0x1;
	s9 =	smul.u32 $0xA0, s5  }
0xb: {  	p0 =	slt.u32 s7, $0x11;
	s7 =	simm.s32 $0x14;
	s11 =	smul.u32 $0x14, s5  }
0xc: {  	s12 =	ssub.s32 s10, s29;
	s7 =	simm.s32 @!p0 $0x13;
	s30 =	sshrl.u32 s9, $0x3  }
0xd: {  	v0 =	vlaneseq.u32;
	s12 =	smax.u32 s12, $0x1;
	s8 =	sadd.s32 s2, s11;
	s31 =	sadd.s32 $0x14, s30  }
0xe: {  	v2 =	vimm.f32 $1.000000000e+00;
	v1 =	vand.u32 $0x7, v0;
	s9 =	sadd.s32 s4, s11;
	s10 =	sadd.s32 s2, s31;
	s11 =	sadd.s32 s4, s31  }
.LBB2_1:
0xf: {  	[tilespmem:s3], [sflag:$0x1] =	stream.strided.gather [hbm4b:s8+s13], $0x1E0, s14, s13, $0x38;
	[tilespmem:$0x4100] =	vst v63  }
0x10: {  	_ = 	snop  }
0x11: {  	[tilespmem:s15], [sflag:$0x1] =	stream.strided.gather [hbm4b:s9+s13], $0x5A0, s14, s13, $0x38;
	[tilespmem:$0x4100] =	vst v63  }
0x12: {  	_ = 	snop  }
0x13: {  	[tilespmem:s16], [sflag:$0x1] =	stream.strided.gather [hbm4b:s10+s13], $0x1E0, s14, s13, $0x38;
	[tilespmem:$0x4100] =	vst v63  }
0x14: {  	s22 =	simm.s32 $0x0  }
0x15: {  	[tilespmem:s17], [sflag:$0x1] =	stream.strided.gather [hbm4b:s11+s13], $0x5A0, s14, s13, $0x38;
	[tilespmem:$0x4100] =	vst v63  }
.LBB2_2:
0x16: {  	s23 =	smulhi.u32 $0xAAAAAAAB, s22;
	s24 =	sadd.s32 $0x2, s22  }
0x17: {  	p0 =	sge.u32 s24, s7  }
0x18: {  	s23 =	sshrl.u32 s23, $0x1;
	s25 =	smulhi.u32 @!p0 $0xAAAAAAAB, s24  }
0x19: {  	s30 =	sand.u32 $0x1, s22;
	s23 =	smul.u32 $0x3, s23  }
0x1a: {  	p1 =	seq.s32 s30, $0x1;
	s25 =	sshrl.u32 @!p0 s25, $0x1  }
0x1b: {  	s26 =	ssub.s32 s22, s23;
	s23 =	sadd.s32 s5, s22;
	s25 =	smul.u32 @!p0 $0x3, s25  }
0x1c: {  	s1 =	simm.s32 @!p0 $0xA0;
	s28 =	sshll.u32 s26, $0x3;
	s29 =	smul.u32 @!p0 $0xA0, s23  }
0x1d: {  	s0 =	simm.s32 @!p0 $0x186A0;
	s26 =	sshll.u32 s26, $0x4;
	v3 =	vmov s28;
	s25 =	ssub.s32 @!p0 s24, s25  }
0x1e: {  	s31 =	sor.u32 $0x1, s28;
	v7 =	vmov s26;
	v3 =	vmul.u32 $0xA0, v3;
	s30 =	smul.u32 @!p0 $0x1400, s25;
	s29 =	sshrl.u32 @!p0 s29, $0x3  }
0x1f: {  	s24 =	simm.s32 $0xA00;
	s28 =	sor.u32 $0x2, s28;
	v4 =	vmov s31;
	v7 =	vmul.u32 $0xA0, v7;
	s29 =	sadd.s32 @!p0 $0x28, s29  }
0x20: {  	s24 =	simm.s32 @!p1 $0x0;
	v6 =	vmul.u32 $0xA0, v4;
	v5 =	vbroadcast v3, $0x0;
	s30 =	sshrl.u32 @!p0 s30, $0x2;
	s31 =	sadd.s32 @!p0 s2, s29  }
0x21: {  	v3 =	vmov s24;
	v7 =	vbroadcast v7, $0x0;
	[tilespmem:s30], [sflag:$0x1] =	stream.strided.gather @!p0 [hbm4b:s31+s1], $0x1E0, s0, s1, $0x38;
	[tilespmem:$0x4100] =	vst v63  }
0x22: {  	s30 =	sor.u32 $0x3, s26;
	s31 =	sor.u32 $0x4, s26;
	v4 =	vor.u32 v1, v5;
	v5 =	vbroadcast v6, $0x0;
	v6 =	vmov s28  }
0x23: {  	s28 =	sor.u32 $0x1, s26;
	v10 =	vmov s30;
	v7 =	vor.u32 v1, v7;
	v11 =	vmov s31  }
0x24: {  	s30 =	sor.u32 $0x5, s26;
	s31 =	sor.u32 $0x6, s26;
	v6 =	vmul.u32 $0xA0, v6;
	v8 =	vmov s28;
	v10 =	vmul.u32 $0xA0, v10  }
0x25: {  	s28 =	sor.u32 $0x2, s26;
	v12 =	vmov s30;
	v11 =	vmul.u32 $0xA0, v11;
	v13 =	vmov s31  }
0x26: {  	s25 =	smul.u32 @!p0 $0x2800, s25;
	s30 =	sor.u32 $0x7, s26;
	v8 =	vmul.u32 $0xA0, v8;
	v9 =	vmov s28;
	v5 =	vor.u32 v1, v5  }
0x27: {  	s26 =	sor.u32 $0x8, s26;
	v12 =	vmul.u32 $0xA0, v12;
	v13 =	vmul.u32 $0xA0, v13;
	v14 =	vmov s30  }
0x28: {  	s25 =	sshrl.u32 @!p0 s25, $0x2;
	v15 =	vmov s26;
	v6 =	vbroadcast v6, $0x0;
	v9 =	vmul.u32 $0xA0, v9  }
0x29: {  	s29 =	sadd.s32 @!p0 s4, s29;
	s25 =	sadd.s32 @!p0 $0xF00, s25;
	v10 =	vbroadcast v10, $0x0;
	v11 =	vbroadcast v11, $0x0;
	v14 =	vmul.u32 $0xA0, v14  }
0x2a: {  	[tilespmem:s25], [sflag:$0x1] =	stream.strided.gather @!p0 [hbm4b:s29+s1], $0x5A0, s0, s1, $0x38;
	v15 =	vmul.u32 $0xA0, v15;
	v8 =	vbroadcast v8, $0x0;
	v12 =	vbroadcast v12, $0x0;
	[tilespmem:$0x4100] =	vst v63  }
0x2b: {  	_ =	swait.ge [sflag:s18], $0x1E0;
	v16 =	vbroadcast v13, $0x0;
	v6 =	vor.u32 v1, v6;
	v9 =	vbroadcast v9, $0x0  }
0x2c: {  	s31 =	simm.s32 $0x0;
	[sflag:s18] =	ssyncset.done $0x0;
	v10 =	vor.u32 v1, v10;
	v17 =	vbroadcast v14, $0x0;
	v15 =	vbroadcast v15, $0x0  }
0x2d: {  	[sflag:s18] =	ssyncadd.s32 $0xFFFFFE20;
	v13 =	vor.u32 v1, v12;
	v14 =	vor.u32 v1, v16;
	v16 =	vor.u32 s31, v0  }
0x2e: {  	_ =	swait.ge [sflag:s18], $0x5A0;
	v17 =	vor.u32 v1, v17;
	v12 =	vor.u32 v1, v15;
	v15 =	vand.u32 $0xF8, v16  }
0x2f: {  	p0 =	slt.u32 s22, $0x2;
	v11 =	vor.u32 v1, v11;
	v8 =	vor.u32 v1, v8;
	[sflag:s18] =	ssyncset.done $0x0;
	v28 =	vadd.s32 v17, v15  }
0x30: {  	s0 =	simm.s32 @!p0 $0x2;
	v9 =	vor.u32 v1, v9;
	[sflag:s18] =	ssyncadd.s32 $0xFFFFFA60;
	v16 =	vshll.u32 v16, $0x4;
	v26 =	vor.u32 v7, v15  }
0x31: {  	v18 =	vor.u32 v4, v15;
	v20 =	vadd.s32 v5, v15;
	_ =	swait.ge @!p0 [sflag:s0], $0xA00;
	v27 =	vadd.s32 v14, v15  }
0x32: {  	v19 =	vadd.s32 v8, v15;
	v23 =	vadd.s32 v10, v15;
	v25 =	vadd.s32 v11, v15;
	[sflag:s0] =	ssyncset.done @!p0 $0x0  }
0x33: {  	s25 =	simm.s32 $0x10;
	v21 =	vadd.s32 v6, v15;
	v22 =	vadd.s32 v13, v15;
	v24 =	vadd.s32 v9, v15;
	[sflag:s0] =	ssyncadd.s32 @!p0 $0xFFFFF600  }
.LBB2_3:
0x34: {  	p0 =	sne.s32 s25, $0x90;
	v29 =	vld.idx.msk [tilespmem:v28+s15+$0x0], $0xffff;
	s0 =	smov.u32 s25;
	s25 =	sadd.s32 $0x10, s25  }
0x35: {  	v28 =	vor.u32 s0, v0;
	v30 =	vld.idx.msk [tilespmem:v26+s15+$0x0], $0xffff  }
0x36: {  	v31 =	vshll.u32 v28, $0x4;
	v32 =	vand.u32 $0xF8, v28;
	v33 =	vld.idx.msk [tilespmem:v27+s15+$0x0], $0xffff  }
0x37: {  	v27 =	vor.u32 v4, v32;
	v26 =	vadd.s32 v5, v32;
	v34 =	vld.idx.msk [tilespmem:v25+s15+$0x0], $0xffff  }
0x38: {  	v35 =	vadd.s32 v8, v32;
	v36 =	vadd.s32 v10, v32;
	v37 =	vld.idx.msk [tilespmem:v20+s3+$0x0], $0xffff;
	v20 =	vmov v26  }
0x39: {  	v25 =	vadd.s32 v11, v32;
	v26 =	vor.u32 v7, v32;
	v38 =	vld.idx.msk [tilespmem:v18+s3+$0x0], $0xffff;
	v18 =	vmov v27  }
0x3a: {  	v41 =	vor.u32 v12, v15;
	v39 =	vadd.s32 v6, v32;
	v27 =	vadd.s32 v14, v32;
	v40 =	vld.idx.msk [tilespmem:v23+s15+$0x0], $0xffff  }
0x3b: {  	v42 =	vadd.s32 v13, v32;
	v28 =	vadd.s32 v17, v32;
	v15 =	vmovc v32;
	v43 =	vld.idx.msk [tilespmem:v19+s15+$0x0], $0xffff;
	v19 =	vmov v35  }
0x3c: {  	v23 =	vmov v36;
	v32 =	vld.idx.msk [tilespmem:v24+s15+$0x0], $0xffff  }
0x3d: {  	v24 =	vadd.s32 v9, v15;
	v35 =	vld.idx.msk [tilespmem:v21+s3+$0x0], $0xffff;
	v21 =	vmov v39  }
0x3e: {  	v39 =	vmul.f32 v34, v37;
	v36 =	vld.idx.msk [tilespmem:v22+s15+$0x0], $0xffff;
	v22 =	vmov v42  }
0x3f: {  	v45 =	vmul.f32 v29, v37;
	v42 =	vadd.s32 v3, v16;
	v44 =	vmul.f32 v30, v38;
	v41 =	vld.idx.msk [tilespmem:v41+s15+$0x0], $0xffff  }
0x40: {  	v47 =	vmul.f32 v33, v38;
	v16 =	vmovc v31;
	v46 =	vmul.f32 v40, v38;
	v48 =	vor.u32 $0x1, v42  }
0x41: {  	v49 =	vor.u32 $0x2, v42;
	v31 =	vmul.f32 v43, v37  }
0x42: {  	v45 =	vadd.f32 v45, v47;
	v39 =	vadd.f32 v39, v46;
	v46 =	vor.u32 $0x3, v42  }
0x43: {  	v47 =	vor.u32 $0x4, v42;
	v31 =	vadd.f32 v31, v44;
	v44 =	vmul.f32 v32, v35  }
0x44: {  	v50 =	vmul.f32 v36, v35;
	[tilespmem:v42+s19+$0x0] =	vst.idx.msk $0xffff, v38;
	v38 =	vor.u32 $0x5, v42  }
0x45: {  	v31 =	vadd.f32 v44, v31;
	v44 =	vmul.f32 v41, v35;
	[tilespmem:v48+s19+$0x0] =	vst.idx.msk $0xffff, v37;
	v37 =	vor.u32 $0x6, v42  }
0x46: {  	v39 =	vadd.f32 v50, v39;
	[tilespmem:v49+s19+$0x0] =	vst.idx.msk $0xffff, v35;
	v35 =	vor.u32 $0x7, v42  }
0x47: {  	v44 =	vadd.f32 v44, v45;
	[tilespmem:v46+s19+$0x0] =	vst.idx.msk $0xffff, v31;
	v31 =	vor.u32 $0x8, v42  }
0x48: {  	[tilespmem:v47+s19+$0x0] =	vst.idx.msk $0xffff, v39;
	v39 =	vor.u32 $0x9, v42  }
0x49: {  	[tilespmem:v38+s19+$0x0] =	vst.idx.msk $0xffff, v44;
	v38 =	vor.u32 $0xA, v42  }
0x4a: {  	[tilespmem:v37+s19+$0x0] =	vst.idx.msk $0xffff, v30;
	v30 =	vor.u32 $0xB, v42  }
0x4b: {  	[tilespmem:v35+s19+$0x0] =	vst.idx.msk $0xffff, v43;
	v35 =	vor.u32 $0xC, v42  }
0x4c: {  	[tilespmem:v31+s19+$0x0] =	vst.idx.msk $0xffff, v32;
	v31 =	vor.u32 $0xD, v42  }
0x4d: {  	v32 =	vor.u32 $0xE, v42;
	[tilespmem:v39+s19+$0x0] =	vst.idx.msk $0xffff, v40  }
0x4e: {  	[tilespmem:v38+s19+$0x0] =	vst.idx.msk $0xffff, v34;
	v34 =	vor.u32 $0xF, v42  }
.Ltmp0:
0x4f: {  	[tilespmem:v30+s19+$0x0] =	vst.idx.msk $0xffff, v36;
	(pc) =	sbr.rel @p0 .LBB2_3-.Ltmp0, $4  }
0x50: {  	[tilespmem:v35+s19+$0x0] =	vst.idx.msk $0xffff, v33  }
0x51: {  	[tilespmem:v31+s19+$0x0] =	vst.idx.msk $0xffff, v29  }
0x52: {  	[tilespmem:v32+s19+$0x0] =	vst.idx.msk $0xffff, v41  }
0x53: {  	[tilespmem:v34+s19+$0x0] =	vst.idx.msk $0xffff, v2  }
0x54: {  	_ =	sdelay $0x3  }
0x55: {  	v4 =	vld.idx.msk [tilespmem:v28+s15+$0x0], $0xffff  }
0x56: {  	v5 =	vld.idx.msk [tilespmem:v26+s15+$0x0], $0xffff  }
0x57: {  	v6 =	vld.idx.msk [tilespmem:v27+s15+$0x0], $0xffff  }
0x58: {  	v7 =	vld.idx.msk [tilespmem:v25+s15+$0x0], $0xffff  }
0x59: {  	v8 =	vld.idx.msk [tilespmem:v20+s3+$0x0], $0xffff  }
0x5a: {  	v9 =	vld.idx.msk [tilespmem:v18+s3+$0x0], $0xffff  }
0x5b: {  	v10 =	vld.idx.msk [tilespmem:v23+s15+$0x0], $0xffff;
	v11 =	vor.u32 v12, v15  }
0x5c: {  	v41 =	vld.idx.msk [tilespmem:v19+s15+$0x0], $0xffff  }
0x5d: {  	v13 =	vld.idx.msk [tilespmem:v24+s15+$0x0], $0xffff  }
0x5e: {  	v14 =	vld.idx.msk [tilespmem:v21+s3+$0x0], $0xffff;
	v3 =	vadd.s32 v3, v16  }
0x5f: {  	v42 =	vld.idx.msk [tilespmem:v22+s15+$0x0], $0xffff;
	v44 =	vor.u32 $0x1, v3  }
0x60: {  	v46 =	vor.u32 $0x2, v3;
	v17 =	vmul.f32 v7, v8;
	v11 =	vld.idx.msk [tilespmem:v11+s15+$0x0], $0xffff;
	v43 =	vmul.f32 v5, v9  }
0x61: {  	v48 =	vor.u32 $0x3, v3;
	v18 =	vmul.f32 v10, v9;
	v45 =	vmul.f32 v41, v8  }
0x62: {  	v50 =	vor.u32 $0x4, v3;
	v20 =	vmul.f32 v4, v8;
	v47 =	vmul.f32 v6, v9  }
0x63: {  	v52 =	vor.u32 $0x5, v3;
	v49 =	vmul.f32 v13, v14;
	[tilespmem:v3+s19+$0x0] =	vst.idx.msk $0xffff, v9;
	v16 =	vadd.f32 v45, v43  }
0x64: {  	v54 =	vor.u32 $0x6, v3;
	v51 =	vmul.f32 v42, v14;
	[tilespmem:v44+s19+$0x0] =	vst.idx.msk $0xffff, v8;
	v17 =	vadd.f32 v17, v18  }
0x65: {  	v20 =	vadd.f32 v20, v47;
	v16 =	vadd.f32 v49, v16;
	v53 =	vmul.f32 v11, v14  }
0x66: {  	v55 =	vor.u32 $0x7, v3;
	[tilespmem:v46+s19+$0x0] =	vst.idx.msk $0xffff, v14;
	v17 =	vadd.f32 v51, v17  }
0x67: {  	v57 =	vor.u32 $0x8, v3;
	[tilespmem:v48+s19+$0x0] =	vst.idx.msk $0xffff, v16;
	v56 =	vadd.f32 v53, v20  }
0x68: {  	v58 =	vor.u32 $0x9, v3;
	[tilespmem:v50+s19+$0x0] =	vst.idx.msk $0xffff, v17  }
0x69: {  	v59 =	vor.u32 $0xA, v3;
	[tilespmem:v52+s19+$0x0] =	vst.idx.msk $0xffff, v56  }
0x6a: {  	v60 =	vor.u32 $0xB, v3;
	[tilespmem:v54+s19+$0x0] =	vst.idx.msk $0xffff, v5  }
0x6b: {  	v61 =	vor.u32 $0xC, v3;
	[tilespmem:v55+s19+$0x0] =	vst.idx.msk $0xffff, v41  }
0x6c: {  	v62 =	vor.u32 $0xD, v3;
	[tilespmem:v57+s19+$0x0] =	vst.idx.msk $0xffff, v13  }
0x6d: {  	v63 =	vor.u32 $0xE, v3;
	[tilespmem:v58+s19+$0x0] =	vst.idx.msk $0xffff, v10  }
0x6e: {  	s22 =	sadd.s32 $0x1, s22;
	v3 =	vor.u32 $0xF, v3;
	[tilespmem:v59+s19+$0x0] =	vst.idx.msk $0xffff, v7  }
0x6f: {  	p0 =	sne.s32 s22, s7;
	[tilespmem:v60+s19+$0x0] =	vst.idx.msk $0xffff, v42  }
.Ltmp1:
0x70: {  	[tilespmem:v61+s19+$0x0] =	vst.idx.msk $0xffff, v6;
	(pc) =	sbr.rel @p0 .LBB2_2-.Ltmp1, $4  }
0x71: {  	s0 =	smul.u32 $0x140, s23;
	[tilespmem:v62+s19+$0x0] =	vst.idx.msk $0xffff, v4  }
0x72: {  	[tilespmem:v63+s19+$0x0] =	vst.idx.msk $0xffff, v11  }
0x73: {  	s1 =	sadd.s32 $0x2D00, s24;
	s0 =	sadd.s32 s6, s0;
	[tilespmem:v3+s19+$0x0] =	vst.idx.msk $0xffff, v2  }
0x74: {  	[hbm4b:s0+s3] =	stream.linear.scatter [tilespmem:s1], [sflag:$0x2], $0xA00, $0x38;
	[tilespmem:$0x4100] =	vst v63  }
0x75: {  	s21 =	sadd.s32 $0x1, s21  }
0x76: {  	_ =	swait.ge [sflag:s20], $0xA00;
	p0 =	sne.s32 s21, s12  }
.Ltmp2:
0x77: {  	[sflag:s20] =	ssyncset.done $0x0;
	(pc) =	sbr.rel @p0 .LBB2_1-.Ltmp2, $4  }
0x78: {  	[sflag:s20] =	ssyncadd.s32 $0xFFFFF600  }
0x79: {  	_ =	swait.ge [sflag:s20], $0xA00  }
0x7a: {  	[sflag:s20] =	ssyncset.done $0x0  }
0x7b: {  	[sflag:s20] =	ssyncadd.s32 $0xFFFFF600  }
0x7c: {  	_ =	sfence.sel $0x180000  }
0x7d: {  	[bflag:$0x0] =	sbarrier.arrive $0xFFFF  }
0x7e: {  	_ =	strace $0x90000047  }
0x7f: {  	s0 =	stileid.u32;
	[bflag:$0x2] =	sbarrier.arrive $0xFFFF  }
0x80: {  	p0 =	sne.s32 s0, $0x0;
	s0 =	rddreg [dreg:$0x2]  }
0x81: {  	s0 =	sadd.s32 @!p0 $0x100000, s0  }
0x82: {  	[sflag:s0] =	ssyncadd.tile.s32 @!p0 $0x1;
	_ =	shalt  }
.Lfunc_end2:
_tile_overlayer_lowered:
.L_overlay_start_2:
0x83: {  	(tag) =	ssettag $0x2  }
0x84: {  	s0 =	rddreg [dreg:$0x0];
	s2 =	stileid.u32  }
0x85: {  	s1 =	rddreg [dreg:$0x1];
	p0 =	sne.s32 s2, $0x0  }
0x86: {  	s3 =	rddreg [dreg:$0x2];
	[bflag:$0x3] =	sbarrier.arrive $0xFFFF;
	s2 =	simm.s32 @!p0 $0x1C03  }
0x87: {  	[timem:s3], [sflag:s2] =	dma.local @!p0 [hbm:s0], s1  }
0x88: {  	s0 =	simm.s32 @!p0 $0x3  }
0x89: {  	_ =	swait.ge @!p0 [sflag:s0], s1  }
0x8a: {  	s1 =	ssub.s32 @!p0 $0x0, s1;
	[sflag:s0] =	ssyncset.done @!p0 $0x0  }
0x8b: {  	[sflag:s0] =	ssyncadd.s32 @!p0 s1  }
0x8c: {  	[bflag:$0x3] =	sbarrier.arrive $0xFFFF  }
0x8d: {  	_ =	shalt  }

// kernel: kernel.7.cloned.1.call-start
scs
__scs_entry_jumppad:
0x0: {  	(pc) =	sbr.rel $0x88, $3  }
0x1: {  	(tag) =	ssettag $0x0;
	lr =	simm.s32 $0x1  }
0x2: {  	[smem:$0x3F9C] =	sst lr;
	_ =	strace $0xD0000000  }
0x3: {  	_ = 	snop  }
0x4: {  	_ = 	snop  }
0x5: {  	_ = 	snop  }
0x6: {  	_ = 	snop  }
0x7: {  	_ = 	snop  }
__scs_overlays_trampoline_lowered:
0x8: {  	[smem:$0x3FAB] =	sst s0  }
0x9: {  	[smem:$0x3FAC] =	sst s1  }
0xa: {  	[smem:$0x3FAD] =	sst s2  }
0xb: {  	[smem:$0x3FAE] =	sst s3  }
0xc: {  	[smem:$0x3FAF] =	sst s4  }
0xd: {  	[smem:$0x3FB0] =	sst s5  }
0xe: {  	[smem:$0x3FB1] =	sst s6  }
0xf: {  	[smem:$0x3FB2] =	sst s7  }
0x10: {  	[smem:$0x3FB3] =	sst s8  }
0x11: {  	[smem:$0x3FB4] =	sst s9;
	s0 =	simm.s32 @!p0 $0x0  }
0x12: {  	s1 =	sld [smem:$0x3F9A];
	s0 =	simm.s32 @p0 $0x1  }
0x13: {  	[smem:$0x3FB5] =	sst s0;
	s0 =	simm.s32 @!p1 $0x0  }
0x14: {  	s2 =	sld [smem:$0x3F99];
	s0 =	simm.s32 @p1 $0x1  }
0x15: {  	[smem:$0x3FB6] =	sst s0;
	s0 =	simm.s32 @!p2 $0x0  }
0x16: {  	s3 =	sld [smem:$0x3FDB];
	s0 =	simm.s32 @p2 $0x1  }
0x17: {  	s4 =	simm.s32 $0x1BF5;
	[smem:$0x3FB8] =	sst s0  }
0x18: {  	s0 =	sld [smem:$0x3F9B];
	_ =	swait.ge [sflag:s4], $0x0  }
0x19: {  	s7 =	sld [smem:$0x3F9C]  }
0x1a: {  	s8 =	sadd.s32 $0xFFFFE003, lr  }
0x1b: {  	s9 =	sadd.s32 $0xFFFFFEF7, lr;
	s5 =	simm.s32 $0xFFFFFFFF;
	p2 =	slt.u32 s8, $0xFFFFF086  }
0x1c: {  	p1 =	slt.u32 s9, $0xF7A;
	s5 =	simm.s32 @!p2 $0x0  }
0x1d: {  	s5 =	simm.s32 @p1 $0x1;
	p0 =	seq.s32 s7, s2  }
0x1e: {  	s7 =	smul.u32 @!p0 $0xF7A, s2;
	p2 =	seq.s32 @!p0 s5, $0x0  }
0x1f: {  	s9 =	smul.u32 $0xF7A, s1;
	s8 =	simm.s32 @!p0 $0x1BF5;
	p2 =	por !p2, p0  }
0x20: {  	[sflag:s8] =	ssyncset.s32 @!p0 $0xFFFFF086;
	s6 =	sadd.s32 @!p0 s3, s7;
	s7 =	simm.s32 @!p0 $0x108  }
0x21: {  	s3 =	sadd.s32 s3, s9;
	s6 =	sadd.s32 @!p0 $0x88, s6;
	s7 =	simm.s32 @p2 $0x1082  }
0x22: {  	[simem:s7], [sflag:s8] =	dma.local @!p0 [hbm:s6], $0xF7A  }
0x23: {  	s9 =	sor.u32 $0xD0000000, s2;
	s6 =	simm.s32 $0x108;
	_ =	swait.ge @!p0 [sflag:s8], $0x0  }
0x24: {  	s3 =	sadd.s32 $0x88, s3;
	s6 =	simm.s32 @!p1 $0x1082;
	[sflag:s4] =	ssyncset.s32 $0xFFFFF086  }
0x25: {  	[simem:s6], [sflag:s4] =	dma.local [hbm:s3], $0xF7A  }
0x26: {  	[smem:$0x3F9C] =	sst s1;
	(tag) =	ssettag s2;
	_ =	strace s9  }
0x27: {  	s1 =	sld [smem:$0x3FAC]  }
0x28: {  	s2 =	sld [smem:$0x3FAD]  }
0x29: {  	s4 =	sld [smem:$0x3FAF]  }
0x2a: {  	p0 =	seq.s32 s5, $0x0;
	s5 =	sld [smem:$0x3FB0]  }
0x2b: {  	s6 =	sld [smem:$0x3FB1]  }
0x2c: {  	s7 =	sld [smem:$0x3FB2]  }
0x2d: {  	s3 =	simm.s32 $0x108;
	s8 =	sld [smem:$0x3FB3]  }
0x2e: {  	s3 =	simm.s32 @!p0 $0x1082;
	s9 =	sld [smem:$0x3FB4]  }
0x2f: {  	lr =	sadd.s32 s0, s3;
	s0 =	sld [smem:$0x3FAB]  }
0x30: {  	s3 =	sld [smem:$0x3FAE]  }
0x31: {  	[smem:$0x3FB7] =	sst s10  }
0x32: {  	s10 =	sld [smem:$0x3FB5];
	_ =	sdelay $0x3  }
0x33: {  	p0 =	seq.s32 s10, $0x1;
	s10 =	sld [smem:$0x3FB7];
	_ =	sdelay $0x3  }
0x34: {  	[smem:$0x3FB7] =	sst s10  }
0x35: {  	s10 =	sld [smem:$0x3FB6];
	_ =	sdelay $0x3  }
0x36: {  	p1 =	seq.s32 s10, $0x1;
	s10 =	sld [smem:$0x3FB7];
	_ =	sdelay $0x3  }
0x37: {  	[smem:$0x3FB7] =	sst s10  }
0x38: {  	s10 =	sld [smem:$0x3FB8]  }
0x39: {  	_ = 	snop;
	(pc) =	sbr.ind lr, $3  }
0x3a: {  	_ = 	snop  }
0x3b: {  	_ = 	snop  }
0x3c: {  	p2 =	seq.s32 s10, $0x1;
	s10 =	sld [smem:$0x3FB7]  }
0x3d: {  	_ =	shalt  }
0x3e: {  	_ =	shalt  }
0x3f: {  	_ =	shalt  }
0x40: {  	_ =	shalt  }
0x41: {  	_ =	shalt  }
0x42: {  	_ =	shalt  }
0x43: {  	_ =	shalt  }
0x44: {  	_ =	shalt  }
0x45: {  	_ =	shalt  }
0x46: {  	_ =	shalt  }
0x47: {  	_ =	shalt  }
0x48: {  	_ =	shalt  }
0x49: {  	_ =	shalt  }
0x4a: {  	_ =	shalt  }
0x4b: {  	_ =	shalt  }
0x4c: {  	_ =	shalt  }
0x4d: {  	_ =	shalt  }
0x4e: {  	_ =	shalt  }
0x4f: {  	_ =	shalt  }
0x50: {  	_ =	shalt  }
0x51: {  	_ =	shalt  }
0x52: {  	_ =	shalt  }
0x53: {  	_ =	shalt  }
0x54: {  	_ =	shalt  }
0x55: {  	_ =	shalt  }
0x56: {  	_ =	shalt  }
0x57: {  	_ =	shalt  }
0x58: {  	_ =	shalt  }
0x59: {  	_ =	shalt  }
0x5a: {  	_ =	shalt  }
0x5b: {  	_ =	shalt  }
0x5c: {  	_ =	shalt  }
0x5d: {  	_ =	shalt  }
0x5e: {  	_ =	shalt  }
0x5f: {  	_ =	shalt  }
0x60: {  	_ =	shalt  }
0x61: {  	_ =	shalt  }
0x62: {  	_ =	shalt  }
0x63: {  	_ =	shalt  }
0x64: {  	_ =	shalt  }
0x65: {  	_ =	shalt  }
0x66: {  	_ =	shalt  }
0x67: {  	_ =	shalt  }
0x68: {  	_ =	shalt  }
0x69: {  	_ =	shalt  }
0x6a: {  	_ =	shalt  }
0x6b: {  	_ =	shalt  }
0x6c: {  	_ =	shalt  }
0x6d: {  	_ =	shalt  }
0x6e: {  	_ =	shalt  }
0x6f: {  	_ =	shalt  }
0x70: {  	_ =	shalt  }
0x71: {  	_ =	shalt  }
0x72: {  	_ =	shalt  }
0x73: {  	_ =	shalt  }
0x74: {  	_ =	shalt  }
0x75: {  	_ =	shalt  }
0x76: {  	_ =	shalt  }
0x77: {  	_ =	shalt  }
0x78: {  	_ =	shalt  }
0x79: {  	_ =	shalt  }
0x7a: {  	_ =	shalt  }
0x7b: {  	_ =	shalt  }
0x7c: {  	_ =	shalt  }
0x7d: {  	_ =	shalt  }
0x7e: {  	_ =	shalt  }
0x7f: {  	_ =	shalt  }
0x80: {  	_ =	shalt  }
0x81: {  	_ =	shalt  }
0x82: {  	_ =	shalt  }
0x83: {  	_ =	shalt  }
0x84: {  	_ =	shalt  }
0x85: {  	_ =	shalt  }
0x86: {  	_ =	shalt  }
0x87: {  	_ =	shalt  }
.Lfunc_end0:
.L_simem_size_0:
called_computation.1_lowered:
.L_overlay_start_0:
0x88: {  	s2 =	sld [smem:$0x3FD9]  }
0x89: {  	s3 =	sld [smem:$0x3FFE];
	_ =	sdelay $0x1  }
0x8a: {  	s1 =	srdreg.scid  }
0x8b: {  	s0 =	sand.u32 $0x1, s1  }
0x8c: {  	s17 =	sshll.u32 s0, $0xA;
	s2 =	sadd.s32 s3, s2  }
0x8d: {  	s2 =	sadd.s32 s2, s17  }
0x8e: {  	[smem:$0x3FC3] =	sst s2  }
0x8f: {  	_ = 	snop  }
0x90: {  	s2 =	sld [smem:$0x3FC8]  }
0x91: {  	s18 =	sld [smem:$0x3FC7]  }
0x92: {  	s4 =	sld [smem:$0x3FD0];
	(tm) =	ssettm $0x1  }
0x93: {  	s5 =	sld [smem:$0x3FFB];
	_ =	sdelay $0x3  }
0x94: {  	_ =	strace s5  }
0x95: {  	s5 =	sld [smem:$0x3FFC];
	_ =	sdelay $0x3  }
0x96: {  	_ =	strace s5  }
0x97: {  	s5 =	sld [smem:$0x3FFD];
	_ =	sdelay $0x3  }
0x98: {  	_ =	strace s5  }
0x99: {  	_ =	strace $0x8FFFFFFF  }
0x9a: {  	s19 =	sld [smem:$0x3FDB];
	_ =	sdelay $0x1  }
0x9b: {  	s6 =	simm.s32 $_scs_section_size  }
0x9c: {  	s7 =	simm.s32 $_size__tile_overlayer_lowered;
	s8 =	simm.s32 $_tile_overlayer_lowered  }
0x9d: {  	s22 =	simm.s32 $0x1BFF;
	s21 =	sshll.u32 s8, $0x1;
	s5 =	sadd.s32 s6, s19  }
0x9e: {  	s9 =	simm.s32 $0x0;
	s20 =	sshll.u32 s7, $0x1;
	s7 =	sadd.s32 s21, s5  }
0x9f: {  	[timem:s9], [sflag:s22] =	dma.local [hbm:s7], s20  }
0xa0: {  	_ =	swait.ge [sflag:s22], s20  }
0xa1: {  	s6 =	ssub.s32 $0x0, s20;
	[sflag:s22] =	ssyncset.done $0x0  }
0xa2: {  	[sflag:s22] =	ssyncadd.s32 s6;
	_ =	sdelay $0x1  }
0xa3: {  	s23 =	simm.s32 $0x1B8B  }
0xa4: {  	_ =	swait.ge [sflag:s23], $0x1  }
0xa5: {  	[sflag:s23] =	ssyncset.done $0x0  }
0xa6: {  	s25 =	simm.s32 $0x1B8E;
	s24 =	sld [smem:$0x3FFE];
	[sflag:s23] =	ssyncadd.s32 $0xFFFFFFFF  }
0xa7: {  	s26 =	simm.s32 $execute0_lowered;
	[smem:$0x3FD2] =	sst s25  }
0xa8: {  	s7 =	sshll.u32 s26, $0x1;
	_ =	strace $0x80000049;
	[dreg:$0x1] =	wrdreg $0xFFFFFFFF  }
0xa9: {  	s28 =	simm.s32 $_size_execute0_lowered;
	s5 =	sadd.s32 s5, s7;
	[dreg:$0x0] =	wrdreg $0x0  }
0xaa: {  	s7 =	sshll.u32 s28, $0x1;
	[dreg:$0x2] =	wrdreg s5  }
0xab: {  	[dreg:$0x3] =	wrdreg s7  }
0xac: {  	[dreg:$0x4] =	wrdreg $0xC0  }
0xad: {  	_ =	task [dreg:s9], $0x5FFFF  }
0xae: {  	[dreg:$0x1] =	wrdreg $0xFFFFFFFF  }
0xaf: {  	[dreg:$0x0] =	wrdreg $0x60  }
0xb0: {  	[dreg:$0x2] =	wrdreg s24  }
0xb1: {  	[dreg:$0x3] =	wrdreg s2  }
0xb2: {  	[dreg:$0x4] =	wrdreg s18  }
0xb3: {  	[dreg:$0x5] =	wrdreg s4  }
0xb4: {  	[dreg:$0x6] =	wrdreg $0x9  }
0xb5: {  	_ =	task.clear_ibuf [dreg:s9], $0x7FFFF;
	_ =	strace $0x90000049  }
0xb6: {  	s29 =	simm.s32 $0x9;
	_ =	strace $0x8000004B  }
0xb7: {  	_ =	swait.ge [sflag:s29], $0x1  }
0xb8: {  	[sflag:s29] =	ssyncadd.s32 $0xFFFFFFFF  }
0xb9: {  	_ =	strace $0x9000004B  }
0xba: {  	_ =	sfence  }
0xbb: {  	s30 =	sld [smem:$0x0];
	_ =	sdelay $0x2  }
0xbc: {  	s31 =	sshll.u32 s1, $0xD;
	s1 =	sshrl.u32 s1, $0x2  }
0xbd: {  	s3 =	sand.u32 $0x4000, s31;
	s1 =	sadd.s32 s1, s30  }
0xbe: {  	s0 =	sor.u32 s3, s0;
	s1 =	sshll.u32 s1, $0x11  }
0xbf: {  	s0 =	sor.u32 s1, s0  }
0xc0: {  	s0 =	sadd.s32 $0x8F2B, s0  }
0xc1: {  	[sflag:s0] =	ssyncadd.remote.s32 $0x1  }
0xc2: {  	_ =	sfence.sel $0xFFFF  }
0xc3: {  	[dreg:$0x0] =	wrdreg $0xFFFFFFFF;
	(pc) =	sbr.abs _section_cstart, $3  }
0xc4: {  	[dreg:$0x1] =	wrdreg $0xFFFFFFFF  }
0xc5: {  	_ =	task.clear_ibuf [dreg:s9], $0x2FFFF;
	_ =	strace $0x9FFFFFFF  }
0xc6: {  	(tm) =	ssettm $0x7FFFFFFF  }
0xc7: {  	_ =	shalt  }
tec
execute0_lowered:
.L_overlay_start_1:
0x0: {  	(tag) =	ssettag $0x1  }
0x1: {  	s0 =	rddreg [dreg:$0x0]  }
0x2: {  	s1 =	rddreg [dreg:$0x1]  }
0x3: {  	s3 =	rddreg [dreg:$0x2]  }
0x4: {  	s2 =	srdreg.scid;
	s4 =	stileid.u32  }
0x5: {  	s5 =	simm.s32 $0x0;
	s2 =	sand.u32 $0x1, s2;
	s4 =	sshll.u32 s4, $0x1  }
0x6: {  	s9 =	simm.s32 $0x14;
	s18 =	simm.s32 $0x4;
	s4 =	sor.u32 s2, s4  }
0x7: {  	s19 =	simm.s32 $0x3C00;
	s28 =	simm.s32 $0x1A400;
	s7 =	smul.u32 $0x13, s4  }
0x8: {  	s29 =	simm.s32 $0xA0;
	s30 =	simm.s32 $0x186A0;
	s8 =	smin.u32 s4, $0x11  }
0x9: {  	s31 =	simm.s32 $0x3;
	[smem:$0x7FF] =	sst s5;
	s7 =	sadd.s32 s8, s7  }
0xa: {  	s6 =	sadd.s32 $0x1C200, s0;
	s2 =	ssub.s32 $0x2, s2;
	s10 =	smul.u32 $0x140, s7  }
0xb: {  	_ =	strace $0x8000004A;
	s22 =	sshrl.u32 s2, $0x1;
	p0 =	slt.u32 s4, $0x11  }
0xc: {  	s9 =	simm.s32 @!p0 $0x13;
	s8 =	sadd.s32 $0xA00, s0;
	s23 =	sadd.s32 s1, s10  }
0xd: {  	s0 =	ssub.s32 s2, s22;
	s25 =	sadd.s32 s3, s10;
	[dreg:$0x5] =	wrdreg s23  }
0xe: {  	s2 =	simm.s32 $0x0;
	s26 =	sadd.s32 s6, s10;
	[dreg:$0x6] =	wrdreg s25  }
0xf: {  	s16 =	smax.u32 s0, $0x1;
	s24 =	sadd.s32 $0x140, s10;
	[dreg:$0x7] =	wrdreg s26  }
0x10: {  	v0 =	vlaneseq.u32;
	s13 =	sadd.s32 s1, s24;
	s14 =	sadd.s32 s3, s24;
	s15 =	sadd.s32 s6, s24  }
0x11: {  	v1 =	vand.u32 $0x7, v0;
	s23 =	simm.s32 $0x1;
	s25 =	simm.s32 $0x2;
	s26 =	simm.s32 $0x19A00  }
.LBB2_1:
0x12: {  	s0 =	rddreg [dreg:$0x3];
	s4 =	simm.s32 $0x1AE00  }
0x13: {  	[tilespmem:s4], [sflag:$0x4] =	stream.linear.gather [hbm4b:s0+s5], $0x10, $0x38;
	[tilespmem:$0x1AE10] =	vst v63  }
0x14: {  	_ =	swait.ge [sflag:s18], $0x10  }
0x15: {  	[sflag:s18] =	ssyncset.done $0x0  }
0x16: {  	s12 =	rddreg [dreg:$0x5];
	[sflag:s18] =	ssyncadd.s32 $0xFFFFFFF0  }
0x17: {  	[tilespmem:s5], [sflag:$0x1] =	stream.linear.gather [hbm4b:s12+s5], $0xA00, $0x38;
	[tilespmem:$0x1AE10] =	vst v63  }
0x18: {  	s0 =	simm.s32 $0x1E00;
	s17 =	rddreg [dreg:$0x6]  }
0x19: {  	[tilespmem:s0], [sflag:$0x1] =	stream.linear.gather [hbm4b:s17+s5], $0xA00, $0x38;
	[tilespmem:$0x1AE10] =	vst v63  }
0x1a: {  	s20 =	rddreg [dreg:$0x7]  }
0x1b: {  	[tilespmem:s19], [sflag:$0x1] =	stream.linear.gather [hbm4b:s20+s5], $0xA00, $0x38;
	[tilespmem:$0x1AE10] =	vst v63  }
0x1c: {  	s21 =	simm.s32 $0xA00  }
0x1d: {  	[tilespmem:s21], [sflag:$0x1] =	stream.linear.gather [hbm4b:s13+s5], $0xA00, $0x38;
	[tilespmem:$0x1AE10] =	vst v63  }
0x1e: {  	s10 =	simm.s32 $0x2800  }
0x1f: {  	[tilespmem:s10], [sflag:$0x1] =	stream.linear.gather [hbm4b:s14+s5], $0xA00, $0x38;
	[tilespmem:$0x1AE10] =	vst v63  }
0x20: {  	s22 =	simm.s32 $0x4600  }
0x21: {  	[tilespmem:s22], [sflag:$0x1] =	stream.linear.gather [hbm4b:s15+s5], $0xA00, $0x38;
	[tilespmem:$0x1AE10] =	vst v63  }
0x22: {  	_ =	swait.ge [sflag:s23], $0xA00  }
0x23: {  	[sflag:s23] =	ssyncset.done $0x0  }
0x24: {  	[sflag:s23] =	ssyncadd.s32 $0xFFFFF600  }
0x25: {  	_ =	swait.ge [sflag:s23], $0xA00  }
0x26: {  	[sflag:s23] =	ssyncset.done $0x0  }
0x27: {  	[sflag:s23] =	ssyncadd.s32 $0xFFFFF600  }
0x28: {  	_ =	swait.ge [sflag:s23], $0xA00  }
0x29: {  	s24 =	simm.s32 $0x5A00;
	[sflag:s23] =	ssyncset.done $0x0  }
0x2a: {  	p0 =	por $0x0, $0x0;
	s10 =	simm.s32 $0x0;
	[sflag:s23] =	ssyncadd.s32 $0xFFFFF600  }
0x2b: {  	[tilespmem:s24], [sflag:$0x2] =	stream.indirect.gather [hbm4b:s6+s21], $0x10, s5, s21, $0xb8;
	[tilespmem:$0x1AE10] =	vst v63  }
.LBB2_2:
0x2c: {  	s17 =	smov.u32 s10;
	s10 =	sadd.s32 $0x2, s10  }
0x2d: {  	p1 =	sge.u32 s10, s9  }
0x2e: {  	s4 =	smulhi.u32 @!p1 $0xAAAAAAAB, s10;
	_ =	sdelay $0x1  }
0x2f: {  	s20 =	sshrl.u32 @!p1 s4, $0x1  }
0x30: {  	s4 =	sadd.s32 s7, s17;
	s20 =	smul.u32 @!p1 $0x3, s20  }
0x31: {  	s21 =	smul.u32 @!p1 $0xA00, s4;
	_ =	sdelay $0x1  }
0x32: {  	s10 =	ssub.s32 @!p1 s10, s20;
	s20 =	sshrl.u32 @!p1 s21, $0x3  }
0x33: {  	s21 =	smul.u32 @!p1 $0xA00, s10;
	s20 =	sadd.s32 @!p1 $0x280, s20  }
0x34: {  	s24 =	simm.s32 @!p1 $0x0;
	s10 =	smul.u32 @!p1 $0x2800, s10;
	s22 =	sadd.s32 @!p1 s1, s20  }
0x35: {  	[tilespmem:s21], [sflag:$0x1] =	stream.linear.gather @!p1 [hbm4b:s22+s24], $0xA00, $0x38;
	[tilespmem:$0x1AE10] =	vst v63  }
0x36: {  	s21 =	sadd.s32 @!p1 $0x1E00, s21;
	s22 =	sadd.s32 @!p1 s3, s20;
	s10 =	sshrl.u32 @!p1 s10, $0x2  }
0x37: {  	[tilespmem:s21], [sflag:$0x1] =	stream.linear.gather @!p1 [hbm4b:s22+s24], $0xA00, $0x38;
	[tilespmem:$0x1AE10] =	vst v63  }
0x38: {  	s20 =	sadd.s32 @!p1 s6, s20;
	s10 =	sadd.s32 @!p1 $0x3C00, s10  }
0x39: {  	[tilespmem:s10], [sflag:$0x1] =	stream.linear.gather @!p1 [hbm4b:s20+s24], $0xA00, $0x38;
	[tilespmem:$0x1AE10] =	vst v63  }
0x3a: {  	s10 =	sadd.s32 $0x1, s17  }
0x3b: {  	p1 =	sge.u32 s10, s9  }
0x3c: {  	s12 =	smulhi.u32 $0xAAAAAAAB, s17;
	s22 =	simm.s32 @!p1 $0x1  }
0x3d: {  	s20 =	smulhi.u32 @!p1 $0xAAAAAAAB, s10;
	_ =	swait.ge @!p1 [sflag:s22], $0xA00  }
0x3e: {  	s21 =	sand.u32 $0x1, s17;
	[sflag:s22] =	ssyncset.done @!p1 $0x0  }
0x3f: {  	s24 =	sshrl.u32 @!p1 s20, $0x1;
	s20 =	sshrl.u32 s12, $0x1;
	[sflag:s22] =	ssyncadd.s32 @!p1 $0xFFFFF600  }
0x40: {  	s12 =	sxor.u32 @!p1 $0x1, s21;
	s24 =	smul.u32 @!p1 $0x3, s24;
	_ =	swait.ge @!p1 [sflag:s22], $0xA00  }
0x41: {  	s12 =	smul.u32 @!p1 $0x28000, s12;
	[sflag:s22] =	ssyncset.done @!p1 $0x0  }
0x42: {  	s11 =	smul.u32 $0xFFFF8800, s20;
	s24 =	ssub.s32 @!p1 s10, s24;
	[sflag:s22] =	ssyncadd.s32 @!p1 $0xFFFFF600  }
0x43: {  	s12 =	sshrl.u32 @!p1 s12, $0x2;
	s24 =	smul.u32 @!p1 $0x2800, s24;
	_ =	swait.ge @!p1 [sflag:s22], $0xA00  }
0x44: {  	s11 =	sshra.s32 s11, $0x2;
	s12 =	sadd.s32 @!p1 $0x5A00, s12;
	[sflag:s22] =	ssyncset.done @!p1 $0x0  }
0x45: {  	s24 =	sshrl.u32 @!p1 s24, $0x2;
	[sflag:s22] =	ssyncadd.s32 @!p1 $0xFFFFF600;
	s22 =	simm.s32 @!p1 $0xA00  }
0x46: {  	[tilespmem:s12], [sflag:$0x2] =	stream.indirect.gather @!p1 [hbm4b:s6+s22], $0x10, s24, s22, $0xb8;
	[tilespmem:$0x1AE10] =	vst v63  }
0x47: {  	s11 =	sadd.s32 s11, s0;
	_ =	swait.ge [sflag:s25], $0xA000  }
0x48: {  	v2 =	vmov s11;
	p1 =	slt.u32 s17, $0x2;
	[sflag:s25] =	ssyncset.done $0x0  }
0x49: {  	s12 =	simm.s32 @!p1 $0x3;
	[sflag:s25] =	ssyncadd.s32 $0xFFFF6000  }
0x4a: {  	_ =	swait.ge @!p1 [sflag:s12], $0x1E0  }
0x4b: {  	s11 =	simm.s32 $0x1;
	[sflag:s12] =	ssyncset.done @!p1 $0x0  }
0x4c: {  	s11 =	simm.s32 @!p0 $0x0;
	s22 =	simm.s32 $0x0;
	[sflag:s12] =	ssyncadd.s32 @!p1 $0xFFFFFE20  }
0x4d: {  	s11 =	smul.u32 $0x28000, s11;
	v6 =	vld.idx.msk [tilespmem:v2+s22+$0x0 ss:$0x1], $0xffff;
	_ =	sdelay $0x1  }
0x4e: {  	s11 =	sshrl.u32 s11, $0x2  }
0x4f: {  	s24 =	sadd.s32 $0x5A80, s11  }
0x50: {  	v4 =	vld [tilespmem:s24+$0xFFFFFF80]  }
0x51: {  	v5 =	vld [tilespmem:s24+$0xFFFFFFA0];
	v9 =	vbroadcast v6, $0x0  }
0x52: {  	v7 =	vld [tilespmem:s24+$0x10];
	v3 =	vbroadcast v6, $0xF;
	v10 =	vbroadcast v6, $0x2  }
0x53: {  	v11 =	vld [tilespmem:s24+$0xFFFFFFB0];
	v13 =	vbroadcast v6, $0xC;
	v14 =	vbroadcast v6, $0xD  }
0x54: {  	v12 =	vld [tilespmem:s24+$0xFFFFFF90];
	v15 =	vbroadcast v6, $0x3;
	v17 =	vbroadcast v6, $0x9  }
0x55: {  	v16 =	vld [tilespmem:s24+$0xFFFFFFD0];
	v18 =	vbroadcast v6, $0x1;
	v20 =	vbroadcast v6, $0xB  }
0x56: {  	v23 =	vld [tilespmem:s24+$0x50];
	v59 =	vbroadcast v6, $0x5;
	v22 =	vbroadcast v6, $0x8  }
0x57: {  	v8 =	vld [tilespmem:s24+$0x30];
	v60 =	vbroadcast v6, $0xA;
	v27 =	vbroadcast v6, $0x7  }
0x58: {  	v19 =	vld [tilespmem:s24+$0xFFFFFFE0];
	v9 =	vmul.f32 v4, v9;
	v4 =	vbroadcast v6, $0xE  }
0x59: {  	v5 =	vmul.f32 v5, v10;
	v10 =	vld [tilespmem:s24+$0xFFFFFFF0];
	v11 =	vmul.f32 v11, v15  }
0x5a: {  	v15 =	vld [tilespmem:s24+$0x0];
	v7 =	vmul.f32 v7, v17;
	v12 =	vmul.f32 v12, v18  }
0x5b: {  	v58 =	vld [tilespmem:s24+$0xFFFFFFC0];
	v16 =	vmul.f32 v16, v59;
	v63 =	vmul.f32 v23, v14  }
0x5c: {  	v25 =	vld [tilespmem:s24+$0x20];
	v21 =	vadd.f32 $0.0e+00, v9;
	v9 =	vbroadcast v6, $0x6;
	v12 =	vadd.f32 $0.0e+00, v12  }
0x5d: {  	v24 =	vld [tilespmem:s24+$0x40];
	v26 =	vadd.f32 $0.0e+00, v5;
	v5 =	vmul.f32 v8, v20;
	v8 =	vbroadcast v6, $0x4  }
0x5e: {  	v62 =	vadd.f32 $0.0e+00, v11;
	v12 =	vadd.f32 v16, v12;
	v10 =	vmul.f32 v10, v27  }
0x5f: {  	v61 =	vmul.f32 v19, v9;
	v9 =	vld [tilespmem:s24+$0x70];
	v6 =	vmul.f32 v15, v22  }
0x60: {  	s20 =	smul.u32 $0x3, s20;
	v15 =	vmul.f32 v58, v8;
	v7 =	vadd.f32 v7, v12;
	v12 =	vadd.f32 v10, v62;
	v10 =	vld [tilespmem:s24+$0x60]  }
0x61: {  	v14 =	vmul.f32 v25, v60;
	v11 =	vadd.f32 v61, v26  }
0x62: {  	s17 =	ssub.s32 s17, s20;
	s20 =	simm.s32 $0x40;
	v8 =	vmul.f32 v24, v13;
	v13 =	vadd.f32 v15, v21;
	v7 =	vadd.f32 v63, v7  }
.LBB2_3:
0x63: {  	p1 =	sne.s32 s20, $0x27C0  }
0x64: {  	v5 =	vadd.f32 v5, v12;
	v3 =	vmul.f32 v9, v3;
	s24 =	sadd.s32 $0x100, s24;
	s11 =	smov.u32 s20;
	s20 =	sadd.s32 $0x40, s20  }
0x65: {  	v6 =	vadd.f32 v6, v13;
	v9 =	vadd.f32 v14, v11;
	v4 =	vmul.f32 v10, v4  }
0x66: {  	v3 =	vadd.f32 v3, v5  }
0x67: {  	v5 =	vadd.f32 v8, v6;
	v4 =	vadd.f32 v4, v9;
	_ =	sdelay $0x1  }
0x68: {  	v5 =	vadd.f32 v7, v5;
	v3 =	vadd.f32 v3, v4;
	_ =	sdelay $0x1  }
0x69: {  	v3 =	vadd.f32 v3, v5;
	_ =	sdelay $0x1  }
0x6a: {  	[tilespmem:s22+$0x19A00] =	vst v3;
	s22 =	sshra.s32 s11, $0x2  }
0x6b: {  	v6 =	vld.idx.msk [tilespmem:v2+s22+$0x0 ss:$0x1], $0xffff;
	_ =	sdelay $0x1  }
0x6c: {  	v5 =	vld [tilespmem:s24+$0x10]  }
0x6d: {  	v4 =	vld [tilespmem:s24+$0xFFFFFF80]  }
0x6e: {  	v7 =	vld [tilespmem:s24+$0xFFFFFFA0]  }
0x6f: {  	v8 =	vld [tilespmem:s24+$0x30]  }
0x70: {  	v9 =	vbroadcast v6, $0x0;
	v3 =	vbroadcast v6, $0xF;
	v14 =	vld [tilespmem:s24+$0x20]  }
0x71: {  	v10 =	vbroadcast v6, $0x2;
	v13 =	vbroadcast v6, $0xC;
	v11 =	vld [tilespmem:s24+$0xFFFFFFB0]  }
0x72: {  	v9 =	vmul.f32 v4, v9;
	v12 =	vld [tilespmem:s24+$0xFFFFFF90];
	v4 =	vbroadcast v6, $0xE  }
0x73: {  	v15 =	vbroadcast v6, $0xD;
	v7 =	vmul.f32 v7, v10;
	v10 =	vld [tilespmem:s24+$0xFFFFFFF0]  }
0x74: {  	v18 =	vbroadcast v6, $0x9;
	v16 =	vadd.f32 $0.0e+00, v9;
	v9 =	vbroadcast v6, $0x3;
	v17 =	vld [tilespmem:s24+$0xFFFFFFD0]  }
0x75: {  	v19 =	vbroadcast v6, $0x1;
	v21 =	vbroadcast v6, $0xB;
	v7 =	vadd.f32 $0.0e+00, v7;
	v20 =	vld [tilespmem:s24+$0xFFFFFFE0]  }
0x76: {  	v18 =	vmul.f32 v5, v18;
	v9 =	vmul.f32 v11, v9;
	v11 =	vld [tilespmem:s24+$0x0]  }
0x77: {  	v5 =	vmul.f32 v12, v19;
	v12 =	vld [tilespmem:s24+$0xFFFFFFC0];
	v19 =	vbroadcast v6, $0x5  }
0x78: {  	v23 =	vbroadcast v6, $0x8;
	v22 =	vadd.f32 $0.0e+00, v9;
	v9 =	vbroadcast v6, $0x6;
	v24 =	vld [tilespmem:s24+$0x50]  }
0x79: {  	v25 =	vadd.f32 $0.0e+00, v5;
	v17 =	vmul.f32 v17, v19;
	v19 =	vbroadcast v6, $0xA;
	v26 =	vld [tilespmem:s24+$0x40]  }
0x7a: {  	v27 =	vbroadcast v6, $0x7;
	v5 =	vmul.f32 v8, v21  }
.Ltmp0:
0x7b: {  	v8 =	vbroadcast v6, $0x4;
	v20 =	vmul.f32 v20, v9;
	v17 =	vadd.f32 v17, v25;
	v9 =	vld [tilespmem:s24+$0x70];
	(pc) =	sbr.rel @p1 .LBB2_3-.Ltmp0, $4  }
0x7c: {  	v21 =	vmul.f32 v10, v27;
	v6 =	vmul.f32 v11, v23;
	v10 =	vld [tilespmem:s24+$0x60]  }
0x7d: {  	v23 =	vmul.f32 v12, v8;
	v17 =	vadd.f32 v18, v17;
	v15 =	vmul.f32 v24, v15  }
0x7e: {  	v11 =	vadd.f32 v20, v7;
	v12 =	vadd.f32 v21, v22;
	v8 =	vmul.f32 v26, v13  }
0x7f: {  	v14 =	vmul.f32 v14, v19;
	v13 =	vadd.f32 v23, v16;
	v7 =	vadd.f32 v15, v17  }
0x80: {  	v2 =	vadd.f32 v5, v12;
	v3 =	vmul.f32 v9, v3  }
0x81: {  	s11 =	smul.u32 $0xA0, s17;
	v5 =	vadd.f32 v6, v13;
	v6 =	vadd.f32 v14, v11;
	v4 =	vmul.f32 v10, v4  }
0x82: {  	s12 =	sshll.u32 s21, $0x3;
	v2 =	vadd.f32 v3, v2  }
0x83: {  	s20 =	simm.s32 $0x0;
	s17 =	sor.u32 $0x1, s12;
	v9 =	vmov s11;
	v3 =	vadd.f32 v8, v5;
	v4 =	vadd.f32 v4, v6  }
0x84: {  	v5 =	vmov s17;
	v6 =	vor.u32 s20, v0;
	v8 =	vmov s12  }
0x85: {  	s24 =	sor.u32 $0x2, s12;
	v5 =	vmul.u32 $0xA0, v5;
	v3 =	vadd.f32 v7, v3;
	v2 =	vadd.f32 v2, v4  }
0x86: {  	v4 =	vmul.u32 $0xA0, v8;
	v7 =	vmov s24;
	v8 =	vadd.s32 v9, v6  }
0x87: {  	v2 =	vadd.f32 v2, v3;
	v3 =	vmul.u32 $0xA0, v7;
	v7 =	vshll.u32 v8, $0x4  }
0x88: {  	v10 =	vbroadcast v5, $0x0;
	v11 =	vor.u32 $0x1, v7  }
0x89: {  	v4 =	vbroadcast v4, $0x0;
	v8 =	vshll.u32 v6, $0x4;
	v17 =	vor.u32 $0x9, v7  }
0x8a: {  	v6 =	vand.u32 $0xF8, v6;
	v20 =	vor.u32 $0x6, v8;
	v22 =	vor.u32 $0x2, v8  }
0x8b: {  	v18 =	vor.u32 $0xF, v8;
	v15 =	vor.u32 $0x6, v7;
	v14 =	vor.u32 $0xC, v7;
	[tilespmem:s22+$0x19A00] =	vst v2  }
0x8c: {  	v12 =	vor.u32 $0x4, v8;
	v16 =	vor.u32 $0x5, v8;
	v23 =	vor.u32 $0x9, v8;
	v2 =	vld [tilespmem:$0x1AE00]  }
0x8d: {  	v21 =	vor.u32 $0xC, v8;
	v13 =	vor.u32 $0xA, v7;
	v27 =	vor.u32 $0x2, v7;
	v11 =	vld.idx.msk [tilespmem:v11+s19+$0x0], $0xffff  }
0x8e: {  	v19 =	vor.u32 $0x1, v8;
	v26 =	vor.u32 $0x3, v8;
	v3 =	vbroadcast v3, $0x0;
	v24 =	vld.idx.msk [tilespmem:v17+s19+$0x0], $0xffff  }
0x8f: {  	v25 =	vor.u32 $0x7, v7;
	v5 =	vor.u32 v1, v4;
	v4 =	vor.u32 v1, v10;
	v28 =	vld.idx.msk [tilespmem:v20+s26+$0x0], $0xffff  }
0x90: {  	v10 =	vor.u32 $0x8, v8;
	s22 =	simm.s32 $0x10;
	v3 =	vor.u32 v1, v3;
	v17 =	vor.u32 $0xE, v7;
	v20 =	vld.idx.msk [tilespmem:v22+s26+$0x0], $0xffff  }
.LBB2_5:
0x91: {  	p1 =	sne.s32 s22, $0x90;
	v29 =	vld.idx.msk [tilespmem:v23+s26+$0x0], $0xffff;
	s11 =	smov.u32 s22;
	s22 =	sadd.s32 $0x10, s22  }
0x92: {  	v22 =	vld.idx.msk [tilespmem:v27+s19+$0x0], $0xffff  }
0x93: {  	v27 =	vld.idx.msk [tilespmem:v21+s26+$0x0], $0xffff  }
0x94: {  	v30 =	vld.idx.msk [tilespmem:v18+s26+$0x0], $0xffff  }
0x95: {  	v31 =	vld.idx.msk [tilespmem:v26+s26+$0x0], $0xffff  }
0x96: {  	v33 =	vor.u32 $0xE, v8;
	v32 =	vld.idx.msk [tilespmem:v7+s19+$0x0], $0xffff  }
0x97: {  	v34 =	vor.u32 $0xB, v7;
	v35 =	vor.u32 $0xA, v8;
	v36 =	vor.u32 $0xB, v8;
	v26 =	vld.idx.msk [tilespmem:v8+s26+$0x0], $0xffff  }
0x98: {  	v38 =	vor.u32 $0x8, v7;
	v37 =	vor.u32 s11, v0;
	v39 =	vld.idx.msk [tilespmem:v19+s26+$0x0], $0xffff;
	v19 =	vor.u32 $0x7, v8  }
0x99: {  	v41 =	vor.u32 $0xD, v7;
	v21 =	vshll.u32 v37, $0x4;
	v18 =	vadd.s32 v9, v37;
	v40 =	vld.idx.msk [tilespmem:v15+s19+$0x0], $0xffff  }
0x9a: {  	v7 =	vshll.u32 v18, $0x4;
	v18 =	vor.u32 $0xF, v21;
	v43 =	vmul.f32 v30, v22;
	v42 =	vld.idx.msk [tilespmem:v16+s26+$0x0], $0xffff  }
0x9b: {  	v46 =	vor.u32 $0xD, v8;
	v44 =	vor.u32 $0x1, v7;
	v8 =	vmovc v21;
	v15 =	vor.u32 $0x6, v7;
	v45 =	vld.idx.msk [tilespmem:v14+s19+$0x0], $0xffff  }
0x9c: {  	v21 =	vor.u32 $0x4, v8;
	v14 =	vor.u32 $0xC, v7;
	v47 =	vmul.f32 v30, v32;
	v25 =	vld.idx.msk [tilespmem:v25+s19+$0x0], $0xffff  }
0x9d: {  	v48 =	vor.u32 $0x6, v8;
	v16 =	vor.u32 $0x5, v8;
	v28 =	vmul.f32 v28, v32;
	v49 =	vld.idx.msk [tilespmem:v12+s26+$0x0], $0xffff;
	v12 =	vmovc v21  }
0x9e: {  	v23 =	vor.u32 $0x9, v8;
	v21 =	vor.u32 $0xC, v8;
	v47 =	vsub.f32 v47, v26;
	v41 =	vld.idx.msk [tilespmem:v41+s19+$0x0], $0xffff  }
0x9f: {  	v50 =	vor.u32 $0xA, v7;
	v51 =	vor.u32 $0x2, v8;
	v26 =	vmul.f32 v30, v11;
	v52 =	vld.idx.msk [tilespmem:v19+s26+$0x0], $0xffff  }
0xa0: {  	v30 =	vor.u32 $0x8, v8;
	v19 =	vor.u32 $0x1, v8;
	v42 =	vsub.f32 $0.0e+00, v42;
	v46 =	vld.idx.msk [tilespmem:v46+s26+$0x0], $0xffff  }
0xa1: {  	v39 =	vsub.f32 v26, v39;
	v40 =	vmul.f32 v47, v40;
	v24 =	vmul.f32 v47, v24;
	v53 =	vld.idx.msk [tilespmem:v13+s19+$0x0], $0xffff  }
0xa2: {  	v31 =	vsub.f32 $0.0e+00, v31;
	v54 =	vmul.f32 v27, v32;
	v26 =	vor.u32 $0x3, v8;
	v13 =	vmovc v50;
	v38 =	vld.idx.msk [tilespmem:v38+s19+$0x0], $0xffff  }
0xa3: {  	v27 =	vor.u32 $0x2, v7;
	v45 =	vmul.f32 v47, v45;
	v49 =	vsub.f32 $0.0e+00, v49;
	v35 =	vld.idx.msk [tilespmem:v35+s26+$0x0], $0xffff  }
0xa4: {  	v20 =	vsub.f32 v43, v20;
	v29 =	vmul.f32 v29, v32;
	v31 =	vadd.f32 v40, v31  }
0xa5: {  	v25 =	vmul.f32 v39, v25;
	v40 =	vmul.f32 v52, v11;
	v24 =	vadd.f32 v24, v49;
	v32 =	vld.idx.msk [tilespmem:v10+s26+$0x0], $0xffff  }
0xa6: {  	v43 =	vor.u32 $0x9, v7;
	v28 =	vadd.f32 v31, v28;
	v31 =	vmul.f32 v46, v11;
	v10 =	vmovc v30;
	v34 =	vld.idx.msk [tilespmem:v34+s19+$0x0], $0xffff  }
0xa7: {  	v30 =	vadd.f32 v45, v42;
	v24 =	vadd.f32 v24, v29;
	v29 =	vmul.f32 v39, v53;
	v17 =	vld.idx.msk [tilespmem:v17+s19+$0x0], $0xffff  }
0xa8: {  	v37 =	vand.u32 $0xF8, v37;
	v28 =	vadd.f32 v28, v25;
	v39 =	vmul.f32 v39, v41;
	v36 =	vld.idx.msk [tilespmem:v36+s26+$0x0], $0xffff  }
0xa9: {  	v25 =	vor.u32 $0x7, v7;
	v24 =	vadd.f32 v24, v29;
	v29 =	vadd.f32 v30, v54;
	v33 =	vld.idx.msk [tilespmem:v33+s26+$0x0], $0xffff  }
0xaa: {  	v28 =	vadd.f32 v28, v40;
	v30 =	vmul.f32 v20, v38;
	v11 =	vmul.f32 v35, v11  }
0xab: {  	v32 =	vmul.f32 v32, v22;
	v29 =	vadd.f32 v29, v39  }
0xac: {  	v28 =	vadd.f32 v28, v30;
	v11 =	vadd.f32 v24, v11;
	v24 =	vmul.f32 v20, v34  }
0xad: {  	v30 =	vor.u32 v6, v5;
	v29 =	vadd.f32 v29, v31;
	v17 =	vmul.f32 v20, v17  }
0xae: {  	v20 =	vadd.f32 v28, v32;
	v11 =	vadd.f32 v11, v24;
	v24 =	vmul.f32 v36, v22  }
0xaf: {  	v28 =	vadd.s32 v4, v6;
	v17 =	vadd.f32 v29, v17;
	v22 =	vmul.f32 v33, v22  }
0xb0: {  	v20 =	vmul.f32 v20, v2;
	v11 =	vadd.f32 v11, v24;
	v24 =	vadd.s32 v3, v6;
	v6 =	vmovc v37  }
0xb1: {  	v22 =	vadd.f32 v17, v22  }
0xb2: {  	v17 =	vor.u32 $0xE, v7;
	v11 =	vmul.f32 v11, v2;
	[tilespmem:v30+s28+$0x0] =	vst.idx.msk $0xffff, v20  }
0xb3: {  	v20 =	vmul.f32 v22, v2  }
0xb4: {  	[tilespmem:v28+s28+$0x0] =	vst.idx.msk $0xffff, v11  }
0xb5: {  	[tilespmem:v24+s28+$0x0] =	vst.idx.msk $0xffff, v20  }
.Ltmp1:
0xb6: {  	(pc) =	sbr.rel @p1 .LBB2_5-.Ltmp1, $4  }
0xb7: {  	v11 =	vld.idx.msk [tilespmem:v44+s19+$0x0], $0xffff  }
0xb8: {  	v24 =	vld.idx.msk [tilespmem:v43+s19+$0x0], $0xffff  }
0xb9: {  	v28 =	vld.idx.msk [tilespmem:v48+s26+$0x0], $0xffff  }
0xba: {  	v20 =	vld.idx.msk [tilespmem:v51+s26+$0x0], $0xffff  }
0xbb: {  	_ =	sdelay $0x3  }
0xbc: {  	v9 =	vld.idx.msk [tilespmem:v23+s26+$0x0], $0xffff  }
0xbd: {  	v22 =	vld.idx.msk [tilespmem:v27+s19+$0x0], $0xffff  }
0xbe: {  	v21 =	vld.idx.msk [tilespmem:v21+s26+$0x0], $0xffff  }
0xbf: {  	v18 =	vld.idx.msk [tilespmem:v18+s26+$0x0], $0xffff  }
0xc0: {  	v41 =	vld.idx.msk [tilespmem:v26+s26+$0x0], $0xffff  }
0xc1: {  	v42 =	vld.idx.msk [tilespmem:v7+s19+$0x0], $0xffff  }
0xc2: {  	v43 =	vld.idx.msk [tilespmem:v8+s26+$0x0], $0xffff  }
0xc3: {  	v19 =	vld.idx.msk [tilespmem:v19+s26+$0x0], $0xffff  }
0xc4: {  	v15 =	vld.idx.msk [tilespmem:v15+s19+$0x0], $0xffff  }
0xc5: {  	v16 =	vld.idx.msk [tilespmem:v16+s26+$0x0], $0xffff  }
0xc6: {  	v29 =	vor.u32 $0xD, v7;
	v14 =	vld.idx.msk [tilespmem:v14+s19+$0x0], $0xffff  }
0xc7: {  	v30 =	vor.u32 $0x7, v8;
	v12 =	vld.idx.msk [tilespmem:v12+s26+$0x0], $0xffff  }
0xc8: {  	v31 =	vor.u32 $0xD, v8;
	v33 =	vor.u32 $0x8, v7;
	v25 =	vld.idx.msk [tilespmem:v25+s19+$0x0], $0xffff;
	v32 =	vmul.f32 v18, v42  }
0xc9: {  	v34 =	vor.u32 $0xE, v8;
	v35 =	vor.u32 $0xA, v8;
	v44 =	vor.u32 $0xB, v7;
	v13 =	vld.idx.msk [tilespmem:v13+s19+$0x0], $0xffff  }
0xca: {  	v45 =	vor.u32 $0xB, v8;
	v10 =	vld.idx.msk [tilespmem:v10+s26+$0x0], $0xffff;
	v5 =	vor.u32 v6, v5;
	v27 =	vsub.f32 v32, v43  }
0xcb: {  	v29 =	vld.idx.msk [tilespmem:v29+s19+$0x0], $0xffff;
	v46 =	vmul.f32 v18, v22;
	v18 =	vmul.f32 v18, v11;
	v23 =	vsub.f32 $0.0e+00, v41  }
0xcc: {  	v30 =	vld.idx.msk [tilespmem:v30+s26+$0x0], $0xffff;
	v16 =	vsub.f32 $0.0e+00, v16;
	v28 =	vmul.f32 v28, v42;
	v15 =	vmul.f32 v27, v15  }
0xcd: {  	v12 =	vsub.f32 $0.0e+00, v12;
	v47 =	vld.idx.msk [tilespmem:v33+s19+$0x0], $0xffff;
	v9 =	vmul.f32 v9, v42;
	v24 =	vmul.f32 v27, v24  }
0xce: {  	v48 =	vld.idx.msk [tilespmem:v35+s26+$0x0], $0xffff;
	v18 =	vsub.f32 v18, v19;
	v14 =	vmul.f32 v27, v14;
	v15 =	vadd.f32 v15, v23  }
0xcf: {  	v31 =	vld.idx.msk [tilespmem:v31+s26+$0x0], $0xffff;
	v21 =	vmul.f32 v21, v42;
	v52 =	vsub.f32 v46, v20;
	v12 =	vadd.f32 v24, v12  }
0xd0: {  	v7 =	vld.idx.msk [tilespmem:v44+s19+$0x0], $0xffff;
	v49 =	vmul.f32 v18, v25;
	v51 =	vadd.f32 v14, v16;
	v15 =	vadd.f32 v15, v28  }
0xd1: {  	v17 =	vld.idx.msk [tilespmem:v17+s19+$0x0], $0xffff;
	v50 =	vmul.f32 v18, v13;
	v53 =	vmul.f32 v30, v11;
	v9 =	vadd.f32 v12, v9  }
0xd2: {  	v8 =	vld.idx.msk [tilespmem:v45+s26+$0x0], $0xffff;
	v18 =	vmul.f32 v18, v29;
	v54 =	vadd.f32 v51, v21;
	v15 =	vadd.f32 v15, v49  }
0xd3: {  	v55 =	vld.idx.msk [tilespmem:v34+s26+$0x0], $0xffff;
	v56 =	vmul.f32 v52, v47;
	v57 =	vmul.f32 v48, v11;
	v9 =	vadd.f32 v9, v50  }
0xd4: {  	v58 =	vmul.f32 v31, v11;
	v12 =	vadd.f32 v54, v18;
	v15 =	vadd.f32 v15, v53  }
0xd5: {  	v10 =	vmul.f32 v10, v22;
	v7 =	vmul.f32 v52, v7;
	v9 =	vadd.f32 v9, v57  }
0xd6: {  	v59 =	vmul.f32 v52, v17;
	v11 =	vadd.f32 v12, v58;
	v15 =	vadd.f32 v15, v56  }
0xd7: {  	v4 =	vadd.s32 v4, v6;
	v8 =	vmul.f32 v8, v22;
	v7 =	vadd.f32 v9, v7  }
0xd8: {  	v61 =	vmul.f32 v55, v22;
	v60 =	vadd.f32 v11, v59;
	v10 =	vadd.f32 v15, v10  }
0xd9: {  	v3 =	vadd.s32 v3, v6;
	v7 =	vadd.f32 v7, v8  }
0xda: {  	s11 =	smul.u32 $0x1400, s21;
	p1 =	sne.s32 s10, s9;
	v63 =	vadd.f32 v60, v61;
	v62 =	vmul.f32 v10, v2  }
.Ltmp2:
0xdb: {  	v7 =	vmul.f32 v7, v2;
	(pc) =	sbr.rel @p1 .LBB2_2-.Ltmp2, $4  }
0xdc: {  	s4 =	smul.u32 $0x14, s4;
	v2 =	vmul.f32 v63, v2;
	[tilespmem:v5+s28+$0x0] =	vst.idx.msk $0xffff, v62  }
0xdd: {  	s0 =	sadd.s32 $0xA00, s0;
	s11 =	sshrl.u32 s11, $0x2;
	[tilespmem:v4+s28+$0x0] =	vst.idx.msk $0xffff, v7  }
0xde: {  	p0 =	por !p0, !p0;
	s4 =	sadd.s32 s8, s4;
	s11 =	sadd.s32 $0x1A400, s11;
	[tilespmem:v3+s28+$0x0] =	vst.idx.msk $0xffff, v2  }
0xdf: {  	[hbm4b:s4+s29] =	stream.strided.scatter [tilespmem:s11], [sflag:$0x3], $0x1E0, s30, s29, $0x38;
	[tilespmem:$0x1AE10] =	vst v63  }
0xe0: {  	s2 =	sadd.s32 $0x1, s2  }
0xe1: {  	_ =	swait.ge [sflag:s31], $0x1E0;
	p0 =	sne.s32 s2, s16  }
.Ltmp3:
0xe2: {  	[sflag:s31] =	ssyncset.done $0x0;
	(pc) =	sbr.rel @p0 .LBB2_1-.Ltmp3, $4  }
0xe3: {  	[sflag:s31] =	ssyncadd.s32 $0xFFFFFE20  }
0xe4: {  	_ =	swait.ge [sflag:s31], $0x1E0  }
0xe5: {  	[sflag:s31] =	ssyncset.done $0x0  }
0xe6: {  	[sflag:s31] =	ssyncadd.s32 $0xFFFFFE20  }
0xe7: {  	_ =	sfence.sel $0x180000  }
0xe8: {  	[bflag:$0x0] =	sbarrier.arrive $0xFFFF  }
0xe9: {  	_ =	strace $0x9000004A  }
0xea: {  	s0 =	stileid.u32;
	[bflag:$0x2] =	sbarrier.arrive $0xFFFF  }
0xeb: {  	p0 =	sne.s32 s0, $0x0;
	s0 =	rddreg [dreg:$0x4]  }
0xec: {  	s0 =	sadd.s32 @!p0 $0x100000, s0  }
0xed: {  	[sflag:s0] =	ssyncadd.tile.s32 @!p0 $0x1;
	_ =	shalt  }
.Lfunc_end2:
_tile_overlayer_lowered:
.L_overlay_start_2:
0xee: {  	(tag) =	ssettag $0x2  }
0xef: {  	s0 =	rddreg [dreg:$0x0];
	s2 =	stileid.u32  }
0xf0: {  	s1 =	rddreg [dreg:$0x1];
	p0 =	sne.s32 s2, $0x0  }
0xf1: {  	s3 =	rddreg [dreg:$0x2];
	[bflag:$0x3] =	sbarrier.arrive $0xFFFF;
	s2 =	simm.s32 @!p0 $0x1C04  }
0xf2: {  	[timem:s3], [sflag:s2] =	dma.local @!p0 [hbm:s0], s1  }
0xf3: {  	s0 =	simm.s32 @!p0 $0x4  }
0xf4: {  	_ =	swait.ge @!p0 [sflag:s0], s1  }
0xf5: {  	s1 =	ssub.s32 @!p0 $0x0, s1;
	[sflag:s0] =	ssyncset.done @!p0 $0x0  }
0xf6: {  	[sflag:s0] =	ssyncadd.s32 @!p0 s1  }
0xf7: {  	[bflag:$0x3] =	sbarrier.arrive $0xFFFF  }
0xf8: {  	_ =	shalt  }

</sc_bundles>
